<compile_context>
chip_gen: v7x
topology: tpu7x:2x2x1
jax: 0.10.2.dev20260603
libtpu: 0.0.44.dev20260713+nightly
codegen_flags: <defaults>
</compile_context>

<pallas_src>
import functools

import jax
import jax.numpy as jnp
from jax import lax
from jax.experimental import pallas as pl
from jax.experimental.pallas import tpu as pltpu
from jax.experimental.pallas import tpu_sc as plsc

_ALPHA = 0.6
_BETA = 0.25
_GAMMA = 0.15
_TOPK = 10

_ROWS = 4096
_COLS = 2048
_LANES = 16
_NC = 2
_NS = 16
_NW = _NC * _NS
_ROWS_PER_W = _ROWS // _NW
_ROWS_PER_BLK = 16
_NBLK = _ROWS_PER_W // _ROWS_PER_BLK
_CHUNKS = _COLS // _LANES
_RI = 16
_OCOLS = _ROWS_PER_BLK * _LANES

_BLOCK_ROWS = 512
_GRID = _ROWS // _BLOCK_ROWS
_SIG_CHUNKS = 32
_CBLK = 512
_CGRID = _COLS // _CBLK


def _sigmoid16(x):
    return 1.0 / (1.0 + jnp.exp(-x))


def _sc_body(cs_hbm, tk_out, sig_out, buf, sem0, sem1):
    wid = lax.axis_index("s") * _NC + lax.axis_index("c")
    row0 = wid * _ROWS_PER_W

    sems = (sem0, sem1)
    neg_inf = jnp.full((_LANES,), -jnp.inf, dtype=jnp.float32)
    sig_acc = jnp.zeros((_LANES,), dtype=jnp.float32)
    tk_acc = jnp.zeros((_LANES,), dtype=jnp.float32)
    topmask = lax.iota(jnp.int32, _LANES) >= (_LANES - _TOPK)

    pltpu.async_copy(
        cs_hbm.at[pl.ds(row0, _ROWS_PER_BLK)], buf.at[0], sems[0])

    def blk_pair(g, carry):
        sig_acc_c, tk_acc_c = carry
        for b in range(2):
            blk = g * 2 + b
            pltpu.make_async_copy(
                cs_hbm.at[pl.ds(row0, _ROWS_PER_BLK)], buf.at[b],
                sems[b]).wait()

            @pl.when(blk + 1 < _NBLK)
            def _next():
                pltpu.async_copy(
                    cs_hbm.at[pl.ds(row0 + (blk + 1) * _ROWS_PER_BLK,
                                    _ROWS_PER_BLK)],
                    buf.at[1 - b], sems[1 - b])

            def chunk_step_sig(c, carry):
                ts = carry[:_RI]
                sacc = carry[_RI]
                new_ts = []
                for r in range(_RI):
                    v = buf[b, r, pl.ds(c * _LANES, _LANES)]
                    sacc = sacc + _sigmoid16(v)
                    vd, _ = plsc.sort_key_val(v, v, descending=True)
                    tb = jnp.maximum(ts[r], vd)
                    ta, _ = plsc.sort_key_val(tb, tb, descending=False)
                    new_ts.append(ta)
                return tuple(new_ts) + (sacc,)

            def chunk_step(c, ts):
                new_ts = []
                for r in range(_RI):
                    v = buf[b, r, pl.ds(c * _LANES, _LANES)]
                    vd, _ = plsc.sort_key_val(v, v, descending=True)
                    tb = jnp.maximum(ts[r], vd)
                    ta, _ = plsc.sort_key_val(tb, tb, descending=False)
                    new_ts.append(ta)
                return tuple(new_ts)

            mid = lax.fori_loop(
                0, _SIG_CHUNKS, chunk_step_sig,
                tuple(neg_inf for _ in range(_RI)) + (sig_acc_c,))
            sig_acc_c = mid[_RI]
            out = lax.fori_loop(_SIG_CHUNKS, _CHUNKS, chunk_step, mid[:_RI])
            for r in range(_RI):
                probs = _sigmoid16(out[r])
                tk_acc_c = tk_acc_c + jnp.where(topmask, probs, 0.0)
        return (sig_acc_c, tk_acc_c)

    sig_acc, tk_acc = lax.fori_loop(
        0, _NBLK // 2, blk_pair, (sig_acc, tk_acc))

    buf[0, 0, pl.ds(0, _LANES)] = tk_acc
    buf[0, 0, pl.ds(_LANES, _LANES)] = sig_acc
    pltpu.sync_copy(buf.at[0, 0, pl.ds(0, _LANES)], tk_out.at[wid])
    pltpu.sync_copy(buf.at[0, 0, pl.ds(_LANES, _LANES)], sig_out.at[wid])


@functools.cache
def _sc_topk():
    return pl.kernel(
        _sc_body,
        out_type=[
            jax.ShapeDtypeStruct((_NW, _LANES), jnp.float32),
            jax.ShapeDtypeStruct((_NW, _LANES), jnp.float32),
        ],
        mesh=plsc.VectorSubcoreMesh(
            core_axis_name="c", subcore_axis_name="s",
            num_cores=_NC, num_subcores=_NS),
        scratch_types=[
            pltpu.VMEM((2, _ROWS_PER_BLK, _COLS), jnp.float32),
            pltpu.SemaphoreType.DMA,
            pltpu.SemaphoreType.DMA,
        ],
        compiler_params=pltpu.CompilerParams(
            needs_layout_passes=False, use_tc_tiling_on_sc=True),
    )


def _tc_dense_body(dl_ref, lb_ref, cs_a_ref, cs_b_ref, bce_ref, sig_ref):
    @pl.when(pl.program_id(0) == 0)
    def _init():
        bce_ref[0, 0] = 0.0
        sig_ref[0, 0] = 0.0

    x = dl_ref[...]
    y = lb_ref[...]
    per_elem = (jnp.maximum(x, 0.0) - x * y
                + jnp.log1p(jnp.exp(-jnp.abs(x))))
    bce_ref[0, 0] += jnp.sum(per_elem)
    sig_ref[0, 0] += (jnp.sum(jax.nn.sigmoid(cs_a_ref[...]))
                      + jnp.sum(jax.nn.sigmoid(cs_b_ref[...])))


def _tc_combine_body(tk_ref, sc_sig_ref, bce_ref, sig_ref, out_ref):
    tk_sum = jnp.sum(tk_ref[...])
    loss_dx = bce_ref[0, 0] / jnp.float32(_ROWS * 1000)
    loss_sparse = ((sig_ref[0, 0] + jnp.sum(sc_sig_ref[...]))
                   / jnp.float32(_ROWS * _COLS))
    tk_avg = tk_sum / jnp.float32(_ROWS * _TOPK)
    out_ref[0] = (_ALPHA * loss_dx + _BETA * loss_sparse
                  - _GAMMA * tk_avg)
    out_ref[1] = loss_dx
    out_ref[2] = loss_sparse
    out_ref[3] = -tk_avg
    out_ref[4] = tk_avg


def kernel(diagnosis_logits, labels, concept_scores):
    tk_sums, sc_sig = _sc_topk()(concept_scores)

    dl_t = diagnosis_logits.T
    lb_t = labels.T
    n_lbl = diagnosis_logits.shape[1]

    bce_sum, sig_sum = pl.pallas_call(
        _tc_dense_body,
        grid=(_GRID,),
        in_specs=[
            pl.BlockSpec((n_lbl, _BLOCK_ROWS), lambda i: (0, i)),
            pl.BlockSpec((n_lbl, _BLOCK_ROWS), lambda i: (0, i)),
            pl.BlockSpec((_BLOCK_ROWS, _CBLK), lambda i: (i, 1)),
            pl.BlockSpec((_BLOCK_ROWS, 2 * _CBLK), lambda i: (i, 1)),
        ],
        out_specs=[
            pl.BlockSpec(memory_space=pltpu.SMEM),
            pl.BlockSpec(memory_space=pltpu.SMEM),
        ],
        out_shape=[
            jax.ShapeDtypeStruct((1, 1), jnp.float32),
            jax.ShapeDtypeStruct((1, 1), jnp.float32),
        ],
    )(dl_t, lb_t, concept_scores, concept_scores)

    out = pl.pallas_call(
        _tc_combine_body,
        in_specs=[
            pl.BlockSpec(memory_space=pltpu.VMEM),
            pl.BlockSpec(memory_space=pltpu.VMEM),
            pl.BlockSpec(memory_space=pltpu.SMEM),
            pl.BlockSpec(memory_space=pltpu.SMEM),
        ],
        out_specs=pl.BlockSpec(memory_space=pltpu.SMEM),
        out_shape=jax.ShapeDtypeStruct((5,), jnp.float32),
    )(tk_sums, sc_sig, bce_sum, sig_sum)

    return (out[0], out[1], out[2], out[3], out[4])

# --- scband reference (transcript-rebuilt; emitter-appended) ---
"""Pipeline reference for scband-phase2-loss-45337674776696 (READ-ONLY COPY).

The authoritative reference and input builder live on the scoring server;
editing this copy changes nothing except your own understanding.
"""

import jax, jax.numpy as jnp
import numpy as np

ALPHA = 0.6
BETA = 0.25
GAMMA = 0.15
TOPK = 10


def setup_inputs(seed: int = 0) -> dict:
    key = jax.random.key(seed)
    k1, k2, k3 = jax.random.split(key, 3)
    diagnosis_logits = jax.random.normal(k1, (4096, 1000), dtype=jnp.float32)
    labels = jax.random.uniform(k2, (4096, 1000), dtype=jnp.float32)
    concept_scores = jax.random.normal(k3, (4096, 2048), dtype=jnp.float32)
    return {"diagnosis_logits": diagnosis_logits, "labels": labels, "concept_scores": concept_scores}


def _bce_with_logits_mean(x, y):
    # numerically stable BCE-with-logits, mean reduction (matches torch.nn.BCEWithLogitsLoss)
    per_elem = jnp.maximum(x, 0.0) - x * y + jnp.log1p(jnp.exp(-jnp.abs(x)))
    return jnp.mean(per_elem)


def reference(diagnosis_logits, labels, concept_scores):
    loss_dx = _bce_with_logits_mean(diagnosis_logits, labels)
    concept_probs = jax.nn.sigmoid(concept_scores)
    loss_concept_sparse = jnp.mean(concept_probs)
    top_k_probs, _ = jax.lax.top_k(concept_probs, TOPK)  # over last dim (dim=1)
    loss_concept_confidence = -jnp.mean(top_k_probs)
    total_loss = ALPHA * loss_dx + BETA * loss_concept_sparse + GAMMA * loss_concept_confidence
    top_k_avg = jnp.mean(top_k_probs)
    return (total_loss, loss_dx, loss_concept_sparse, loss_concept_confidence, top_k_avg)

if __name__ == "__main__":
    import jax
    _d = setup_inputs()
    print(jax.jit(kernel)(*tuple(_d.values())))

</pallas_src>

<mosaic_0001>
#map = affine_map<(d0, d1) -> (0, 0)>
module attributes {stable_mosaic.version = 14 : i64} {
  func.func @_sc_body(%arg0: i32, %arg1: i32, %arg2: memref<4096x2048xf32, #tpu.memory_space<hbm>>, %arg3: memref<32x16xf32, #tpu.memory_space<hbm>>, %arg4: memref<32x16xf32, #tpu.memory_space<hbm>>, %arg5: memref<2x16x2048xf32, #tpu.memory_space<vmem>>, %arg6: memref<!tpu.dma_semaphore, #tpu.memory_space<semaphore_mem>>, %arg7: memref<!tpu.dma_semaphore, #tpu.memory_space<semaphore_mem>>) attributes {dimension_semantics = [#tpu.dimension_semantics<core_parallel>, #tpu.dimension_semantics<subcore_parallel>], iteration_bounds = array<i64: 2, 16>, scalar_prefetch = 0 : i64, scratch_operands = 3 : i64, tpu.core_type = #tpu.core_type<sc_vector_subcore>, window_params = [{transform_indices = #map}, {transform_indices = #map}, {transform_indices = #map}]} {
    %mul3A = arith.constant 2 : i32
    %mul3A_0 = arith.muli %arg1, %mul3A : i32
    %add3A = arith.addi %mul3A_0, %arg0 : i32
    %mul3A_1 = arith.constant 128 : i32
    %mul3A_2 = arith.muli %add3A, %mul3A_1 : i32
    %broadcast_in_dim3A = arith.constant 0xFF800000 : f32
    %broadcast_in_dim3A_3 = vector.broadcast %broadcast_in_dim3A : f32 to vector<16xf32>
    %broadcast_in_dim3A_4 = arith.constant 0.000000e+00 : f32
    %broadcast_in_dim3A_5 = vector.broadcast %broadcast_in_dim3A_4 : f32 to vector<16xf32>
    %broadcast_in_dim3A_6 = arith.constant 0.000000e+00 : f32
    %broadcast_in_dim3A_7 = vector.broadcast %broadcast_in_dim3A_6 : f32 to vector<16xf32>
    %iota3A = tpu.iota {dimensions = array<i32: 0>} : vector<16xi32>
    %ge3A = arith.constant 6 : i32
    %ge3A_8 = vector.broadcast %ge3A : i32 to vector<16xi32>
    %ge3A_9 = arith.cmpi sge, %iota3A, %ge3A_8 : vector<16xi32>
    %dma_start3A = arith.constant 0 : i32
    %dma_start3A_10 = arith.constant 0 : i32
    %dma_start3A_11 = arith.constant 0 : i32
    %dma_start3A_12 = tpu.memref_slice %arg5[%dma_start3A, %dma_start3A_10, %dma_start3A_11] : memref<2x16x2048xf32, #tpu.memory_space<vmem>> -> memref<1x16x2048xf32, #tpu.memory_space<vmem>>
    %dma_start3A_13 = tpu.memref_squeeze %dma_start3A_12 : memref<1x16x2048xf32, #tpu.memory_space<vmem>> -> memref<16x2048xf32, #tpu.memory_space<vmem>>
    %dma_start3A_14 = arith.constant 0 : i32
    %dma_start3A_15 = tpu.memref_slice %arg2[%mul3A_2, %dma_start3A_14] : memref<4096x2048xf32, #tpu.memory_space<hbm>> -> memref<16x2048xf32, #tpu.memory_space<hbm>>
    %dma_start3A_16 = arith.constant 0 : i32
    %dma_start3A_17 = arith.constant 0 : i32
    %dma_start3A_18 = tpu.memref_slice %arg5[%dma_start3A, %dma_start3A_16, %dma_start3A_17] : memref<2x16x2048xf32, #tpu.memory_space<vmem>> -> memref<1x16x2048xf32, #tpu.memory_space<vmem>>
    %dma_start3A_19 = tpu.memref_squeeze %dma_start3A_18 : memref<1x16x2048xf32, #tpu.memory_space<vmem>> -> memref<16x2048xf32, #tpu.memory_space<vmem>>
    %dma_start3A_20 = arith.constant 0 : i32
    %dma_start3A_21 = tpu.memref_slice %arg2[%mul3A_2, %dma_start3A_20] : memref<4096x2048xf32, #tpu.memory_space<hbm>> -> memref<16x2048xf32, #tpu.memory_space<hbm>>
    tpu.enqueue_dma source(%dma_start3A_21 : memref<16x2048xf32, #tpu.memory_space<hbm>>) target(%dma_start3A_19 : memref<16x2048xf32, #tpu.memory_space<vmem>>) target_semaphore(%arg6 : memref<!tpu.dma_semaphore, #tpu.memory_space<semaphore_mem>>)
    %scan3A = arith.constant 0 : i32
    %scan3A_22 = arith.constant 4 : i32
    %scan3A_23 = arith.addi %scan3A, %scan3A_22 : i32
    %scan3A_24 = arith.constant 1 : i32
    %scan3A_25:2 = scf.for %scan3A_41 = %scan3A to %scan3A_23 step %scan3A_24 iter_args(%scan3A_42 = %broadcast_in_dim3A_5, %scan3A_43 = %broadcast_in_dim3A_7) -> (vector<16xf32>, vector<16xf32>)  : i32 {
      %mul3A_44 = arith.constant 2 : i32
      %mul3A_45 = arith.muli %scan3A_41, %mul3A_44 : i32
      %add3A_46 = arith.constant 0 : i32
      %add3A_47 = arith.addi %mul3A_45, %add3A_46 : i32
      %dma_wait3A = arith.constant 0 : i32
      %dma_wait3A_48 = arith.constant 0 : i32
      %dma_wait3A_49 = arith.constant 0 : i32
      %dma_wait3A_50 = tpu.memref_slice %arg5[%dma_wait3A, %dma_wait3A_48, %dma_wait3A_49] : memref<2x16x2048xf32, #tpu.memory_space<vmem>> -> memref<1x16x2048xf32, #tpu.memory_space<vmem>>
      %dma_wait3A_51 = tpu.memref_squeeze %dma_wait3A_50 : memref<1x16x2048xf32, #tpu.memory_space<vmem>> -> memref<16x2048xf32, #tpu.memory_space<vmem>>
      %dma_wait3A_52 = arith.constant 0 : i32
      %dma_wait3A_53 = tpu.memref_slice %arg2[%mul3A_2, %dma_wait3A_52] : memref<4096x2048xf32, #tpu.memory_space<hbm>> -> memref<16x2048xf32, #tpu.memory_space<hbm>>
      %dma_wait3A_54 = arith.constant 0 : i32
      %dma_wait3A_55 = arith.constant 0 : i32
      %dma_wait3A_56 = tpu.memref_slice %arg5[%dma_wait3A, %dma_wait3A_54, %dma_wait3A_55] : memref<2x16x2048xf32, #tpu.memory_space<vmem>> -> memref<1x16x2048xf32, #tpu.memory_space<vmem>>
      %dma_wait3A_57 = tpu.memref_squeeze %dma_wait3A_56 : memref<1x16x2048xf32, #tpu.memory_space<vmem>> -> memref<16x2048xf32, #tpu.memory_space<vmem>>
      %dma_wait3A_58 = arith.constant 0 : i32
      %dma_wait3A_59 = tpu.memref_slice %arg2[%mul3A_2, %dma_wait3A_58] : memref<4096x2048xf32, #tpu.memory_space<hbm>> -> memref<16x2048xf32, #tpu.memory_space<hbm>>
      tpu.wait_dma2 semaphore(%arg6 : memref<!tpu.dma_semaphore, #tpu.memory_space<semaphore_mem>>) src(%dma_wait3A_59 : memref<16x2048xf32, #tpu.memory_space<hbm>>) dst(%dma_wait3A_57 : memref<16x2048xf32, #tpu.memory_space<vmem>>)
      %add3A_60 = arith.constant 1 : i32
      %add3A_61 = arith.addi %add3A_47, %add3A_60 : i32
      %lt3A = arith.constant 8 : i32
      %lt3A_62 = arith.cmpi slt, %add3A_61, %lt3A : i32
      %convert_element_type3A = arith.extui %lt3A_62 : i1 to i32
      %cond3A = arith.constant 0 : i32
      %cond3A_63 = arith.cmpi ne, %convert_element_type3A, %cond3A : i32
      scf.if %cond3A_63 {
        %add3A_555 = arith.constant 1 : i32
        %add3A_556 = arith.addi %add3A_47, %add3A_555 : i32
        %mul3A_557 = arith.constant 16 : i32
        %mul3A_558 = arith.muli %add3A_556, %mul3A_557 : i32
        %add3A_559 = arith.addi %mul3A_2, %mul3A_558 : i32
        %dma_start3A_560 = arith.constant 1 : i32
        %dma_start3A_561 = arith.constant 0 : i32
        %dma_start3A_562 = arith.constant 0 : i32
        %dma_start3A_563 = tpu.memref_slice %arg5[%dma_start3A_560, %dma_start3A_561, %dma_start3A_562] : memref<2x16x2048xf32, #tpu.memory_space<vmem>> -> memref<1x16x2048xf32, #tpu.memory_space<vmem>>
        %dma_start3A_564 = tpu.memref_squeeze %dma_start3A_563 : memref<1x16x2048xf32, #tpu.memory_space<vmem>> -> memref<16x2048xf32, #tpu.memory_space<vmem>>
        %dma_start3A_565 = arith.constant 0 : i32
        %dma_start3A_566 = tpu.memref_slice %arg2[%add3A_559, %dma_start3A_565] : memref<4096x2048xf32, #tpu.memory_space<hbm>> -> memref<16x2048xf32, #tpu.memory_space<hbm>>
        %dma_start3A_567 = arith.constant 0 : i32
        %dma_start3A_568 = arith.constant 0 : i32
        %dma_start3A_569 = tpu.memref_slice %arg5[%dma_start3A_560, %dma_start3A_567, %dma_start3A_568] : memref<2x16x2048xf32, #tpu.memory_space<vmem>> -> memref<1x16x2048xf32, #tpu.memory_space<vmem>>
        %dma_start3A_570 = tpu.memref_squeeze %dma_start3A_569 : memref<1x16x2048xf32, #tpu.memory_space<vmem>> -> memref<16x2048xf32, #tpu.memory_space<vmem>>
        %dma_start3A_571 = arith.constant 0 : i32
        %dma_start3A_572 = tpu.memref_slice %arg2[%add3A_559, %dma_start3A_571] : memref<4096x2048xf32, #tpu.memory_space<hbm>> -> memref<16x2048xf32, #tpu.memory_space<hbm>>
        tpu.enqueue_dma source(%dma_start3A_572 : memref<16x2048xf32, #tpu.memory_space<hbm>>) target(%dma_start3A_570 : memref<16x2048xf32, #tpu.memory_space<vmem>>) target_semaphore(%arg7 : memref<!tpu.dma_semaphore, #tpu.memory_space<semaphore_mem>>)
      } else {
      }
      %scan3A_64 = arith.constant 0 : i32
      %scan3A_65 = arith.constant 32 : i32
      %scan3A_66 = arith.addi %scan3A_64, %scan3A_65 : i32
      %scan3A_67 = arith.constant 1 : i32
      %scan3A_68:17 = scf.for %scan3A_555 = %scan3A_64 to %scan3A_66 step %scan3A_67 iter_args(%scan3A_556 = %broadcast_in_dim3A_3, %scan3A_557 = %broadcast_in_dim3A_3, %scan3A_558 = %broadcast_in_dim3A_3, %scan3A_559 = %broadcast_in_dim3A_3, %scan3A_560 = %broadcast_in_dim3A_3, %scan3A_561 = %broadcast_in_dim3A_3, %scan3A_562 = %broadcast_in_dim3A_3, %scan3A_563 = %broadcast_in_dim3A_3, %scan3A_564 = %broadcast_in_dim3A_3, %scan3A_565 = %broadcast_in_dim3A_3, %scan3A_566 = %broadcast_in_dim3A_3, %scan3A_567 = %broadcast_in_dim3A_3, %scan3A_568 = %broadcast_in_dim3A_3, %scan3A_569 = %broadcast_in_dim3A_3, %scan3A_570 = %broadcast_in_dim3A_3, %scan3A_571 = %broadcast_in_dim3A_3, %scan3A_572 = %scan3A_42) -> (vector<16xf32>, vector<16xf32>, vector<16xf32>, vector<16xf32>, vector<16xf32>, vector<16xf32>, vector<16xf32>, vector<16xf32>, vector<16xf32>, vector<16xf32>, vector<16xf32>, vector<16xf32>, vector<16xf32>, vector<16xf32>, vector<16xf32>, vector<16xf32>, vector<16xf32>)  : i32 {
        %mul3A_573 = arith.constant 16 : i32
        %mul3A_574 = arith.muli %scan3A_555, %mul3A_573 : i32
        %get3A = arith.constant 0 : i32
        %get3A_575 = arith.constant 0 : i32
        %get3A_576 = arith.index_cast %get3A : i32 to index
        %get3A_577 = arith.index_cast %get3A_575 : i32 to index
        %get3A_578 = arith.index_cast %mul3A_574 : i32 to index
        %get3A_579 = tpu.vector_load %arg5[%get3A_576, %get3A_577, %get3A_578] {strides = array<i32>} : memref<2x16x2048xf32, #tpu.memory_space<vmem>>, vector<16xf32>,
        %neg3A_580 = arith.constant 0.000000e+00 : f32
        %neg3A_581 = vector.broadcast %neg3A_580 : f32 to vector<16xf32>
        %neg3A_582 = arith.subf %neg3A_581, %get3A_579 : vector<16xf32>
        %exp3A_583 = math.exp %neg3A_582 : vector<16xf32>
        %add3A_584 = arith.constant 1.000000e+00 : f32
        %add3A_585 = vector.broadcast %add3A_584 : f32 to vector<16xf32>
        %add3A_586 = arith.addf %add3A_585, %exp3A_583 : vector<16xf32>
        %div3A_587 = arith.constant 1.000000e+00 : f32
        %div3A_588 = vector.broadcast %div3A_587 : f32 to vector<16xf32>
        %div3A_589 = arith.divf %div3A_588, %add3A_586 : vector<16xf32>
        %add3A_590 = arith.addf %scan3A_572, %div3A_589 : vector<16xf32>
        %masked_sort3A = arith.constant dense<true> : vector<16xi1>
        %masked_sort3A_591, %masked_sort3A_592, %masked_sort3A_593 = tpu.sort %get3A_579, %get3A_579 masked %masked_sort3A {descending = true} : (vector<16xf32>, vector<16xf32>, vector<16xi1>) -> (vector<16xi1>, vector<16xf32>, vector<16xf32>)
        %max3A = arith.maximumf %scan3A_556, %masked_sort3A_592 : vector<16xf32>
        %masked_sort3A_594 = arith.constant dense<true> : vector<16xi1>
        %masked_sort3A_595, %masked_sort3A_596, %masked_sort3A_597 = tpu.sort %max3A, %max3A masked %masked_sort3A_594 : (vector<16xf32>, vector<16xf32>, vector<16xi1>) -> (vector<16xi1>, vector<16xf32>, vector<16xf32>)
        %mul3A_598 = arith.constant 16 : i32
        %mul3A_599 = arith.muli %scan3A_555, %mul3A_598 : i32
        %get3A_600 = arith.constant 0 : i32
        %get3A_601 = arith.constant 1 : i32
        %get3A_602 = arith.index_cast %get3A_600 : i32 to index
        %get3A_603 = arith.index_cast %get3A_601 : i32 to index
        %get3A_604 = arith.index_cast %mul3A_599 : i32 to index
        %get3A_605 = tpu.vector_load %arg5[%get3A_602, %get3A_603, %get3A_604] {strides = array<i32>} : memref<2x16x2048xf32, #tpu.memory_space<vmem>>, vector<16xf32>,
        %neg3A_606 = arith.constant 0.000000e+00 : f32
        %neg3A_607 = vector.broadcast %neg3A_606 : f32 to vector<16xf32>
        %neg3A_608 = arith.subf %neg3A_607, %get3A_605 : vector<16xf32>
        %exp3A_609 = math.exp %neg3A_608 : vector<16xf32>
        %add3A_610 = arith.constant 1.000000e+00 : f32
        %add3A_611 = vector.broadcast %add3A_610 : f32 to vector<16xf32>
        %add3A_612 = arith.addf %add3A_611, %exp3A_609 : vector<16xf32>
        %div3A_613 = arith.constant 1.000000e+00 : f32
        %div3A_614 = vector.broadcast %div3A_613 : f32 to vector<16xf32>
        %div3A_615 = arith.divf %div3A_614, %add3A_612 : vector<16xf32>
        %add3A_616 = arith.addf %add3A_590, %div3A_615 : vector<16xf32>
        %masked_sort3A_617 = arith.constant dense<true> : vector<16xi1>
        %masked_sort3A_618, %masked_sort3A_619, %masked_sort3A_620 = tpu.sort %get3A_605, %get3A_605 masked %masked_sort3A_617 {descending = true} : (vector<16xf32>, vector<16xf32>, vector<16xi1>) -> (vector<16xi1>, vector<16xf32>, vector<16xf32>)
        %max3A_621 = arith.maximumf %scan3A_557, %masked_sort3A_619 : vector<16xf32>
        %masked_sort3A_622 = arith.constant dense<true> : vector<16xi1>
        %masked_sort3A_623, %masked_sort3A_624, %masked_sort3A_625 = tpu.sort %max3A_621, %max3A_621 masked %masked_sort3A_622 : (vector<16xf32>, vector<16xf32>, vector<16xi1>) -> (vector<16xi1>, vector<16xf32>, vector<16xf32>)
        %mul3A_626 = arith.constant 16 : i32
        %mul3A_627 = arith.muli %scan3A_555, %mul3A_626 : i32
        %get3A_628 = arith.constant 0 : i32
        %get3A_629 = arith.constant 2 : i32
        %get3A_630 = arith.index_cast %get3A_628 : i32 to index
        %get3A_631 = arith.index_cast %get3A_629 : i32 to index
        %get3A_632 = arith.index_cast %mul3A_627 : i32 to index
        %get3A_633 = tpu.vector_load %arg5[%get3A_630, %get3A_631, %get3A_632] {strides = array<i32>} : memref<2x16x2048xf32, #tpu.memory_space<vmem>>, vector<16xf32>,
        %neg3A_634 = arith.constant 0.000000e+00 : f32
        %neg3A_635 = vector.broadcast %neg3A_634 : f32 to vector<16xf32>
        %neg3A_636 = arith.subf %neg3A_635, %get3A_633 : vector<16xf32>
        %exp3A_637 = math.exp %neg3A_636 : vector<16xf32>
        %add3A_638 = arith.constant 1.000000e+00 : f32
        %add3A_639 = vector.broadcast %add3A_638 : f32 to vector<16xf32>
        %add3A_640 = arith.addf %add3A_639, %exp3A_637 : vector<16xf32>
        %div3A_641 = arith.constant 1.000000e+00 : f32
        %div3A_642 = vector.broadcast %div3A_641 : f32 to vector<16xf32>
        %div3A_643 = arith.divf %div3A_642, %add3A_640 : vector<16xf32>
        %add3A_644 = arith.addf %add3A_616, %div3A_643 : vector<16xf32>
        %masked_sort3A_645 = arith.constant dense<true> : vector<16xi1>
        %masked_sort3A_646, %masked_sort3A_647, %masked_sort3A_648 = tpu.sort %get3A_633, %get3A_633 masked %masked_sort3A_645 {descending = true} : (vector<16xf32>, vector<16xf32>, vector<16xi1>) -> (vector<16xi1>, vector<16xf32>, vector<16xf32>)
        %max3A_649 = arith.maximumf %scan3A_558, %masked_sort3A_647 : vector<16xf32>
        %masked_sort3A_650 = arith.constant dense<true> : vector<16xi1>
        %masked_sort3A_651, %masked_sort3A_652, %masked_sort3A_653 = tpu.sort %max3A_649, %max3A_649 masked %masked_sort3A_650 : (vector<16xf32>, vector<16xf32>, vector<16xi1>) -> (vector<16xi1>, vector<16xf32>, vector<16xf32>)
        %mul3A_654 = arith.constant 16 : i32
        %mul3A_655 = arith.muli %scan3A_555, %mul3A_654 : i32
        %get3A_656 = arith.constant 0 : i32
        %get3A_657 = arith.constant 3 : i32
        %get3A_658 = arith.index_cast %get3A_656 : i32 to index
        %get3A_659 = arith.index_cast %get3A_657 : i32 to index
        %get3A_660 = arith.index_cast %mul3A_655 : i32 to index
        %get3A_661 = tpu.vector_load %arg5[%get3A_658, %get3A_659, %get3A_660] {strides = array<i32>} : memref<2x16x2048xf32, #tpu.memory_space<vmem>>, vector<16xf32>,
        %neg3A_662 = arith.constant 0.000000e+00 : f32
        %neg3A_663 = vector.broadcast %neg3A_662 : f32 to vector<16xf32>
        %neg3A_664 = arith.subf %neg3A_663, %get3A_661 : vector<16xf32>
        %exp3A_665 = math.exp %neg3A_664 : vector<16xf32>
        %add3A_666 = arith.constant 1.000000e+00 : f32
        %add3A_667 = vector.broadcast %add3A_666 : f32 to vector<16xf32>
        %add3A_668 = arith.addf %add3A_667, %exp3A_665 : vector<16xf32>
        %div3A_669 = arith.constant 1.000000e+00 : f32
        %div3A_670 = vector.broadcast %div3A_669 : f32 to vector<16xf32>
        %div3A_671 = arith.divf %div3A_670, %add3A_668 : vector<16xf32>
        %add3A_672 = arith.addf %add3A_644, %div3A_671 : vector<16xf32>
        %masked_sort3A_673 = arith.constant dense<true> : vector<16xi1>
        %masked_sort3A_674, %masked_sort3A_675, %masked_sort3A_676 = tpu.sort %get3A_661, %get3A_661 masked %masked_sort3A_673 {descending = true} : (vector<16xf32>, vector<16xf32>, vector<16xi1>) -> (vector<16xi1>, vector<16xf32>, vector<16xf32>)
        %max3A_677 = arith.maximumf %scan3A_559, %masked_sort3A_675 : vector<16xf32>
        %masked_sort3A_678 = arith.constant dense<true> : vector<16xi1>
        %masked_sort3A_679, %masked_sort3A_680, %masked_sort3A_681 = tpu.sort %max3A_677, %max3A_677 masked %masked_sort3A_678 : (vector<16xf32>, vector<16xf32>, vector<16xi1>) -> (vector<16xi1>, vector<16xf32>, vector<16xf32>)
        %mul3A_682 = arith.constant 16 : i32
        %mul3A_683 = arith.muli %scan3A_555, %mul3A_682 : i32
        %get3A_684 = arith.constant 0 : i32
        %get3A_685 = arith.constant 4 : i32
        %get3A_686 = arith.index_cast %get3A_684 : i32 to index
        %get3A_687 = arith.index_cast %get3A_685 : i32 to index
        %get3A_688 = arith.index_cast %mul3A_683 : i32 to index
        %get3A_689 = tpu.vector_load %arg5[%get3A_686, %get3A_687, %get3A_688] {strides = array<i32>} : memref<2x16x2048xf32, #tpu.memory_space<vmem>>, vector<16xf32>,
        %neg3A_690 = arith.constant 0.000000e+00 : f32
        %neg3A_691 = vector.broadcast %neg3A_690 : f32 to vector<16xf32>
        %neg3A_692 = arith.subf %neg3A_691, %get3A_689 : vector<16xf32>
        %exp3A_693 = math.exp %neg3A_692 : vector<16xf32>
        %add3A_694 = arith.constant 1.000000e+00 : f32
        %add3A_695 = vector.broadcast %add3A_694 : f32 to vector<16xf32>
        %add3A_696 = arith.addf %add3A_695, %exp3A_693 : vector<16xf32>
        %div3A_697 = arith.constant 1.000000e+00 : f32
        %div3A_698 = vector.broadcast %div3A_697 : f32 to vector<16xf32>
        %div3A_699 = arith.divf %div3A_698, %add3A_696 : vector<16xf32>
        %add3A_700 = arith.addf %add3A_672, %div3A_699 : vector<16xf32>
        %masked_sort3A_701 = arith.constant dense<true> : vector<16xi1>
        %masked_sort3A_702, %masked_sort3A_703, %masked_sort3A_704 = tpu.sort %get3A_689, %get3A_689 masked %masked_sort3A_701 {descending = true} : (vector<16xf32>, vector<16xf32>, vector<16xi1>) -> (vector<16xi1>, vector<16xf32>, vector<16xf32>)
        %max3A_705 = arith.maximumf %scan3A_560, %masked_sort3A_703 : vector<16xf32>
        %masked_sort3A_706 = arith.constant dense<true> : vector<16xi1>
        %masked_sort3A_707, %masked_sort3A_708, %masked_sort3A_709 = tpu.sort %max3A_705, %max3A_705 masked %masked_sort3A_706 : (vector<16xf32>, vector<16xf32>, vector<16xi1>) -> (vector<16xi1>, vector<16xf32>, vector<16xf32>)
        %mul3A_710 = arith.constant 16 : i32
        %mul3A_711 = arith.muli %scan3A_555, %mul3A_710 : i32
        %get3A_712 = arith.constant 0 : i32
        %get3A_713 = arith.constant 5 : i32
        %get3A_714 = arith.index_cast %get3A_712 : i32 to index
        %get3A_715 = arith.index_cast %get3A_713 : i32 to index
        %get3A_716 = arith.index_cast %mul3A_711 : i32 to index
        %get3A_717 = tpu.vector_load %arg5[%get3A_714, %get3A_715, %get3A_716] {strides = array<i32>} : memref<2x16x2048xf32, #tpu.memory_space<vmem>>, vector<16xf32>,
        %neg3A_718 = arith.constant 0.000000e+00 : f32
        %neg3A_719 = vector.broadcast %neg3A_718 : f32 to vector<16xf32>
        %neg3A_720 = arith.subf %neg3A_719, %get3A_717 : vector<16xf32>
        %exp3A_721 = math.exp %neg3A_720 : vector<16xf32>
        %add3A_722 = arith.constant 1.000000e+00 : f32
        %add3A_723 = vector.broadcast %add3A_722 : f32 to vector<16xf32>
        %add3A_724 = arith.addf %add3A_723, %exp3A_721 : vector<16xf32>
        %div3A_725 = arith.constant 1.000000e+00 : f32
        %div3A_726 = vector.broadcast %div3A_725 : f32 to vector<16xf32>
        %div3A_727 = arith.divf %div3A_726, %add3A_724 : vector<16xf32>
        %add3A_728 = arith.addf %add3A_700, %div3A_727 : vector<16xf32>
        %masked_sort3A_729 = arith.constant dense<true> : vector<16xi1>
        %masked_sort3A_730, %masked_sort3A_731, %masked_sort3A_732 = tpu.sort %get3A_717, %get3A_717 masked %masked_sort3A_729 {descending = true} : (vector<16xf32>, vector<16xf32>, vector<16xi1>) -> (vector<16xi1>, vector<16xf32>, vector<16xf32>)
        %max3A_733 = arith.maximumf %scan3A_561, %masked_sort3A_731 : vector<16xf32>
        %masked_sort3A_734 = arith.constant dense<true> : vector<16xi1>
        %masked_sort3A_735, %masked_sort3A_736, %masked_sort3A_737 = tpu.sort %max3A_733, %max3A_733 masked %masked_sort3A_734 : (vector<16xf32>, vector<16xf32>, vector<16xi1>) -> (vector<16xi1>, vector<16xf32>, vector<16xf32>)
        %mul3A_738 = arith.constant 16 : i32
        %mul3A_739 = arith.muli %scan3A_555, %mul3A_738 : i32
        %get3A_740 = arith.constant 0 : i32
        %get3A_741 = arith.constant 6 : i32
        %get3A_742 = arith.index_cast %get3A_740 : i32 to index
        %get3A_743 = arith.index_cast %get3A_741 : i32 to index
        %get3A_744 = arith.index_cast %mul3A_739 : i32 to index
        %get3A_745 = tpu.vector_load %arg5[%get3A_742, %get3A_743, %get3A_744] {strides = array<i32>} : memref<2x16x2048xf32, #tpu.memory_space<vmem>>, vector<16xf32>,
        %neg3A_746 = arith.constant 0.000000e+00 : f32
        %neg3A_747 = vector.broadcast %neg3A_746 : f32 to vector<16xf32>
        %neg3A_748 = arith.subf %neg3A_747, %get3A_745 : vector<16xf32>
        %exp3A_749 = math.exp %neg3A_748 : vector<16xf32>
        %add3A_750 = arith.constant 1.000000e+00 : f32
        %add3A_751 = vector.broadcast %add3A_750 : f32 to vector<16xf32>
        %add3A_752 = arith.addf %add3A_751, %exp3A_749 : vector<16xf32>
        %div3A_753 = arith.constant 1.000000e+00 : f32
        %div3A_754 = vector.broadcast %div3A_753 : f32 to vector<16xf32>
        %div3A_755 = arith.divf %div3A_754, %add3A_752 : vector<16xf32>
        %add3A_756 = arith.addf %add3A_728, %div3A_755 : vector<16xf32>
        %masked_sort3A_757 = arith.constant dense<true> : vector<16xi1>
        %masked_sort3A_758, %masked_sort3A_759, %masked_sort3A_760 = tpu.sort %get3A_745, %get3A_745 masked %masked_sort3A_757 {descending = true} : (vector<16xf32>, vector<16xf32>, vector<16xi1>) -> (vector<16xi1>, vector<16xf32>, vector<16xf32>)
        %max3A_761 = arith.maximumf %scan3A_562, %masked_sort3A_759 : vector<16xf32>
        %masked_sort3A_762 = arith.constant dense<true> : vector<16xi1>
        %masked_sort3A_763, %masked_sort3A_764, %masked_sort3A_765 = tpu.sort %max3A_761, %max3A_761 masked %masked_sort3A_762 : (vector<16xf32>, vector<16xf32>, vector<16xi1>) -> (vector<16xi1>, vector<16xf32>, vector<16xf32>)
        %mul3A_766 = arith.constant 16 : i32
        %mul3A_767 = arith.muli %scan3A_555, %mul3A_766 : i32
        %get3A_768 = arith.constant 0 : i32
        %get3A_769 = arith.constant 7 : i32
        %get3A_770 = arith.index_cast %get3A_768 : i32 to index
        %get3A_771 = arith.index_cast %get3A_769 : i32 to index
        %get3A_772 = arith.index_cast %mul3A_767 : i32 to index
        %get3A_773 = tpu.vector_load %arg5[%get3A_770, %get3A_771, %get3A_772] {strides = array<i32>} : memref<2x16x2048xf32, #tpu.memory_space<vmem>>, vector<16xf32>,
        %neg3A_774 = arith.constant 0.000000e+00 : f32
        %neg3A_775 = vector.broadcast %neg3A_774 : f32 to vector<16xf32>
        %neg3A_776 = arith.subf %neg3A_775, %get3A_773 : vector<16xf32>
        %exp3A_777 = math.exp %neg3A_776 : vector<16xf32>
        %add3A_778 = arith.constant 1.000000e+00 : f32
        %add3A_779 = vector.broadcast %add3A_778 : f32 to vector<16xf32>
        %add3A_780 = arith.addf %add3A_779, %exp3A_777 : vector<16xf32>
        %div3A_781 = arith.constant 1.000000e+00 : f32
        %div3A_782 = vector.broadcast %div3A_781 : f32 to vector<16xf32>
        %div3A_783 = arith.divf %div3A_782, %add3A_780 : vector<16xf32>
        %add3A_784 = arith.addf %add3A_756, %div3A_783 : vector<16xf32>
        %masked_sort3A_785 = arith.constant dense<true> : vector<16xi1>
        %masked_sort3A_786, %masked_sort3A_787, %masked_sort3A_788 = tpu.sort %get3A_773, %get3A_773 masked %masked_sort3A_785 {descending = true} : (vector<16xf32>, vector<16xf32>, vector<16xi1>) -> (vector<16xi1>, vector<16xf32>, vector<16xf32>)
        %max3A_789 = arith.maximumf %scan3A_563, %masked_sort3A_787 : vector<16xf32>
        %masked_sort3A_790 = arith.constant dense<true> : vector<16xi1>
        %masked_sort3A_791, %masked_sort3A_792, %masked_sort3A_793 = tpu.sort %max3A_789, %max3A_789 masked %masked_sort3A_790 : (vector<16xf32>, vector<16xf32>, vector<16xi1>) -> (vector<16xi1>, vector<16xf32>, vector<16xf32>)
        %mul3A_794 = arith.constant 16 : i32
        %mul3A_795 = arith.muli %scan3A_555, %mul3A_794 : i32
        %get3A_796 = arith.constant 0 : i32
        %get3A_797 = arith.constant 8 : i32
        %get3A_798 = arith.index_cast %get3A_796 : i32 to index
        %get3A_799 = arith.index_cast %get3A_797 : i32 to index
        %get3A_800 = arith.index_cast %mul3A_795 : i32 to index
        %get3A_801 = tpu.vector_load %arg5[%get3A_798, %get3A_799, %get3A_800] {strides = array<i32>} : memref<2x16x2048xf32, #tpu.memory_space<vmem>>, vector<16xf32>,
        %neg3A_802 = arith.constant 0.000000e+00 : f32
        %neg3A_803 = vector.broadcast %neg3A_802 : f32 to vector<16xf32>
        %neg3A_804 = arith.subf %neg3A_803, %get3A_801 : vector<16xf32>
        %exp3A_805 = math.exp %neg3A_804 : vector<16xf32>
        %add3A_806 = arith.constant 1.000000e+00 : f32
        %add3A_807 = vector.broadcast %add3A_806 : f32 to vector<16xf32>
        %add3A_808 = arith.addf %add3A_807, %exp3A_805 : vector<16xf32>
        %div3A_809 = arith.constant 1.000000e+00 : f32
        %div3A_810 = vector.broadcast %div3A_809 : f32 to vector<16xf32>
        %div3A_811 = arith.divf %div3A_810, %add3A_808 : vector<16xf32>
        %add3A_812 = arith.addf %add3A_784, %div3A_811 : vector<16xf32>
        %masked_sort3A_813 = arith.constant dense<true> : vector<16xi1>
        %masked_sort3A_814, %masked_sort3A_815, %masked_sort3A_816 = tpu.sort %get3A_801, %get3A_801 masked %masked_sort3A_813 {descending = true} : (vector<16xf32>, vector<16xf32>, vector<16xi1>) -> (vector<16xi1>, vector<16xf32>, vector<16xf32>)
        %max3A_817 = arith.maximumf %scan3A_564, %masked_sort3A_815 : vector<16xf32>
        %masked_sort3A_818 = arith.constant dense<true> : vector<16xi1>
        %masked_sort3A_819, %masked_sort3A_820, %masked_sort3A_821 = tpu.sort %max3A_817, %max3A_817 masked %masked_sort3A_818 : (vector<16xf32>, vector<16xf32>, vector<16xi1>) -> (vector<16xi1>, vector<16xf32>, vector<16xf32>)
        %mul3A_822 = arith.constant 16 : i32
        %mul3A_823 = arith.muli %scan3A_555, %mul3A_822 : i32
        %get3A_824 = arith.constant 0 : i32
        %get3A_825 = arith.constant 9 : i32
        %get3A_826 = arith.index_cast %get3A_824 : i32 to index
        %get3A_827 = arith.index_cast %get3A_825 : i32 to index
        %get3A_828 = arith.index_cast %mul3A_823 : i32 to index
        %get3A_829 = tpu.vector_load %arg5[%get3A_826, %get3A_827, %get3A_828] {strides = array<i32>} : memref<2x16x2048xf32, #tpu.memory_space<vmem>>, vector<16xf32>,
        %neg3A_830 = arith.constant 0.000000e+00 : f32
        %neg3A_831 = vector.broadcast %neg3A_830 : f32 to vector<16xf32>
        %neg3A_832 = arith.subf %neg3A_831, %get3A_829 : vector<16xf32>
        %exp3A_833 = math.exp %neg3A_832 : vector<16xf32>
        %add3A_834 = arith.constant 1.000000e+00 : f32
        %add3A_835 = vector.broadcast %add3A_834 : f32 to vector<16xf32>
        %add3A_836 = arith.addf %add3A_835, %exp3A_833 : vector<16xf32>
        %div3A_837 = arith.constant 1.000000e+00 : f32
        %div3A_838 = vector.broadcast %div3A_837 : f32 to vector<16xf32>
        %div3A_839 = arith.divf %div3A_838, %add3A_836 : vector<16xf32>
        %add3A_840 = arith.addf %add3A_812, %div3A_839 : vector<16xf32>
        %masked_sort3A_841 = arith.constant dense<true> : vector<16xi1>
        %masked_sort3A_842, %masked_sort3A_843, %masked_sort3A_844 = tpu.sort %get3A_829, %get3A_829 masked %masked_sort3A_841 {descending = true} : (vector<16xf32>, vector<16xf32>, vector<16xi1>) -> (vector<16xi1>, vector<16xf32>, vector<16xf32>)
        %max3A_845 = arith.maximumf %scan3A_565, %masked_sort3A_843 : vector<16xf32>
        %masked_sort3A_846 = arith.constant dense<true> : vector<16xi1>
        %masked_sort3A_847, %masked_sort3A_848, %masked_sort3A_849 = tpu.sort %max3A_845, %max3A_845 masked %masked_sort3A_846 : (vector<16xf32>, vector<16xf32>, vector<16xi1>) -> (vector<16xi1>, vector<16xf32>, vector<16xf32>)
        %mul3A_850 = arith.constant 16 : i32
        %mul3A_851 = arith.muli %scan3A_555, %mul3A_850 : i32
        %get3A_852 = arith.constant 0 : i32
        %get3A_853 = arith.constant 10 : i32
        %get3A_854 = arith.index_cast %get3A_852 : i32 to index
        %get3A_855 = arith.index_cast %get3A_853 : i32 to index
        %get3A_856 = arith.index_cast %mul3A_851 : i32 to index
        %get3A_857 = tpu.vector_load %arg5[%get3A_854, %get3A_855, %get3A_856] {strides = array<i32>} : memref<2x16x2048xf32, #tpu.memory_space<vmem>>, vector<16xf32>,
        %neg3A_858 = arith.constant 0.000000e+00 : f32
        %neg3A_859 = vector.broadcast %neg3A_858 : f32 to vector<16xf32>
        %neg3A_860 = arith.subf %neg3A_859, %get3A_857 : vector<16xf32>
        %exp3A_861 = math.exp %neg3A_860 : vector<16xf32>
        %add3A_862 = arith.constant 1.000000e+00 : f32
        %add3A_863 = vector.broadcast %add3A_862 : f32 to vector<16xf32>
        %add3A_864 = arith.addf %add3A_863, %exp3A_861 : vector<16xf32>
        %div3A_865 = arith.constant 1.000000e+00 : f32
        %div3A_866 = vector.broadcast %div3A_865 : f32 to vector<16xf32>
        %div3A_867 = arith.divf %div3A_866, %add3A_864 : vector<16xf32>
        %add3A_868 = arith.addf %add3A_840, %div3A_867 : vector<16xf32>
        %masked_sort3A_869 = arith.constant dense<true> : vector<16xi1>
        %masked_sort3A_870, %masked_sort3A_871, %masked_sort3A_872 = tpu.sort %get3A_857, %get3A_857 masked %masked_sort3A_869 {descending = true} : (vector<16xf32>, vector<16xf32>, vector<16xi1>) -> (vector<16xi1>, vector<16xf32>, vector<16xf32>)
        %max3A_873 = arith.maximumf %scan3A_566, %masked_sort3A_871 : vector<16xf32>
        %masked_sort3A_874 = arith.constant dense<true> : vector<16xi1>
        %masked_sort3A_875, %masked_sort3A_876, %masked_sort3A_877 = tpu.sort %max3A_873, %max3A_873 masked %masked_sort3A_874 : (vector<16xf32>, vector<16xf32>, vector<16xi1>) -> (vector<16xi1>, vector<16xf32>, vector<16xf32>)
        %mul3A_878 = arith.constant 16 : i32
        %mul3A_879 = arith.muli %scan3A_555, %mul3A_878 : i32
        %get3A_880 = arith.constant 0 : i32
        %get3A_881 = arith.constant 11 : i32
        %get3A_882 = arith.index_cast %get3A_880 : i32 to index
        %get3A_883 = arith.index_cast %get3A_881 : i32 to index
        %get3A_884 = arith.index_cast %mul3A_879 : i32 to index
        %get3A_885 = tpu.vector_load %arg5[%get3A_882, %get3A_883, %get3A_884] {strides = array<i32>} : memref<2x16x2048xf32, #tpu.memory_space<vmem>>, vector<16xf32>,
        %neg3A_886 = arith.constant 0.000000e+00 : f32
        %neg3A_887 = vector.broadcast %neg3A_886 : f32 to vector<16xf32>
        %neg3A_888 = arith.subf %neg3A_887, %get3A_885 : vector<16xf32>
        %exp3A_889 = math.exp %neg3A_888 : vector<16xf32>
        %add3A_890 = arith.constant 1.000000e+00 : f32
        %add3A_891 = vector.broadcast %add3A_890 : f32 to vector<16xf32>
        %add3A_892 = arith.addf %add3A_891, %exp3A_889 : vector<16xf32>
        %div3A_893 = arith.constant 1.000000e+00 : f32
        %div3A_894 = vector.broadcast %div3A_893 : f32 to vector<16xf32>
        %div3A_895 = arith.divf %div3A_894, %add3A_892 : vector<16xf32>
        %add3A_896 = arith.addf %add3A_868, %div3A_895 : vector<16xf32>
        %masked_sort3A_897 = arith.constant dense<true> : vector<16xi1>
        %masked_sort3A_898, %masked_sort3A_899, %masked_sort3A_900 = tpu.sort %get3A_885, %get3A_885 masked %masked_sort3A_897 {descending = true} : (vector<16xf32>, vector<16xf32>, vector<16xi1>) -> (vector<16xi1>, vector<16xf32>, vector<16xf32>)
        %max3A_901 = arith.maximumf %scan3A_567, %masked_sort3A_899 : vector<16xf32>
        %masked_sort3A_902 = arith.constant dense<true> : vector<16xi1>
        %masked_sort3A_903, %masked_sort3A_904, %masked_sort3A_905 = tpu.sort %max3A_901, %max3A_901 masked %masked_sort3A_902 : (vector<16xf32>, vector<16xf32>, vector<16xi1>) -> (vector<16xi1>, vector<16xf32>, vector<16xf32>)
        %mul3A_906 = arith.constant 16 : i32
        %mul3A_907 = arith.muli %scan3A_555, %mul3A_906 : i32
        %get3A_908 = arith.constant 0 : i32
        %get3A_909 = arith.constant 12 : i32
        %get3A_910 = arith.index_cast %get3A_908 : i32 to index
        %get3A_911 = arith.index_cast %get3A_909 : i32 to index
        %get3A_912 = arith.index_cast %mul3A_907 : i32 to index
        %get3A_913 = tpu.vector_load %arg5[%get3A_910, %get3A_911, %get3A_912] {strides = array<i32>} : memref<2x16x2048xf32, #tpu.memory_space<vmem>>, vector<16xf32>,
        %neg3A_914 = arith.constant 0.000000e+00 : f32
        %neg3A_915 = vector.broadcast %neg3A_914 : f32 to vector<16xf32>
        %neg3A_916 = arith.subf %neg3A_915, %get3A_913 : vector<16xf32>
        %exp3A_917 = math.exp %neg3A_916 : vector<16xf32>
        %add3A_918 = arith.constant 1.000000e+00 : f32
        %add3A_919 = vector.broadcast %add3A_918 : f32 to vector<16xf32>
        %add3A_920 = arith.addf %add3A_919, %exp3A_917 : vector<16xf32>
        %div3A_921 = arith.constant 1.000000e+00 : f32
        %div3A_922 = vector.broadcast %div3A_921 : f32 to vector<16xf32>
        %div3A_923 = arith.divf %div3A_922, %add3A_920 : vector<16xf32>
        %add3A_924 = arith.addf %add3A_896, %div3A_923 : vector<16xf32>
        %masked_sort3A_925 = arith.constant dense<true> : vector<16xi1>
        %masked_sort3A_926, %masked_sort3A_927, %masked_sort3A_928 = tpu.sort %get3A_913, %get3A_913 masked %masked_sort3A_925 {descending = true} : (vector<16xf32>, vector<16xf32>, vector<16xi1>) -> (vector<16xi1>, vector<16xf32>, vector<16xf32>)
        %max3A_929 = arith.maximumf %scan3A_568, %masked_sort3A_927 : vector<16xf32>
        %masked_sort3A_930 = arith.constant dense<true> : vector<16xi1>
        %masked_sort3A_931, %masked_sort3A_932, %masked_sort3A_933 = tpu.sort %max3A_929, %max3A_929 masked %masked_sort3A_930 : (vector<16xf32>, vector<16xf32>, vector<16xi1>) -> (vector<16xi1>, vector<16xf32>, vector<16xf32>)
        %mul3A_934 = arith.constant 16 : i32
        %mul3A_935 = arith.muli %scan3A_555, %mul3A_934 : i32
        %get3A_936 = arith.constant 0 : i32
        %get3A_937 = arith.constant 13 : i32
        %get3A_938 = arith.index_cast %get3A_936 : i32 to index
        %get3A_939 = arith.index_cast %get3A_937 : i32 to index
        %get3A_940 = arith.index_cast %mul3A_935 : i32 to index
        %get3A_941 = tpu.vector_load %arg5[%get3A_938, %get3A_939, %get3A_940] {strides = array<i32>} : memref<2x16x2048xf32, #tpu.memory_space<vmem>>, vector<16xf32>,
        %neg3A_942 = arith.constant 0.000000e+00 : f32
        %neg3A_943 = vector.broadcast %neg3A_942 : f32 to vector<16xf32>
        %neg3A_944 = arith.subf %neg3A_943, %get3A_941 : vector<16xf32>
        %exp3A_945 = math.exp %neg3A_944 : vector<16xf32>
        %add3A_946 = arith.constant 1.000000e+00 : f32
        %add3A_947 = vector.broadcast %add3A_946 : f32 to vector<16xf32>
        %add3A_948 = arith.addf %add3A_947, %exp3A_945 : vector<16xf32>
        %div3A_949 = arith.constant 1.000000e+00 : f32
        %div3A_950 = vector.broadcast %div3A_949 : f32 to vector<16xf32>
        %div3A_951 = arith.divf %div3A_950, %add3A_948 : vector<16xf32>
        %add3A_952 = arith.addf %add3A_924, %div3A_951 : vector<16xf32>
        %masked_sort3A_953 = arith.constant dense<true> : vector<16xi1>
        %masked_sort3A_954, %masked_sort3A_955, %masked_sort3A_956 = tpu.sort %get3A_941, %get3A_941 masked %masked_sort3A_953 {descending = true} : (vector<16xf32>, vector<16xf32>, vector<16xi1>) -> (vector<16xi1>, vector<16xf32>, vector<16xf32>)
        %max3A_957 = arith.maximumf %scan3A_569, %masked_sort3A_955 : vector<16xf32>
        %masked_sort3A_958 = arith.constant dense<true> : vector<16xi1>
        %masked_sort3A_959, %masked_sort3A_960, %masked_sort3A_961 = tpu.sort %max3A_957, %max3A_957 masked %masked_sort3A_958 : (vector<16xf32>, vector<16xf32>, vector<16xi1>) -> (vector<16xi1>, vector<16xf32>, vector<16xf32>)
        %mul3A_962 = arith.constant 16 : i32
        %mul3A_963 = arith.muli %scan3A_555, %mul3A_962 : i32
        %get3A_964 = arith.constant 0 : i32
        %get3A_965 = arith.constant 14 : i32
        %get3A_966 = arith.index_cast %get3A_964 : i32 to index
        %get3A_967 = arith.index_cast %get3A_965 : i32 to index
        %get3A_968 = arith.index_cast %mul3A_963 : i32 to index
        %get3A_969 = tpu.vector_load %arg5[%get3A_966, %get3A_967, %get3A_968] {strides = array<i32>} : memref<2x16x2048xf32, #tpu.memory_space<vmem>>, vector<16xf32>,
        %neg3A_970 = arith.constant 0.000000e+00 : f32
        %neg3A_971 = vector.broadcast %neg3A_970 : f32 to vector<16xf32>
        %neg3A_972 = arith.subf %neg3A_971, %get3A_969 : vector<16xf32>
        %exp3A_973 = math.exp %neg3A_972 : vector<16xf32>
        %add3A_974 = arith.constant 1.000000e+00 : f32
        %add3A_975 = vector.broadcast %add3A_974 : f32 to vector<16xf32>
        %add3A_976 = arith.addf %add3A_975, %exp3A_973 : vector<16xf32>
        %div3A_977 = arith.constant 1.000000e+00 : f32
        %div3A_978 = vector.broadcast %div3A_977 : f32 to vector<16xf32>
        %div3A_979 = arith.divf %div3A_978, %add3A_976 : vector<16xf32>
        %add3A_980 = arith.addf %add3A_952, %div3A_979 : vector<16xf32>
        %masked_sort3A_981 = arith.constant dense<true> : vector<16xi1>
        %masked_sort3A_982, %masked_sort3A_983, %masked_sort3A_984 = tpu.sort %get3A_969, %get3A_969 masked %masked_sort3A_981 {descending = true} : (vector<16xf32>, vector<16xf32>, vector<16xi1>) -> (vector<16xi1>, vector<16xf32>, vector<16xf32>)
        %max3A_985 = arith.maximumf %scan3A_570, %masked_sort3A_983 : vector<16xf32>
        %masked_sort3A_986 = arith.constant dense<true> : vector<16xi1>
        %masked_sort3A_987, %masked_sort3A_988, %masked_sort3A_989 = tpu.sort %max3A_985, %max3A_985 masked %masked_sort3A_986 : (vector<16xf32>, vector<16xf32>, vector<16xi1>) -> (vector<16xi1>, vector<16xf32>, vector<16xf32>)
        %mul3A_990 = arith.constant 16 : i32
        %mul3A_991 = arith.muli %scan3A_555, %mul3A_990 : i32
        %get3A_992 = arith.constant 0 : i32
        %get3A_993 = arith.constant 15 : i32
        %get3A_994 = arith.index_cast %get3A_992 : i32 to index
        %get3A_995 = arith.index_cast %get3A_993 : i32 to index
        %get3A_996 = arith.index_cast %mul3A_991 : i32 to index
        %get3A_997 = tpu.vector_load %arg5[%get3A_994, %get3A_995, %get3A_996] {strides = array<i32>} : memref<2x16x2048xf32, #tpu.memory_space<vmem>>, vector<16xf32>,
        %neg3A_998 = arith.constant 0.000000e+00 : f32
        %neg3A_999 = vector.broadcast %neg3A_998 : f32 to vector<16xf32>
        %neg3A_1000 = arith.subf %neg3A_999, %get3A_997 : vector<16xf32>
        %exp3A_1001 = math.exp %neg3A_1000 : vector<16xf32>
        %add3A_1002 = arith.constant 1.000000e+00 : f32
        %add3A_1003 = vector.broadcast %add3A_1002 : f32 to vector<16xf32>
        %add3A_1004 = arith.addf %add3A_1003, %exp3A_1001 : vector<16xf32>
        %div3A_1005 = arith.constant 1.000000e+00 : f32
        %div3A_1006 = vector.broadcast %div3A_1005 : f32 to vector<16xf32>
        %div3A_1007 = arith.divf %div3A_1006, %add3A_1004 : vector<16xf32>
        %add3A_1008 = arith.addf %add3A_980, %div3A_1007 : vector<16xf32>
        %masked_sort3A_1009 = arith.constant dense<true> : vector<16xi1>
        %masked_sort3A_1010, %masked_sort3A_1011, %masked_sort3A_1012 = tpu.sort %get3A_997, %get3A_997 masked %masked_sort3A_1009 {descending = true} : (vector<16xf32>, vector<16xf32>, vector<16xi1>) -> (vector<16xi1>, vector<16xf32>, vector<16xf32>)
        %max3A_1013 = arith.maximumf %scan3A_571, %masked_sort3A_1011 : vector<16xf32>
        %masked_sort3A_1014 = arith.constant dense<true> : vector<16xi1>
        %masked_sort3A_1015, %masked_sort3A_1016, %masked_sort3A_1017 = tpu.sort %max3A_1013, %max3A_1013 masked %masked_sort3A_1014 : (vector<16xf32>, vector<16xf32>, vector<16xi1>) -> (vector<16xi1>, vector<16xf32>, vector<16xf32>)
        scf.yield %masked_sort3A_596, %masked_sort3A_624, %masked_sort3A_652, %masked_sort3A_680, %masked_sort3A_708, %masked_sort3A_736, %masked_sort3A_764, %masked_sort3A_792, %masked_sort3A_820, %masked_sort3A_848, %masked_sort3A_876, %masked_sort3A_904, %masked_sort3A_932, %masked_sort3A_960, %masked_sort3A_988, %masked_sort3A_1016, %add3A_1008 : vector<16xf32>, vector<16xf32>, vector<16xf32>, vector<16xf32>, vector<16xf32>, vector<16xf32>, vector<16xf32>, vector<16xf32>, vector<16xf32>, vector<16xf32>, vector<16xf32>, vector<16xf32>, vector<16xf32>, vector<16xf32>, vector<16xf32>, vector<16xf32>, vector<16xf32>
      }
      %scan3A_69 = arith.constant 32 : i32
      %scan3A_70 = arith.constant 32 : i32
      %scan3A_71 = arith.constant 96 : i32
      %scan3A_72 = arith.addi %scan3A_70, %scan3A_71 : i32
      %scan3A_73 = arith.constant 1 : i32
      %scan3A_74:16 = scf.for %scan3A_555 = %scan3A_70 to %scan3A_72 step %scan3A_73 iter_args(%scan3A_556 = %scan3A_68#0, %scan3A_557 = %scan3A_68#1, %scan3A_558 = %scan3A_68#2, %scan3A_559 = %scan3A_68#3, %scan3A_560 = %scan3A_68#4, %scan3A_561 = %scan3A_68#5, %scan3A_562 = %scan3A_68#6, %scan3A_563 = %scan3A_68#7, %scan3A_564 = %scan3A_68#8, %scan3A_565 = %scan3A_68#9, %scan3A_566 = %scan3A_68#10, %scan3A_567 = %scan3A_68#11, %scan3A_568 = %scan3A_68#12, %scan3A_569 = %scan3A_68#13, %scan3A_570 = %scan3A_68#14, %scan3A_571 = %scan3A_68#15) -> (vector<16xf32>, vector<16xf32>, vector<16xf32>, vector<16xf32>, vector<16xf32>, vector<16xf32>, vector<16xf32>, vector<16xf32>, vector<16xf32>, vector<16xf32>, vector<16xf32>, vector<16xf32>, vector<16xf32>, vector<16xf32>, vector<16xf32>, vector<16xf32>)  : i32 {
        %mul3A_572 = arith.constant 16 : i32
        %mul3A_573 = arith.muli %scan3A_555, %mul3A_572 : i32
        %get3A = arith.constant 0 : i32
        %get3A_574 = arith.constant 0 : i32
        %get3A_575 = arith.index_cast %get3A : i32 to index
        %get3A_576 = arith.index_cast %get3A_574 : i32 to index
        %get3A_577 = arith.index_cast %mul3A_573 : i32 to index
        %get3A_578 = tpu.vector_load %arg5[%get3A_575, %get3A_576, %get3A_577] {strides = array<i32>} : memref<2x16x2048xf32, #tpu.memory_space<vmem>>, vector<16xf32>,
        %masked_sort3A = arith.constant dense<true> : vector<16xi1>
        %masked_sort3A_579, %masked_sort3A_580, %masked_sort3A_581 = tpu.sort %get3A_578, %get3A_578 masked %masked_sort3A {descending = true} : (vector<16xf32>, vector<16xf32>, vector<16xi1>) -> (vector<16xi1>, vector<16xf32>, vector<16xf32>)
        %max3A = arith.maximumf %scan3A_556, %masked_sort3A_580 : vector<16xf32>
        %masked_sort3A_582 = arith.constant dense<true> : vector<16xi1>
        %masked_sort3A_583, %masked_sort3A_584, %masked_sort3A_585 = tpu.sort %max3A, %max3A masked %masked_sort3A_582 : (vector<16xf32>, vector<16xf32>, vector<16xi1>) -> (vector<16xi1>, vector<16xf32>, vector<16xf32>)
        %mul3A_586 = arith.constant 16 : i32
        %mul3A_587 = arith.muli %scan3A_555, %mul3A_586 : i32
        %get3A_588 = arith.constant 0 : i32
        %get3A_589 = arith.constant 1 : i32
        %get3A_590 = arith.index_cast %get3A_588 : i32 to index
        %get3A_591 = arith.index_cast %get3A_589 : i32 to index
        %get3A_592 = arith.index_cast %mul3A_587 : i32 to index
        %get3A_593 = tpu.vector_load %arg5[%get3A_590, %get3A_591, %get3A_592] {strides = array<i32>} : memref<2x16x2048xf32, #tpu.memory_space<vmem>>, vector<16xf32>,
        %masked_sort3A_594 = arith.constant dense<true> : vector<16xi1>
        %masked_sort3A_595, %masked_sort3A_596, %masked_sort3A_597 = tpu.sort %get3A_593, %get3A_593 masked %masked_sort3A_594 {descending = true} : (vector<16xf32>, vector<16xf32>, vector<16xi1>) -> (vector<16xi1>, vector<16xf32>, vector<16xf32>)
        %max3A_598 = arith.maximumf %scan3A_557, %masked_sort3A_596 : vector<16xf32>
        %masked_sort3A_599 = arith.constant dense<true> : vector<16xi1>
        %masked_sort3A_600, %masked_sort3A_601, %masked_sort3A_602 = tpu.sort %max3A_598, %max3A_598 masked %masked_sort3A_599 : (vector<16xf32>, vector<16xf32>, vector<16xi1>) -> (vector<16xi1>, vector<16xf32>, vector<16xf32>)
        %mul3A_603 = arith.constant 16 : i32
        %mul3A_604 = arith.muli %scan3A_555, %mul3A_603 : i32
        %get3A_605 = arith.constant 0 : i32
        %get3A_606 = arith.constant 2 : i32
        %get3A_607 = arith.index_cast %get3A_605 : i32 to index
        %get3A_608 = arith.index_cast %get3A_606 : i32 to index
        %get3A_609 = arith.index_cast %mul3A_604 : i32 to index
        %get3A_610 = tpu.vector_load %arg5[%get3A_607, %get3A_608, %get3A_609] {strides = array<i32>} : memref<2x16x2048xf32, #tpu.memory_space<vmem>>, vector<16xf32>,
        %masked_sort3A_611 = arith.constant dense<true> : vector<16xi1>
        %masked_sort3A_612, %masked_sort3A_613, %masked_sort3A_614 = tpu.sort %get3A_610, %get3A_610 masked %masked_sort3A_611 {descending = true} : (vector<16xf32>, vector<16xf32>, vector<16xi1>) -> (vector<16xi1>, vector<16xf32>, vector<16xf32>)
        %max3A_615 = arith.maximumf %scan3A_558, %masked_sort3A_613 : vector<16xf32>
        %masked_sort3A_616 = arith.constant dense<true> : vector<16xi1>
        %masked_sort3A_617, %masked_sort3A_618, %masked_sort3A_619 = tpu.sort %max3A_615, %max3A_615 masked %masked_sort3A_616 : (vector<16xf32>, vector<16xf32>, vector<16xi1>) -> (vector<16xi1>, vector<16xf32>, vector<16xf32>)
        %mul3A_620 = arith.constant 16 : i32
        %mul3A_621 = arith.muli %scan3A_555, %mul3A_620 : i32
        %get3A_622 = arith.constant 0 : i32
        %get3A_623 = arith.constant 3 : i32
        %get3A_624 = arith.index_cast %get3A_622 : i32 to index
        %get3A_625 = arith.index_cast %get3A_623 : i32 to index
        %get3A_626 = arith.index_cast %mul3A_621 : i32 to index
        %get3A_627 = tpu.vector_load %arg5[%get3A_624, %get3A_625, %get3A_626] {strides = array<i32>} : memref<2x16x2048xf32, #tpu.memory_space<vmem>>, vector<16xf32>,
        %masked_sort3A_628 = arith.constant dense<true> : vector<16xi1>
        %masked_sort3A_629, %masked_sort3A_630, %masked_sort3A_631 = tpu.sort %get3A_627, %get3A_627 masked %masked_sort3A_628 {descending = true} : (vector<16xf32>, vector<16xf32>, vector<16xi1>) -> (vector<16xi1>, vector<16xf32>, vector<16xf32>)
        %max3A_632 = arith.maximumf %scan3A_559, %masked_sort3A_630 : vector<16xf32>
        %masked_sort3A_633 = arith.constant dense<true> : vector<16xi1>
        %masked_sort3A_634, %masked_sort3A_635, %masked_sort3A_636 = tpu.sort %max3A_632, %max3A_632 masked %masked_sort3A_633 : (vector<16xf32>, vector<16xf32>, vector<16xi1>) -> (vector<16xi1>, vector<16xf32>, vector<16xf32>)
        %mul3A_637 = arith.constant 16 : i32
        %mul3A_638 = arith.muli %scan3A_555, %mul3A_637 : i32
        %get3A_639 = arith.constant 0 : i32
        %get3A_640 = arith.constant 4 : i32
        %get3A_641 = arith.index_cast %get3A_639 : i32 to index
        %get3A_642 = arith.index_cast %get3A_640 : i32 to index
        %get3A_643 = arith.index_cast %mul3A_638 : i32 to index
        %get3A_644 = tpu.vector_load %arg5[%get3A_641, %get3A_642, %get3A_643] {strides = array<i32>} : memref<2x16x2048xf32, #tpu.memory_space<vmem>>, vector<16xf32>,
        %masked_sort3A_645 = arith.constant dense<true> : vector<16xi1>
        %masked_sort3A_646, %masked_sort3A_647, %masked_sort3A_648 = tpu.sort %get3A_644, %get3A_644 masked %masked_sort3A_645 {descending = true} : (vector<16xf32>, vector<16xf32>, vector<16xi1>) -> (vector<16xi1>, vector<16xf32>, vector<16xf32>)
        %max3A_649 = arith.maximumf %scan3A_560, %masked_sort3A_647 : vector<16xf32>
        %masked_sort3A_650 = arith.constant dense<true> : vector<16xi1>
        %masked_sort3A_651, %masked_sort3A_652, %masked_sort3A_653 = tpu.sort %max3A_649, %max3A_649 masked %masked_sort3A_650 : (vector<16xf32>, vector<16xf32>, vector<16xi1>) -> (vector<16xi1>, vector<16xf32>, vector<16xf32>)
        %mul3A_654 = arith.constant 16 : i32
        %mul3A_655 = arith.muli %scan3A_555, %mul3A_654 : i32
        %get3A_656 = arith.constant 0 : i32
        %get3A_657 = arith.constant 5 : i32
        %get3A_658 = arith.index_cast %get3A_656 : i32 to index
        %get3A_659 = arith.index_cast %get3A_657 : i32 to index
        %get3A_660 = arith.index_cast %mul3A_655 : i32 to index
        %get3A_661 = tpu.vector_load %arg5[%get3A_658, %get3A_659, %get3A_660] {strides = array<i32>} : memref<2x16x2048xf32, #tpu.memory_space<vmem>>, vector<16xf32>,
        %masked_sort3A_662 = arith.constant dense<true> : vector<16xi1>
        %masked_sort3A_663, %masked_sort3A_664, %masked_sort3A_665 = tpu.sort %get3A_661, %get3A_661 masked %masked_sort3A_662 {descending = true} : (vector<16xf32>, vector<16xf32>, vector<16xi1>) -> (vector<16xi1>, vector<16xf32>, vector<16xf32>)
        %max3A_666 = arith.maximumf %scan3A_561, %masked_sort3A_664 : vector<16xf32>
        %masked_sort3A_667 = arith.constant dense<true> : vector<16xi1>
        %masked_sort3A_668, %masked_sort3A_669, %masked_sort3A_670 = tpu.sort %max3A_666, %max3A_666 masked %masked_sort3A_667 : (vector<16xf32>, vector<16xf32>, vector<16xi1>) -> (vector<16xi1>, vector<16xf32>, vector<16xf32>)
        %mul3A_671 = arith.constant 16 : i32
        %mul3A_672 = arith.muli %scan3A_555, %mul3A_671 : i32
        %get3A_673 = arith.constant 0 : i32
        %get3A_674 = arith.constant 6 : i32
        %get3A_675 = arith.index_cast %get3A_673 : i32 to index
        %get3A_676 = arith.index_cast %get3A_674 : i32 to index
        %get3A_677 = arith.index_cast %mul3A_672 : i32 to index
        %get3A_678 = tpu.vector_load %arg5[%get3A_675, %get3A_676, %get3A_677] {strides = array<i32>} : memref<2x16x2048xf32, #tpu.memory_space<vmem>>, vector<16xf32>,
        %masked_sort3A_679 = arith.constant dense<true> : vector<16xi1>
        %masked_sort3A_680, %masked_sort3A_681, %masked_sort3A_682 = tpu.sort %get3A_678, %get3A_678 masked %masked_sort3A_679 {descending = true} : (vector<16xf32>, vector<16xf32>, vector<16xi1>) -> (vector<16xi1>, vector<16xf32>, vector<16xf32>)
        %max3A_683 = arith.maximumf %scan3A_562, %masked_sort3A_681 : vector<16xf32>
        %masked_sort3A_684 = arith.constant dense<true> : vector<16xi1>
        %masked_sort3A_685, %masked_sort3A_686, %masked_sort3A_687 = tpu.sort %max3A_683, %max3A_683 masked %masked_sort3A_684 : (vector<16xf32>, vector<16xf32>, vector<16xi1>) -> (vector<16xi1>, vector<16xf32>, vector<16xf32>)
        %mul3A_688 = arith.constant 16 : i32
        %mul3A_689 = arith.muli %scan3A_555, %mul3A_688 : i32
        %get3A_690 = arith.constant 0 : i32
        %get3A_691 = arith.constant 7 : i32
        %get3A_692 = arith.index_cast %get3A_690 : i32 to index
        %get3A_693 = arith.index_cast %get3A_691 : i32 to index
        %get3A_694 = arith.index_cast %mul3A_689 : i32 to index
        %get3A_695 = tpu.vector_load %arg5[%get3A_692, %get3A_693, %get3A_694] {strides = array<i32>} : memref<2x16x2048xf32, #tpu.memory_space<vmem>>, vector<16xf32>,
        %masked_sort3A_696 = arith.constant dense<true> : vector<16xi1>
        %masked_sort3A_697, %masked_sort3A_698, %masked_sort3A_699 = tpu.sort %get3A_695, %get3A_695 masked %masked_sort3A_696 {descending = true} : (vector<16xf32>, vector<16xf32>, vector<16xi1>) -> (vector<16xi1>, vector<16xf32>, vector<16xf32>)
        %max3A_700 = arith.maximumf %scan3A_563, %masked_sort3A_698 : vector<16xf32>
        %masked_sort3A_701 = arith.constant dense<true> : vector<16xi1>
        %masked_sort3A_702, %masked_sort3A_703, %masked_sort3A_704 = tpu.sort %max3A_700, %max3A_700 masked %masked_sort3A_701 : (vector<16xf32>, vector<16xf32>, vector<16xi1>) -> (vector<16xi1>, vector<16xf32>, vector<16xf32>)
        %mul3A_705 = arith.constant 16 : i32
        %mul3A_706 = arith.muli %scan3A_555, %mul3A_705 : i32
        %get3A_707 = arith.constant 0 : i32
        %get3A_708 = arith.constant 8 : i32
        %get3A_709 = arith.index_cast %get3A_707 : i32 to index
        %get3A_710 = arith.index_cast %get3A_708 : i32 to index
        %get3A_711 = arith.index_cast %mul3A_706 : i32 to index
        %get3A_712 = tpu.vector_load %arg5[%get3A_709, %get3A_710, %get3A_711] {strides = array<i32>} : memref<2x16x2048xf32, #tpu.memory_space<vmem>>, vector<16xf32>,
        %masked_sort3A_713 = arith.constant dense<true> : vector<16xi1>
        %masked_sort3A_714, %masked_sort3A_715, %masked_sort3A_716 = tpu.sort %get3A_712, %get3A_712 masked %masked_sort3A_713 {descending = true} : (vector<16xf32>, vector<16xf32>, vector<16xi1>) -> (vector<16xi1>, vector<16xf32>, vector<16xf32>)
        %max3A_717 = arith.maximumf %scan3A_564, %masked_sort3A_715 : vector<16xf32>
        %masked_sort3A_718 = arith.constant dense<true> : vector<16xi1>
        %masked_sort3A_719, %masked_sort3A_720, %masked_sort3A_721 = tpu.sort %max3A_717, %max3A_717 masked %masked_sort3A_718 : (vector<16xf32>, vector<16xf32>, vector<16xi1>) -> (vector<16xi1>, vector<16xf32>, vector<16xf32>)
        %mul3A_722 = arith.constant 16 : i32
        %mul3A_723 = arith.muli %scan3A_555, %mul3A_722 : i32
        %get3A_724 = arith.constant 0 : i32
        %get3A_725 = arith.constant 9 : i32
        %get3A_726 = arith.index_cast %get3A_724 : i32 to index
        %get3A_727 = arith.index_cast %get3A_725 : i32 to index
        %get3A_728 = arith.index_cast %mul3A_723 : i32 to index
        %get3A_729 = tpu.vector_load %arg5[%get3A_726, %get3A_727, %get3A_728] {strides = array<i32>} : memref<2x16x2048xf32, #tpu.memory_space<vmem>>, vector<16xf32>,
        %masked_sort3A_730 = arith.constant dense<true> : vector<16xi1>
        %masked_sort3A_731, %masked_sort3A_732, %masked_sort3A_733 = tpu.sort %get3A_729, %get3A_729 masked %masked_sort3A_730 {descending = true} : (vector<16xf32>, vector<16xf32>, vector<16xi1>) -> (vector<16xi1>, vector<16xf32>, vector<16xf32>)
        %max3A_734 = arith.maximumf %scan3A_565, %masked_sort3A_732 : vector<16xf32>
        %masked_sort3A_735 = arith.constant dense<true> : vector<16xi1>
        %masked_sort3A_736, %masked_sort3A_737, %masked_sort3A_738 = tpu.sort %max3A_734, %max3A_734 masked %masked_sort3A_735 : (vector<16xf32>, vector<16xf32>, vector<16xi1>) -> (vector<16xi1>, vector<16xf32>, vector<16xf32>)
        %mul3A_739 = arith.constant 16 : i32
        %mul3A_740 = arith.muli %scan3A_555, %mul3A_739 : i32
        %get3A_741 = arith.constant 0 : i32
        %get3A_742 = arith.constant 10 : i32
        %get3A_743 = arith.index_cast %get3A_741 : i32 to index
        %get3A_744 = arith.index_cast %get3A_742 : i32 to index
        %get3A_745 = arith.index_cast %mul3A_740 : i32 to index
        %get3A_746 = tpu.vector_load %arg5[%get3A_743, %get3A_744, %get3A_745] {strides = array<i32>} : memref<2x16x2048xf32, #tpu.memory_space<vmem>>, vector<16xf32>,
        %masked_sort3A_747 = arith.constant dense<true> : vector<16xi1>
        %masked_sort3A_748, %masked_sort3A_749, %masked_sort3A_750 = tpu.sort %get3A_746, %get3A_746 masked %masked_sort3A_747 {descending = true} : (vector<16xf32>, vector<16xf32>, vector<16xi1>) -> (vector<16xi1>, vector<16xf32>, vector<16xf32>)
        %max3A_751 = arith.maximumf %scan3A_566, %masked_sort3A_749 : vector<16xf32>
        %masked_sort3A_752 = arith.constant dense<true> : vector<16xi1>
        %masked_sort3A_753, %masked_sort3A_754, %masked_sort3A_755 = tpu.sort %max3A_751, %max3A_751 masked %masked_sort3A_752 : (vector<16xf32>, vector<16xf32>, vector<16xi1>) -> (vector<16xi1>, vector<16xf32>, vector<16xf32>)
        %mul3A_756 = arith.constant 16 : i32
        %mul3A_757 = arith.muli %scan3A_555, %mul3A_756 : i32
        %get3A_758 = arith.constant 0 : i32
        %get3A_759 = arith.constant 11 : i32
        %get3A_760 = arith.index_cast %get3A_758 : i32 to index
        %get3A_761 = arith.index_cast %get3A_759 : i32 to index
        %get3A_762 = arith.index_cast %mul3A_757 : i32 to index
        %get3A_763 = tpu.vector_load %arg5[%get3A_760, %get3A_761, %get3A_762] {strides = array<i32>} : memref<2x16x2048xf32, #tpu.memory_space<vmem>>, vector<16xf32>,
        %masked_sort3A_764 = arith.constant dense<true> : vector<16xi1>
        %masked_sort3A_765, %masked_sort3A_766, %masked_sort3A_767 = tpu.sort %get3A_763, %get3A_763 masked %masked_sort3A_764 {descending = true} : (vector<16xf32>, vector<16xf32>, vector<16xi1>) -> (vector<16xi1>, vector<16xf32>, vector<16xf32>)
        %max3A_768 = arith.maximumf %scan3A_567, %masked_sort3A_766 : vector<16xf32>
        %masked_sort3A_769 = arith.constant dense<true> : vector<16xi1>
        %masked_sort3A_770, %masked_sort3A_771, %masked_sort3A_772 = tpu.sort %max3A_768, %max3A_768 masked %masked_sort3A_769 : (vector<16xf32>, vector<16xf32>, vector<16xi1>) -> (vector<16xi1>, vector<16xf32>, vector<16xf32>)
        %mul3A_773 = arith.constant 16 : i32
        %mul3A_774 = arith.muli %scan3A_555, %mul3A_773 : i32
        %get3A_775 = arith.constant 0 : i32
        %get3A_776 = arith.constant 12 : i32
        %get3A_777 = arith.index_cast %get3A_775 : i32 to index
        %get3A_778 = arith.index_cast %get3A_776 : i32 to index
        %get3A_779 = arith.index_cast %mul3A_774 : i32 to index
        %get3A_780 = tpu.vector_load %arg5[%get3A_777, %get3A_778, %get3A_779] {strides = array<i32>} : memref<2x16x2048xf32, #tpu.memory_space<vmem>>, vector<16xf32>,
        %masked_sort3A_781 = arith.constant dense<true> : vector<16xi1>
        %masked_sort3A_782, %masked_sort3A_783, %masked_sort3A_784 = tpu.sort %get3A_780, %get3A_780 masked %masked_sort3A_781 {descending = true} : (vector<16xf32>, vector<16xf32>, vector<16xi1>) -> (vector<16xi1>, vector<16xf32>, vector<16xf32>)
        %max3A_785 = arith.maximumf %scan3A_568, %masked_sort3A_783 : vector<16xf32>
        %masked_sort3A_786 = arith.constant dense<true> : vector<16xi1>
        %masked_sort3A_787, %masked_sort3A_788, %masked_sort3A_789 = tpu.sort %max3A_785, %max3A_785 masked %masked_sort3A_786 : (vector<16xf32>, vector<16xf32>, vector<16xi1>) -> (vector<16xi1>, vector<16xf32>, vector<16xf32>)
        %mul3A_790 = arith.constant 16 : i32
        %mul3A_791 = arith.muli %scan3A_555, %mul3A_790 : i32
        %get3A_792 = arith.constant 0 : i32
        %get3A_793 = arith.constant 13 : i32
        %get3A_794 = arith.index_cast %get3A_792 : i32 to index
        %get3A_795 = arith.index_cast %get3A_793 : i32 to index
        %get3A_796 = arith.index_cast %mul3A_791 : i32 to index
        %get3A_797 = tpu.vector_load %arg5[%get3A_794, %get3A_795, %get3A_796] {strides = array<i32>} : memref<2x16x2048xf32, #tpu.memory_space<vmem>>, vector<16xf32>,
        %masked_sort3A_798 = arith.constant dense<true> : vector<16xi1>
        %masked_sort3A_799, %masked_sort3A_800, %masked_sort3A_801 = tpu.sort %get3A_797, %get3A_797 masked %masked_sort3A_798 {descending = true} : (vector<16xf32>, vector<16xf32>, vector<16xi1>) -> (vector<16xi1>, vector<16xf32>, vector<16xf32>)
        %max3A_802 = arith.maximumf %scan3A_569, %masked_sort3A_800 : vector<16xf32>
        %masked_sort3A_803 = arith.constant dense<true> : vector<16xi1>
        %masked_sort3A_804, %masked_sort3A_805, %masked_sort3A_806 = tpu.sort %max3A_802, %max3A_802 masked %masked_sort3A_803 : (vector<16xf32>, vector<16xf32>, vector<16xi1>) -> (vector<16xi1>, vector<16xf32>, vector<16xf32>)
        %mul3A_807 = arith.constant 16 : i32
        %mul3A_808 = arith.muli %scan3A_555, %mul3A_807 : i32
        %get3A_809 = arith.constant 0 : i32
        %get3A_810 = arith.constant 14 : i32
        %get3A_811 = arith.index_cast %get3A_809 : i32 to index
        %get3A_812 = arith.index_cast %get3A_810 : i32 to index
        %get3A_813 = arith.index_cast %mul3A_808 : i32 to index
        %get3A_814 = tpu.vector_load %arg5[%get3A_811, %get3A_812, %get3A_813] {strides = array<i32>} : memref<2x16x2048xf32, #tpu.memory_space<vmem>>, vector<16xf32>,
        %masked_sort3A_815 = arith.constant dense<true> : vector<16xi1>
        %masked_sort3A_816, %masked_sort3A_817, %masked_sort3A_818 = tpu.sort %get3A_814, %get3A_814 masked %masked_sort3A_815 {descending = true} : (vector<16xf32>, vector<16xf32>, vector<16xi1>) -> (vector<16xi1>, vector<16xf32>, vector<16xf32>)
        %max3A_819 = arith.maximumf %scan3A_570, %masked_sort3A_817 : vector<16xf32>
        %masked_sort3A_820 = arith.constant dense<true> : vector<16xi1>
        %masked_sort3A_821, %masked_sort3A_822, %masked_sort3A_823 = tpu.sort %max3A_819, %max3A_819 masked %masked_sort3A_820 : (vector<16xf32>, vector<16xf32>, vector<16xi1>) -> (vector<16xi1>, vector<16xf32>, vector<16xf32>)
        %mul3A_824 = arith.constant 16 : i32
        %mul3A_825 = arith.muli %scan3A_555, %mul3A_824 : i32
        %get3A_826 = arith.constant 0 : i32
        %get3A_827 = arith.constant 15 : i32
        %get3A_828 = arith.index_cast %get3A_826 : i32 to index
        %get3A_829 = arith.index_cast %get3A_827 : i32 to index
        %get3A_830 = arith.index_cast %mul3A_825 : i32 to index
        %get3A_831 = tpu.vector_load %arg5[%get3A_828, %get3A_829, %get3A_830] {strides = array<i32>} : memref<2x16x2048xf32, #tpu.memory_space<vmem>>, vector<16xf32>,
        %masked_sort3A_832 = arith.constant dense<true> : vector<16xi1>
        %masked_sort3A_833, %masked_sort3A_834, %masked_sort3A_835 = tpu.sort %get3A_831, %get3A_831 masked %masked_sort3A_832 {descending = true} : (vector<16xf32>, vector<16xf32>, vector<16xi1>) -> (vector<16xi1>, vector<16xf32>, vector<16xf32>)
        %max3A_836 = arith.maximumf %scan3A_571, %masked_sort3A_834 : vector<16xf32>
        %masked_sort3A_837 = arith.constant dense<true> : vector<16xi1>
        %masked_sort3A_838, %masked_sort3A_839, %masked_sort3A_840 = tpu.sort %max3A_836, %max3A_836 masked %masked_sort3A_837 : (vector<16xf32>, vector<16xf32>, vector<16xi1>) -> (vector<16xi1>, vector<16xf32>, vector<16xf32>)
        scf.yield %masked_sort3A_584, %masked_sort3A_601, %masked_sort3A_618, %masked_sort3A_635, %masked_sort3A_652, %masked_sort3A_669, %masked_sort3A_686, %masked_sort3A_703, %masked_sort3A_720, %masked_sort3A_737, %masked_sort3A_754, %masked_sort3A_771, %masked_sort3A_788, %masked_sort3A_805, %masked_sort3A_822, %masked_sort3A_839 : vector<16xf32>, vector<16xf32>, vector<16xf32>, vector<16xf32>, vector<16xf32>, vector<16xf32>, vector<16xf32>, vector<16xf32>, vector<16xf32>, vector<16xf32>, vector<16xf32>, vector<16xf32>, vector<16xf32>, vector<16xf32>, vector<16xf32>, vector<16xf32>
      }
      %scan3A_75 = arith.constant 96 : i32
      %neg3A = arith.constant 0.000000e+00 : f32
      %neg3A_76 = vector.broadcast %neg3A : f32 to vector<16xf32>
      %neg3A_77 = arith.subf %neg3A_76, %scan3A_74#0 : vector<16xf32>
      %exp3A = math.exp %neg3A_77 : vector<16xf32>
      %add3A_78 = arith.constant 1.000000e+00 : f32
      %add3A_79 = vector.broadcast %add3A_78 : f32 to vector<16xf32>
      %add3A_80 = arith.addf %add3A_79, %exp3A : vector<16xf32>
      %div3A = arith.constant 1.000000e+00 : f32
      %div3A_81 = vector.broadcast %div3A : f32 to vector<16xf32>
      %div3A_82 = arith.divf %div3A_81, %add3A_80 : vector<16xf32>
      %jit3A = arith.constant 0.000000e+00 : f32
      %broadcast_in_dim3A_83 = vector.broadcast %jit3A : f32 to vector<16xf32>
      %select_n3A = arith.select %ge3A_9, %div3A_82, %broadcast_in_dim3A_83 : vector<16xi1>, vector<16xf32>
      %add3A_84 = arith.addf %scan3A_43, %select_n3A : vector<16xf32>
      %neg3A_85 = arith.constant 0.000000e+00 : f32
      %neg3A_86 = vector.broadcast %neg3A_85 : f32 to vector<16xf32>
      %neg3A_87 = arith.subf %neg3A_86, %scan3A_74#1 : vector<16xf32>
      %exp3A_88 = math.exp %neg3A_87 : vector<16xf32>
      %add3A_89 = arith.constant 1.000000e+00 : f32
      %add3A_90 = vector.broadcast %add3A_89 : f32 to vector<16xf32>
      %add3A_91 = arith.addf %add3A_90, %exp3A_88 : vector<16xf32>
      %div3A_92 = arith.constant 1.000000e+00 : f32
      %div3A_93 = vector.broadcast %div3A_92 : f32 to vector<16xf32>
      %div3A_94 = arith.divf %div3A_93, %add3A_91 : vector<16xf32>
      %jit3A_95 = arith.constant 0.000000e+00 : f32
      %broadcast_in_dim3A_96 = vector.broadcast %jit3A_95 : f32 to vector<16xf32>
      %select_n3A_97 = arith.select %ge3A_9, %div3A_94, %broadcast_in_dim3A_96 : vector<16xi1>, vector<16xf32>
      %add3A_98 = arith.addf %add3A_84, %select_n3A_97 : vector<16xf32>
      %neg3A_99 = arith.constant 0.000000e+00 : f32
      %neg3A_100 = vector.broadcast %neg3A_99 : f32 to vector<16xf32>
      %neg3A_101 = arith.subf %neg3A_100, %scan3A_74#2 : vector<16xf32>
      %exp3A_102 = math.exp %neg3A_101 : vector<16xf32>
      %add3A_103 = arith.constant 1.000000e+00 : f32
      %add3A_104 = vector.broadcast %add3A_103 : f32 to vector<16xf32>
      %add3A_105 = arith.addf %add3A_104, %exp3A_102 : vector<16xf32>
      %div3A_106 = arith.constant 1.000000e+00 : f32
      %div3A_107 = vector.broadcast %div3A_106 : f32 to vector<16xf32>
      %div3A_108 = arith.divf %div3A_107, %add3A_105 : vector<16xf32>
      %jit3A_109 = arith.constant 0.000000e+00 : f32
      %broadcast_in_dim3A_110 = vector.broadcast %jit3A_109 : f32 to vector<16xf32>
      %select_n3A_111 = arith.select %ge3A_9, %div3A_108, %broadcast_in_dim3A_110 : vector<16xi1>, vector<16xf32>
      %add3A_112 = arith.addf %add3A_98, %select_n3A_111 : vector<16xf32>
      %neg3A_113 = arith.constant 0.000000e+00 : f32
      %neg3A_114 = vector.broadcast %neg3A_113 : f32 to vector<16xf32>
      %neg3A_115 = arith.subf %neg3A_114, %scan3A_74#3 : vector<16xf32>
      %exp3A_116 = math.exp %neg3A_115 : vector<16xf32>
      %add3A_117 = arith.constant 1.000000e+00 : f32
      %add3A_118 = vector.broadcast %add3A_117 : f32 to vector<16xf32>
      %add3A_119 = arith.addf %add3A_118, %exp3A_116 : vector<16xf32>
      %div3A_120 = arith.constant 1.000000e+00 : f32
      %div3A_121 = vector.broadcast %div3A_120 : f32 to vector<16xf32>
      %div3A_122 = arith.divf %div3A_121, %add3A_119 : vector<16xf32>
      %jit3A_123 = arith.constant 0.000000e+00 : f32
      %broadcast_in_dim3A_124 = vector.broadcast %jit3A_123 : f32 to vector<16xf32>
      %select_n3A_125 = arith.select %ge3A_9, %div3A_122, %broadcast_in_dim3A_124 : vector<16xi1>, vector<16xf32>
      %add3A_126 = arith.addf %add3A_112, %select_n3A_125 : vector<16xf32>
      %neg3A_127 = arith.constant 0.000000e+00 : f32
      %neg3A_128 = vector.broadcast %neg3A_127 : f32 to vector<16xf32>
      %neg3A_129 = arith.subf %neg3A_128, %scan3A_74#4 : vector<16xf32>
      %exp3A_130 = math.exp %neg3A_129 : vector<16xf32>
      %add3A_131 = arith.constant 1.000000e+00 : f32
      %add3A_132 = vector.broadcast %add3A_131 : f32 to vector<16xf32>
      %add3A_133 = arith.addf %add3A_132, %exp3A_130 : vector<16xf32>
      %div3A_134 = arith.constant 1.000000e+00 : f32
      %div3A_135 = vector.broadcast %div3A_134 : f32 to vector<16xf32>
      %div3A_136 = arith.divf %div3A_135, %add3A_133 : vector<16xf32>
      %jit3A_137 = arith.constant 0.000000e+00 : f32
      %broadcast_in_dim3A_138 = vector.broadcast %jit3A_137 : f32 to vector<16xf32>
      %select_n3A_139 = arith.select %ge3A_9, %div3A_136, %broadcast_in_dim3A_138 : vector<16xi1>, vector<16xf32>
      %add3A_140 = arith.addf %add3A_126, %select_n3A_139 : vector<16xf32>
      %neg3A_141 = arith.constant 0.000000e+00 : f32
      %neg3A_142 = vector.broadcast %neg3A_141 : f32 to vector<16xf32>
      %neg3A_143 = arith.subf %neg3A_142, %scan3A_74#5 : vector<16xf32>
      %exp3A_144 = math.exp %neg3A_143 : vector<16xf32>
      %add3A_145 = arith.constant 1.000000e+00 : f32
      %add3A_146 = vector.broadcast %add3A_145 : f32 to vector<16xf32>
      %add3A_147 = arith.addf %add3A_146, %exp3A_144 : vector<16xf32>
      %div3A_148 = arith.constant 1.000000e+00 : f32
      %div3A_149 = vector.broadcast %div3A_148 : f32 to vector<16xf32>
      %div3A_150 = arith.divf %div3A_149, %add3A_147 : vector<16xf32>
      %jit3A_151 = arith.constant 0.000000e+00 : f32
      %broadcast_in_dim3A_152 = vector.broadcast %jit3A_151 : f32 to vector<16xf32>
      %select_n3A_153 = arith.select %ge3A_9, %div3A_150, %broadcast_in_dim3A_152 : vector<16xi1>, vector<16xf32>
      %add3A_154 = arith.addf %add3A_140, %select_n3A_153 : vector<16xf32>
      %neg3A_155 = arith.constant 0.000000e+00 : f32
      %neg3A_156 = vector.broadcast %neg3A_155 : f32 to vector<16xf32>
      %neg3A_157 = arith.subf %neg3A_156, %scan3A_74#6 : vector<16xf32>
      %exp3A_158 = math.exp %neg3A_157 : vector<16xf32>
      %add3A_159 = arith.constant 1.000000e+00 : f32
      %add3A_160 = vector.broadcast %add3A_159 : f32 to vector<16xf32>
      %add3A_161 = arith.addf %add3A_160, %exp3A_158 : vector<16xf32>
      %div3A_162 = arith.constant 1.000000e+00 : f32
      %div3A_163 = vector.broadcast %div3A_162 : f32 to vector<16xf32>
      %div3A_164 = arith.divf %div3A_163, %add3A_161 : vector<16xf32>
      %jit3A_165 = arith.constant 0.000000e+00 : f32
      %broadcast_in_dim3A_166 = vector.broadcast %jit3A_165 : f32 to vector<16xf32>
      %select_n3A_167 = arith.select %ge3A_9, %div3A_164, %broadcast_in_dim3A_166 : vector<16xi1>, vector<16xf32>
      %add3A_168 = arith.addf %add3A_154, %select_n3A_167 : vector<16xf32>
      %neg3A_169 = arith.constant 0.000000e+00 : f32
      %neg3A_170 = vector.broadcast %neg3A_169 : f32 to vector<16xf32>
      %neg3A_171 = arith.subf %neg3A_170, %scan3A_74#7 : vector<16xf32>
      %exp3A_172 = math.exp %neg3A_171 : vector<16xf32>
      %add3A_173 = arith.constant 1.000000e+00 : f32
      %add3A_174 = vector.broadcast %add3A_173 : f32 to vector<16xf32>
      %add3A_175 = arith.addf %add3A_174, %exp3A_172 : vector<16xf32>
      %div3A_176 = arith.constant 1.000000e+00 : f32
      %div3A_177 = vector.broadcast %div3A_176 : f32 to vector<16xf32>
      %div3A_178 = arith.divf %div3A_177, %add3A_175 : vector<16xf32>
      %jit3A_179 = arith.constant 0.000000e+00 : f32
      %broadcast_in_dim3A_180 = vector.broadcast %jit3A_179 : f32 to vector<16xf32>
      %select_n3A_181 = arith.select %ge3A_9, %div3A_178, %broadcast_in_dim3A_180 : vector<16xi1>, vector<16xf32>
      %add3A_182 = arith.addf %add3A_168, %select_n3A_181 : vector<16xf32>
      %neg3A_183 = arith.constant 0.000000e+00 : f32
      %neg3A_184 = vector.broadcast %neg3A_183 : f32 to vector<16xf32>
      %neg3A_185 = arith.subf %neg3A_184, %scan3A_74#8 : vector<16xf32>
      %exp3A_186 = math.exp %neg3A_185 : vector<16xf32>
      %add3A_187 = arith.constant 1.000000e+00 : f32
      %add3A_188 = vector.broadcast %add3A_187 : f32 to vector<16xf32>
      %add3A_189 = arith.addf %add3A_188, %exp3A_186 : vector<16xf32>
      %div3A_190 = arith.constant 1.000000e+00 : f32
      %div3A_191 = vector.broadcast %div3A_190 : f32 to vector<16xf32>
      %div3A_192 = arith.divf %div3A_191, %add3A_189 : vector<16xf32>
      %jit3A_193 = arith.constant 0.000000e+00 : f32
      %broadcast_in_dim3A_194 = vector.broadcast %jit3A_193 : f32 to vector<16xf32>
      %select_n3A_195 = arith.select %ge3A_9, %div3A_192, %broadcast_in_dim3A_194 : vector<16xi1>, vector<16xf32>
      %add3A_196 = arith.addf %add3A_182, %select_n3A_195 : vector<16xf32>
      %neg3A_197 = arith.constant 0.000000e+00 : f32
      %neg3A_198 = vector.broadcast %neg3A_197 : f32 to vector<16xf32>
      %neg3A_199 = arith.subf %neg3A_198, %scan3A_74#9 : vector<16xf32>
      %exp3A_200 = math.exp %neg3A_199 : vector<16xf32>
      %add3A_201 = arith.constant 1.000000e+00 : f32
      %add3A_202 = vector.broadcast %add3A_201 : f32 to vector<16xf32>
      %add3A_203 = arith.addf %add3A_202, %exp3A_200 : vector<16xf32>
      %div3A_204 = arith.constant 1.000000e+00 : f32
      %div3A_205 = vector.broadcast %div3A_204 : f32 to vector<16xf32>
      %div3A_206 = arith.divf %div3A_205, %add3A_203 : vector<16xf32>
      %jit3A_207 = arith.constant 0.000000e+00 : f32
      %broadcast_in_dim3A_208 = vector.broadcast %jit3A_207 : f32 to vector<16xf32>
      %select_n3A_209 = arith.select %ge3A_9, %div3A_206, %broadcast_in_dim3A_208 : vector<16xi1>, vector<16xf32>
      %add3A_210 = arith.addf %add3A_196, %select_n3A_209 : vector<16xf32>
      %neg3A_211 = arith.constant 0.000000e+00 : f32
      %neg3A_212 = vector.broadcast %neg3A_211 : f32 to vector<16xf32>
      %neg3A_213 = arith.subf %neg3A_212, %scan3A_74#10 : vector<16xf32>
      %exp3A_214 = math.exp %neg3A_213 : vector<16xf32>
      %add3A_215 = arith.constant 1.000000e+00 : f32
      %add3A_216 = vector.broadcast %add3A_215 : f32 to vector<16xf32>
      %add3A_217 = arith.addf %add3A_216, %exp3A_214 : vector<16xf32>
      %div3A_218 = arith.constant 1.000000e+00 : f32
      %div3A_219 = vector.broadcast %div3A_218 : f32 to vector<16xf32>
      %div3A_220 = arith.divf %div3A_219, %add3A_217 : vector<16xf32>
      %jit3A_221 = arith.constant 0.000000e+00 : f32
      %broadcast_in_dim3A_222 = vector.broadcast %jit3A_221 : f32 to vector<16xf32>
      %select_n3A_223 = arith.select %ge3A_9, %div3A_220, %broadcast_in_dim3A_222 : vector<16xi1>, vector<16xf32>
      %add3A_224 = arith.addf %add3A_210, %select_n3A_223 : vector<16xf32>
      %neg3A_225 = arith.constant 0.000000e+00 : f32
      %neg3A_226 = vector.broadcast %neg3A_225 : f32 to vector<16xf32>
      %neg3A_227 = arith.subf %neg3A_226, %scan3A_74#11 : vector<16xf32>
      %exp3A_228 = math.exp %neg3A_227 : vector<16xf32>
      %add3A_229 = arith.constant 1.000000e+00 : f32
      %add3A_230 = vector.broadcast %add3A_229 : f32 to vector<16xf32>
      %add3A_231 = arith.addf %add3A_230, %exp3A_228 : vector<16xf32>
      %div3A_232 = arith.constant 1.000000e+00 : f32
      %div3A_233 = vector.broadcast %div3A_232 : f32 to vector<16xf32>
      %div3A_234 = arith.divf %div3A_233, %add3A_231 : vector<16xf32>
      %jit3A_235 = arith.constant 0.000000e+00 : f32
      %broadcast_in_dim3A_236 = vector.broadcast %jit3A_235 : f32 to vector<16xf32>
      %select_n3A_237 = arith.select %ge3A_9, %div3A_234, %broadcast_in_dim3A_236 : vector<16xi1>, vector<16xf32>
      %add3A_238 = arith.addf %add3A_224, %select_n3A_237 : vector<16xf32>
      %neg3A_239 = arith.constant 0.000000e+00 : f32
      %neg3A_240 = vector.broadcast %neg3A_239 : f32 to vector<16xf32>
      %neg3A_241 = arith.subf %neg3A_240, %scan3A_74#12 : vector<16xf32>
      %exp3A_242 = math.exp %neg3A_241 : vector<16xf32>
      %add3A_243 = arith.constant 1.000000e+00 : f32
      %add3A_244 = vector.broadcast %add3A_243 : f32 to vector<16xf32>
      %add3A_245 = arith.addf %add3A_244, %exp3A_242 : vector<16xf32>
      %div3A_246 = arith.constant 1.000000e+00 : f32
      %div3A_247 = vector.broadcast %div3A_246 : f32 to vector<16xf32>
      %div3A_248 = arith.divf %div3A_247, %add3A_245 : vector<16xf32>
      %jit3A_249 = arith.constant 0.000000e+00 : f32
      %broadcast_in_dim3A_250 = vector.broadcast %jit3A_249 : f32 to vector<16xf32>
      %select_n3A_251 = arith.select %ge3A_9, %div3A_248, %broadcast_in_dim3A_250 : vector<16xi1>, vector<16xf32>
      %add3A_252 = arith.addf %add3A_238, %select_n3A_251 : vector<16xf32>
      %neg3A_253 = arith.constant 0.000000e+00 : f32
      %neg3A_254 = vector.broadcast %neg3A_253 : f32 to vector<16xf32>
      %neg3A_255 = arith.subf %neg3A_254, %scan3A_74#13 : vector<16xf32>
      %exp3A_256 = math.exp %neg3A_255 : vector<16xf32>
      %add3A_257 = arith.constant 1.000000e+00 : f32
      %add3A_258 = vector.broadcast %add3A_257 : f32 to vector<16xf32>
      %add3A_259 = arith.addf %add3A_258, %exp3A_256 : vector<16xf32>
      %div3A_260 = arith.constant 1.000000e+00 : f32
      %div3A_261 = vector.broadcast %div3A_260 : f32 to vector<16xf32>
      %div3A_262 = arith.divf %div3A_261, %add3A_259 : vector<16xf32>
      %jit3A_263 = arith.constant 0.000000e+00 : f32
      %broadcast_in_dim3A_264 = vector.broadcast %jit3A_263 : f32 to vector<16xf32>
      %select_n3A_265 = arith.select %ge3A_9, %div3A_262, %broadcast_in_dim3A_264 : vector<16xi1>, vector<16xf32>
      %add3A_266 = arith.addf %add3A_252, %select_n3A_265 : vector<16xf32>
      %neg3A_267 = arith.constant 0.000000e+00 : f32
      %neg3A_268 = vector.broadcast %neg3A_267 : f32 to vector<16xf32>
      %neg3A_269 = arith.subf %neg3A_268, %scan3A_74#14 : vector<16xf32>
      %exp3A_270 = math.exp %neg3A_269 : vector<16xf32>
      %add3A_271 = arith.constant 1.000000e+00 : f32
      %add3A_272 = vector.broadcast %add3A_271 : f32 to vector<16xf32>
      %add3A_273 = arith.addf %add3A_272, %exp3A_270 : vector<16xf32>
      %div3A_274 = arith.constant 1.000000e+00 : f32
      %div3A_275 = vector.broadcast %div3A_274 : f32 to vector<16xf32>
      %div3A_276 = arith.divf %div3A_275, %add3A_273 : vector<16xf32>
      %jit3A_277 = arith.constant 0.000000e+00 : f32
      %broadcast_in_dim3A_278 = vector.broadcast %jit3A_277 : f32 to vector<16xf32>
      %select_n3A_279 = arith.select %ge3A_9, %div3A_276, %broadcast_in_dim3A_278 : vector<16xi1>, vector<16xf32>
      %add3A_280 = arith.addf %add3A_266, %select_n3A_279 : vector<16xf32>
      %neg3A_281 = arith.constant 0.000000e+00 : f32
      %neg3A_282 = vector.broadcast %neg3A_281 : f32 to vector<16xf32>
      %neg3A_283 = arith.subf %neg3A_282, %scan3A_74#15 : vector<16xf32>
      %exp3A_284 = math.exp %neg3A_283 : vector<16xf32>
      %add3A_285 = arith.constant 1.000000e+00 : f32
      %add3A_286 = vector.broadcast %add3A_285 : f32 to vector<16xf32>
      %add3A_287 = arith.addf %add3A_286, %exp3A_284 : vector<16xf32>
      %div3A_288 = arith.constant 1.000000e+00 : f32
      %div3A_289 = vector.broadcast %div3A_288 : f32 to vector<16xf32>
      %div3A_290 = arith.divf %div3A_289, %add3A_287 : vector<16xf32>
      %jit3A_291 = arith.constant 0.000000e+00 : f32
      %broadcast_in_dim3A_292 = vector.broadcast %jit3A_291 : f32 to vector<16xf32>
      %select_n3A_293 = arith.select %ge3A_9, %div3A_290, %broadcast_in_dim3A_292 : vector<16xi1>, vector<16xf32>
      %add3A_294 = arith.addf %add3A_280, %select_n3A_293 : vector<16xf32>
      %mul3A_295 = arith.constant 2 : i32
      %mul3A_296 = arith.muli %scan3A_41, %mul3A_295 : i32
      %add3A_297 = arith.constant 1 : i32
      %add3A_298 = arith.addi %mul3A_296, %add3A_297 : i32
      %dma_wait3A_299 = arith.constant 1 : i32
      %dma_wait3A_300 = arith.constant 0 : i32
      %dma_wait3A_301 = arith.constant 0 : i32
      %dma_wait3A_302 = tpu.memref_slice %arg5[%dma_wait3A_299, %dma_wait3A_300, %dma_wait3A_301] : memref<2x16x2048xf32, #tpu.memory_space<vmem>> -> memref<1x16x2048xf32, #tpu.memory_space<vmem>>
      %dma_wait3A_303 = tpu.memref_squeeze %dma_wait3A_302 : memref<1x16x2048xf32, #tpu.memory_space<vmem>> -> memref<16x2048xf32, #tpu.memory_space<vmem>>
      %dma_wait3A_304 = arith.constant 0 : i32
      %dma_wait3A_305 = tpu.memref_slice %arg2[%mul3A_2, %dma_wait3A_304] : memref<4096x2048xf32, #tpu.memory_space<hbm>> -> memref<16x2048xf32, #tpu.memory_space<hbm>>
      %dma_wait3A_306 = arith.constant 0 : i32
      %dma_wait3A_307 = arith.constant 0 : i32
      %dma_wait3A_308 = tpu.memref_slice %arg5[%dma_wait3A_299, %dma_wait3A_306, %dma_wait3A_307] : memref<2x16x2048xf32, #tpu.memory_space<vmem>> -> memref<1x16x2048xf32, #tpu.memory_space<vmem>>
      %dma_wait3A_309 = tpu.memref_squeeze %dma_wait3A_308 : memref<1x16x2048xf32, #tpu.memory_space<vmem>> -> memref<16x2048xf32, #tpu.memory_space<vmem>>
      %dma_wait3A_310 = arith.constant 0 : i32
      %dma_wait3A_311 = tpu.memref_slice %arg2[%mul3A_2, %dma_wait3A_310] : memref<4096x2048xf32, #tpu.memory_space<hbm>> -> memref<16x2048xf32, #tpu.memory_space<hbm>>
      tpu.wait_dma2 semaphore(%arg7 : memref<!tpu.dma_semaphore, #tpu.memory_space<semaphore_mem>>) src(%dma_wait3A_311 : memref<16x2048xf32, #tpu.memory_space<hbm>>) dst(%dma_wait3A_309 : memref<16x2048xf32, #tpu.memory_space<vmem>>)
      %add3A_312 = arith.constant 1 : i32
      %add3A_313 = arith.addi %add3A_298, %add3A_312 : i32
      %lt3A_314 = arith.constant 8 : i32
      %lt3A_315 = arith.cmpi slt, %add3A_313, %lt3A_314 : i32
      %convert_element_type3A_316 = arith.extui %lt3A_315 : i1 to i32
      %cond3A_317 = arith.constant 0 : i32
      %cond3A_318 = arith.cmpi ne, %convert_element_type3A_316, %cond3A_317 : i32
      scf.if %cond3A_318 {
        %add3A_555 = arith.constant 1 : i32
        %add3A_556 = arith.addi %add3A_298, %add3A_555 : i32
        %mul3A_557 = arith.constant 16 : i32
        %mul3A_558 = arith.muli %add3A_556, %mul3A_557 : i32
        %add3A_559 = arith.addi %mul3A_2, %mul3A_558 : i32
        %dma_start3A_560 = arith.constant 0 : i32
        %dma_start3A_561 = arith.constant 0 : i32
        %dma_start3A_562 = arith.constant 0 : i32
        %dma_start3A_563 = tpu.memref_slice %arg5[%dma_start3A_560, %dma_start3A_561, %dma_start3A_562] : memref<2x16x2048xf32, #tpu.memory_space<vmem>> -> memref<1x16x2048xf32, #tpu.memory_space<vmem>>
        %dma_start3A_564 = tpu.memref_squeeze %dma_start3A_563 : memref<1x16x2048xf32, #tpu.memory_space<vmem>> -> memref<16x2048xf32, #tpu.memory_space<vmem>>
        %dma_start3A_565 = arith.constant 0 : i32
        %dma_start3A_566 = tpu.memref_slice %arg2[%add3A_559, %dma_start3A_565] : memref<4096x2048xf32, #tpu.memory_space<hbm>> -> memref<16x2048xf32, #tpu.memory_space<hbm>>
        %dma_start3A_567 = arith.constant 0 : i32
        %dma_start3A_568 = arith.constant 0 : i32
        %dma_start3A_569 = tpu.memref_slice %arg5[%dma_start3A_560, %dma_start3A_567, %dma_start3A_568] : memref<2x16x2048xf32, #tpu.memory_space<vmem>> -> memref<1x16x2048xf32, #tpu.memory_space<vmem>>
        %dma_start3A_570 = tpu.memref_squeeze %dma_start3A_569 : memref<1x16x2048xf32, #tpu.memory_space<vmem>> -> memref<16x2048xf32, #tpu.memory_space<vmem>>
        %dma_start3A_571 = arith.constant 0 : i32
        %dma_start3A_572 = tpu.memref_slice %arg2[%add3A_559, %dma_start3A_571] : memref<4096x2048xf32, #tpu.memory_space<hbm>> -> memref<16x2048xf32, #tpu.memory_space<hbm>>
        tpu.enqueue_dma source(%dma_start3A_572 : memref<16x2048xf32, #tpu.memory_space<hbm>>) target(%dma_start3A_570 : memref<16x2048xf32, #tpu.memory_space<vmem>>) target_semaphore(%arg6 : memref<!tpu.dma_semaphore, #tpu.memory_space<semaphore_mem>>)
      } else {
      }
      %scan3A_319 = arith.constant 0 : i32
      %scan3A_320 = arith.constant 32 : i32
      %scan3A_321 = arith.addi %scan3A_319, %scan3A_320 : i32
      %scan3A_322 = arith.constant 1 : i32
      %scan3A_323:17 = scf.for %scan3A_555 = %scan3A_319 to %scan3A_321 step %scan3A_322 iter_args(%scan3A_556 = %broadcast_in_dim3A_3, %scan3A_557 = %broadcast_in_dim3A_3, %scan3A_558 = %broadcast_in_dim3A_3, %scan3A_559 = %broadcast_in_dim3A_3, %scan3A_560 = %broadcast_in_dim3A_3, %scan3A_561 = %broadcast_in_dim3A_3, %scan3A_562 = %broadcast_in_dim3A_3, %scan3A_563 = %broadcast_in_dim3A_3, %scan3A_564 = %broadcast_in_dim3A_3, %scan3A_565 = %broadcast_in_dim3A_3, %scan3A_566 = %broadcast_in_dim3A_3, %scan3A_567 = %broadcast_in_dim3A_3, %scan3A_568 = %broadcast_in_dim3A_3, %scan3A_569 = %broadcast_in_dim3A_3, %scan3A_570 = %broadcast_in_dim3A_3, %scan3A_571 = %broadcast_in_dim3A_3, %scan3A_572 = %scan3A_68#16) -> (vector<16xf32>, vector<16xf32>, vector<16xf32>, vector<16xf32>, vector<16xf32>, vector<16xf32>, vector<16xf32>, vector<16xf32>, vector<16xf32>, vector<16xf32>, vector<16xf32>, vector<16xf32>, vector<16xf32>, vector<16xf32>, vector<16xf32>, vector<16xf32>, vector<16xf32>)  : i32 {
        %mul3A_573 = arith.constant 16 : i32
        %mul3A_574 = arith.muli %scan3A_555, %mul3A_573 : i32
        %get3A = arith.constant 1 : i32
        %get3A_575 = arith.constant 0 : i32
        %get3A_576 = arith.index_cast %get3A : i32 to index
        %get3A_577 = arith.index_cast %get3A_575 : i32 to index
        %get3A_578 = arith.index_cast %mul3A_574 : i32 to index
        %get3A_579 = tpu.vector_load %arg5[%get3A_576, %get3A_577, %get3A_578] {strides = array<i32>} : memref<2x16x2048xf32, #tpu.memory_space<vmem>>, vector<16xf32>,
        %neg3A_580 = arith.constant 0.000000e+00 : f32
        %neg3A_581 = vector.broadcast %neg3A_580 : f32 to vector<16xf32>
        %neg3A_582 = arith.subf %neg3A_581, %get3A_579 : vector<16xf32>
        %exp3A_583 = math.exp %neg3A_582 : vector<16xf32>
        %add3A_584 = arith.constant 1.000000e+00 : f32
        %add3A_585 = vector.broadcast %add3A_584 : f32 to vector<16xf32>
        %add3A_586 = arith.addf %add3A_585, %exp3A_583 : vector<16xf32>
        %div3A_587 = arith.constant 1.000000e+00 : f32
        %div3A_588 = vector.broadcast %div3A_587 : f32 to vector<16xf32>
        %div3A_589 = arith.divf %div3A_588, %add3A_586 : vector<16xf32>
        %add3A_590 = arith.addf %scan3A_572, %div3A_589 : vector<16xf32>
        %masked_sort3A = arith.constant dense<true> : vector<16xi1>
        %masked_sort3A_591, %masked_sort3A_592, %masked_sort3A_593 = tpu.sort %get3A_579, %get3A_579 masked %masked_sort3A {descending = true} : (vector<16xf32>, vector<16xf32>, vector<16xi1>) -> (vector<16xi1>, vector<16xf32>, vector<16xf32>)
        %max3A = arith.maximumf %scan3A_556, %masked_sort3A_592 : vector<16xf32>
        %masked_sort3A_594 = arith.constant dense<true> : vector<16xi1>
        %masked_sort3A_595, %masked_sort3A_596, %masked_sort3A_597 = tpu.sort %max3A, %max3A masked %masked_sort3A_594 : (vector<16xf32>, vector<16xf32>, vector<16xi1>) -> (vector<16xi1>, vector<16xf32>, vector<16xf32>)
        %mul3A_598 = arith.constant 16 : i32
        %mul3A_599 = arith.muli %scan3A_555, %mul3A_598 : i32
        %get3A_600 = arith.constant 1 : i32
        %get3A_601 = arith.constant 1 : i32
        %get3A_602 = arith.index_cast %get3A_600 : i32 to index
        %get3A_603 = arith.index_cast %get3A_601 : i32 to index
        %get3A_604 = arith.index_cast %mul3A_599 : i32 to index
        %get3A_605 = tpu.vector_load %arg5[%get3A_602, %get3A_603, %get3A_604] {strides = array<i32>} : memref<2x16x2048xf32, #tpu.memory_space<vmem>>, vector<16xf32>,
        %neg3A_606 = arith.constant 0.000000e+00 : f32
        %neg3A_607 = vector.broadcast %neg3A_606 : f32 to vector<16xf32>
        %neg3A_608 = arith.subf %neg3A_607, %get3A_605 : vector<16xf32>
        %exp3A_609 = math.exp %neg3A_608 : vector<16xf32>
        %add3A_610 = arith.constant 1.000000e+00 : f32
        %add3A_611 = vector.broadcast %add3A_610 : f32 to vector<16xf32>
        %add3A_612 = arith.addf %add3A_611, %exp3A_609 : vector<16xf32>
        %div3A_613 = arith.constant 1.000000e+00 : f32
        %div3A_614 = vector.broadcast %div3A_613 : f32 to vector<16xf32>
        %div3A_615 = arith.divf %div3A_614, %add3A_612 : vector<16xf32>
        %add3A_616 = arith.addf %add3A_590, %div3A_615 : vector<16xf32>
        %masked_sort3A_617 = arith.constant dense<true> : vector<16xi1>
        %masked_sort3A_618, %masked_sort3A_619, %masked_sort3A_620 = tpu.sort %get3A_605, %get3A_605 masked %masked_sort3A_617 {descending = true} : (vector<16xf32>, vector<16xf32>, vector<16xi1>) -> (vector<16xi1>, vector<16xf32>, vector<16xf32>)
        %max3A_621 = arith.maximumf %scan3A_557, %masked_sort3A_619 : vector<16xf32>
        %masked_sort3A_622 = arith.constant dense<true> : vector<16xi1>
        %masked_sort3A_623, %masked_sort3A_624, %masked_sort3A_625 = tpu.sort %max3A_621, %max3A_621 masked %masked_sort3A_622 : (vector<16xf32>, vector<16xf32>, vector<16xi1>) -> (vector<16xi1>, vector<16xf32>, vector<16xf32>)
        %mul3A_626 = arith.constant 16 : i32
        %mul3A_627 = arith.muli %scan3A_555, %mul3A_626 : i32
        %get3A_628 = arith.constant 1 : i32
        %get3A_629 = arith.constant 2 : i32
        %get3A_630 = arith.index_cast %get3A_628 : i32 to index
        %get3A_631 = arith.index_cast %get3A_629 : i32 to index
        %get3A_632 = arith.index_cast %mul3A_627 : i32 to index
        %get3A_633 = tpu.vector_load %arg5[%get3A_630, %get3A_631, %get3A_632] {strides = array<i32>} : memref<2x16x2048xf32, #tpu.memory_space<vmem>>, vector<16xf32>,
        %neg3A_634 = arith.constant 0.000000e+00 : f32
        %neg3A_635 = vector.broadcast %neg3A_634 : f32 to vector<16xf32>
        %neg3A_636 = arith.subf %neg3A_635, %get3A_633 : vector<16xf32>
        %exp3A_637 = math.exp %neg3A_636 : vector<16xf32>
        %add3A_638 = arith.constant 1.000000e+00 : f32
        %add3A_639 = vector.broadcast %add3A_638 : f32 to vector<16xf32>
        %add3A_640 = arith.addf %add3A_639, %exp3A_637 : vector<16xf32>
        %div3A_641 = arith.constant 1.000000e+00 : f32
        %div3A_642 = vector.broadcast %div3A_641 : f32 to vector<16xf32>
        %div3A_643 = arith.divf %div3A_642, %add3A_640 : vector<16xf32>
        %add3A_644 = arith.addf %add3A_616, %div3A_643 : vector<16xf32>
        %masked_sort3A_645 = arith.constant dense<true> : vector<16xi1>
        %masked_sort3A_646, %masked_sort3A_647, %masked_sort3A_648 = tpu.sort %get3A_633, %get3A_633 masked %masked_sort3A_645 {descending = true} : (vector<16xf32>, vector<16xf32>, vector<16xi1>) -> (vector<16xi1>, vector<16xf32>, vector<16xf32>)
        %max3A_649 = arith.maximumf %scan3A_558, %masked_sort3A_647 : vector<16xf32>
        %masked_sort3A_650 = arith.constant dense<true> : vector<16xi1>
        %masked_sort3A_651, %masked_sort3A_652, %masked_sort3A_653 = tpu.sort %max3A_649, %max3A_649 masked %masked_sort3A_650 : (vector<16xf32>, vector<16xf32>, vector<16xi1>) -> (vector<16xi1>, vector<16xf32>, vector<16xf32>)
        %mul3A_654 = arith.constant 16 : i32
        %mul3A_655 = arith.muli %scan3A_555, %mul3A_654 : i32
        %get3A_656 = arith.constant 1 : i32
        %get3A_657 = arith.constant 3 : i32
        %get3A_658 = arith.index_cast %get3A_656 : i32 to index
        %get3A_659 = arith.index_cast %get3A_657 : i32 to index
        %get3A_660 = arith.index_cast %mul3A_655 : i32 to index
        %get3A_661 = tpu.vector_load %arg5[%get3A_658, %get3A_659, %get3A_660] {strides = array<i32>} : memref<2x16x2048xf32, #tpu.memory_space<vmem>>, vector<16xf32>,
        %neg3A_662 = arith.constant 0.000000e+00 : f32
        %neg3A_663 = vector.broadcast %neg3A_662 : f32 to vector<16xf32>
        %neg3A_664 = arith.subf %neg3A_663, %get3A_661 : vector<16xf32>
        %exp3A_665 = math.exp %neg3A_664 : vector<16xf32>
        %add3A_666 = arith.constant 1.000000e+00 : f32
        %add3A_667 = vector.broadcast %add3A_666 : f32 to vector<16xf32>
        %add3A_668 = arith.addf %add3A_667, %exp3A_665 : vector<16xf32>
        %div3A_669 = arith.constant 1.000000e+00 : f32
        %div3A_670 = vector.broadcast %div3A_669 : f32 to vector<16xf32>
        %div3A_671 = arith.divf %div3A_670, %add3A_668 : vector<16xf32>
        %add3A_672 = arith.addf %add3A_644, %div3A_671 : vector<16xf32>
        %masked_sort3A_673 = arith.constant dense<true> : vector<16xi1>
        %masked_sort3A_674, %masked_sort3A_675, %masked_sort3A_676 = tpu.sort %get3A_661, %get3A_661 masked %masked_sort3A_673 {descending = true} : (vector<16xf32>, vector<16xf32>, vector<16xi1>) -> (vector<16xi1>, vector<16xf32>, vector<16xf32>)
        %max3A_677 = arith.maximumf %scan3A_559, %masked_sort3A_675 : vector<16xf32>
        %masked_sort3A_678 = arith.constant dense<true> : vector<16xi1>
        %masked_sort3A_679, %masked_sort3A_680, %masked_sort3A_681 = tpu.sort %max3A_677, %max3A_677 masked %masked_sort3A_678 : (vector<16xf32>, vector<16xf32>, vector<16xi1>) -> (vector<16xi1>, vector<16xf32>, vector<16xf32>)
        %mul3A_682 = arith.constant 16 : i32
        %mul3A_683 = arith.muli %scan3A_555, %mul3A_682 : i32
        %get3A_684 = arith.constant 1 : i32
        %get3A_685 = arith.constant 4 : i32
        %get3A_686 = arith.index_cast %get3A_684 : i32 to index
        %get3A_687 = arith.index_cast %get3A_685 : i32 to index
        %get3A_688 = arith.index_cast %mul3A_683 : i32 to index
        %get3A_689 = tpu.vector_load %arg5[%get3A_686, %get3A_687, %get3A_688] {strides = array<i32>} : memref<2x16x2048xf32, #tpu.memory_space<vmem>>, vector<16xf32>,
        %neg3A_690 = arith.constant 0.000000e+00 : f32
        %neg3A_691 = vector.broadcast %neg3A_690 : f32 to vector<16xf32>
        %neg3A_692 = arith.subf %neg3A_691, %get3A_689 : vector<16xf32>
        %exp3A_693 = math.exp %neg3A_692 : vector<16xf32>
        %add3A_694 = arith.constant 1.000000e+00 : f32
        %add3A_695 = vector.broadcast %add3A_694 : f32 to vector<16xf32>
        %add3A_696 = arith.addf %add3A_695, %exp3A_693 : vector<16xf32>
        %div3A_697 = arith.constant 1.000000e+00 : f32
        %div3A_698 = vector.broadcast %div3A_697 : f32 to vector<16xf32>
        %div3A_699 = arith.divf %div3A_698, %add3A_696 : vector<16xf32>
        %add3A_700 = arith.addf %add3A_672, %div3A_699 : vector<16xf32>
        %masked_sort3A_701 = arith.constant dense<true> : vector<16xi1>
        %masked_sort3A_702, %masked_sort3A_703, %masked_sort3A_704 = tpu.sort %get3A_689, %get3A_689 masked %masked_sort3A_701 {descending = true} : (vector<16xf32>, vector<16xf32>, vector<16xi1>) -> (vector<16xi1>, vector<16xf32>, vector<16xf32>)
        %max3A_705 = arith.maximumf %scan3A_560, %masked_sort3A_703 : vector<16xf32>
        %masked_sort3A_706 = arith.constant dense<true> : vector<16xi1>
        %masked_sort3A_707, %masked_sort3A_708, %masked_sort3A_709 = tpu.sort %max3A_705, %max3A_705 masked %masked_sort3A_706 : (vector<16xf32>, vector<16xf32>, vector<16xi1>) -> (vector<16xi1>, vector<16xf32>, vector<16xf32>)
        %mul3A_710 = arith.constant 16 : i32
        %mul3A_711 = arith.muli %scan3A_555, %mul3A_710 : i32
        %get3A_712 = arith.constant 1 : i32
        %get3A_713 = arith.constant 5 : i32
        %get3A_714 = arith.index_cast %get3A_712 : i32 to index
        %get3A_715 = arith.index_cast %get3A_713 : i32 to index
        %get3A_716 = arith.index_cast %mul3A_711 : i32 to index
        %get3A_717 = tpu.vector_load %arg5[%get3A_714, %get3A_715, %get3A_716] {strides = array<i32>} : memref<2x16x2048xf32, #tpu.memory_space<vmem>>, vector<16xf32>,
        %neg3A_718 = arith.constant 0.000000e+00 : f32
        %neg3A_719 = vector.broadcast %neg3A_718 : f32 to vector<16xf32>
        %neg3A_720 = arith.subf %neg3A_719, %get3A_717 : vector<16xf32>
        %exp3A_721 = math.exp %neg3A_720 : vector<16xf32>
        %add3A_722 = arith.constant 1.000000e+00 : f32
        %add3A_723 = vector.broadcast %add3A_722 : f32 to vector<16xf32>
        %add3A_724 = arith.addf %add3A_723, %exp3A_721 : vector<16xf32>
        %div3A_725 = arith.constant 1.000000e+00 : f32
        %div3A_726 = vector.broadcast %div3A_725 : f32 to vector<16xf32>
        %div3A_727 = arith.divf %div3A_726, %add3A_724 : vector<16xf32>
        %add3A_728 = arith.addf %add3A_700, %div3A_727 : vector<16xf32>
        %masked_sort3A_729 = arith.constant dense<true> : vector<16xi1>
        %masked_sort3A_730, %masked_sort3A_731, %masked_sort3A_732 = tpu.sort %get3A_717, %get3A_717 masked %masked_sort3A_729 {descending = true} : (vector<16xf32>, vector<16xf32>, vector<16xi1>) -> (vector<16xi1>, vector<16xf32>, vector<16xf32>)
        %max3A_733 = arith.maximumf %scan3A_561, %masked_sort3A_731 : vector<16xf32>
        %masked_sort3A_734 = arith.constant dense<true> : vector<16xi1>
        %masked_sort3A_735, %masked_sort3A_736, %masked_sort3A_737 = tpu.sort %max3A_733, %max3A_733 masked %masked_sort3A_734 : (vector<16xf32>, vector<16xf32>, vector<16xi1>) -> (vector<16xi1>, vector<16xf32>, vector<16xf32>)
        %mul3A_738 = arith.constant 16 : i32
        %mul3A_739 = arith.muli %scan3A_555, %mul3A_738 : i32
        %get3A_740 = arith.constant 1 : i32
        %get3A_741 = arith.constant 6 : i32
        %get3A_742 = arith.index_cast %get3A_740 : i32 to index
        %get3A_743 = arith.index_cast %get3A_741 : i32 to index
        %get3A_744 = arith.index_cast %mul3A_739 : i32 to index
        %get3A_745 = tpu.vector_load %arg5[%get3A_742, %get3A_743, %get3A_744] {strides = array<i32>} : memref<2x16x2048xf32, #tpu.memory_space<vmem>>, vector<16xf32>,
        %neg3A_746 = arith.constant 0.000000e+00 : f32
        %neg3A_747 = vector.broadcast %neg3A_746 : f32 to vector<16xf32>
        %neg3A_748 = arith.subf %neg3A_747, %get3A_745 : vector<16xf32>
        %exp3A_749 = math.exp %neg3A_748 : vector<16xf32>
        %add3A_750 = arith.constant 1.000000e+00 : f32
        %add3A_751 = vector.broadcast %add3A_750 : f32 to vector<16xf32>
        %add3A_752 = arith.addf %add3A_751, %exp3A_749 : vector<16xf32>
        %div3A_753 = arith.constant 1.000000e+00 : f32
        %div3A_754 = vector.broadcast %div3A_753 : f32 to vector<16xf32>
        %div3A_755 = arith.divf %div3A_754, %add3A_752 : vector<16xf32>
        %add3A_756 = arith.addf %add3A_728, %div3A_755 : vector<16xf32>
        %masked_sort3A_757 = arith.constant dense<true> : vector<16xi1>
        %masked_sort3A_758, %masked_sort3A_759, %masked_sort3A_760 = tpu.sort %get3A_745, %get3A_745 masked %masked_sort3A_757 {descending = true} : (vector<16xf32>, vector<16xf32>, vector<16xi1>) -> (vector<16xi1>, vector<16xf32>, vector<16xf32>)
        %max3A_761 = arith.maximumf %scan3A_562, %masked_sort3A_759 : vector<16xf32>
        %masked_sort3A_762 = arith.constant dense<true> : vector<16xi1>
        %masked_sort3A_763, %masked_sort3A_764, %masked_sort3A_765 = tpu.sort %max3A_761, %max3A_761 masked %masked_sort3A_762 : (vector<16xf32>, vector<16xf32>, vector<16xi1>) -> (vector<16xi1>, vector<16xf32>, vector<16xf32>)
        %mul3A_766 = arith.constant 16 : i32
        %mul3A_767 = arith.muli %scan3A_555, %mul3A_766 : i32
        %get3A_768 = arith.constant 1 : i32
        %get3A_769 = arith.constant 7 : i32
        %get3A_770 = arith.index_cast %get3A_768 : i32 to index
        %get3A_771 = arith.index_cast %get3A_769 : i32 to index
        %get3A_772 = arith.index_cast %mul3A_767 : i32 to index
        %get3A_773 = tpu.vector_load %arg5[%get3A_770, %get3A_771, %get3A_772] {strides = array<i32>} : memref<2x16x2048xf32, #tpu.memory_space<vmem>>, vector<16xf32>,
        %neg3A_774 = arith.constant 0.000000e+00 : f32
        %neg3A_775 = vector.broadcast %neg3A_774 : f32 to vector<16xf32>
        %neg3A_776 = arith.subf %neg3A_775, %get3A_773 : vector<16xf32>
        %exp3A_777 = math.exp %neg3A_776 : vector<16xf32>
        %add3A_778 = arith.constant 1.000000e+00 : f32
        %add3A_779 = vector.broadcast %add3A_778 : f32 to vector<16xf32>
        %add3A_780 = arith.addf %add3A_779, %exp3A_777 : vector<16xf32>
        %div3A_781 = arith.constant 1.000000e+00 : f32
        %div3A_782 = vector.broadcast %div3A_781 : f32 to vector<16xf32>
        %div3A_783 = arith.divf %div3A_782, %add3A_780 : vector<16xf32>
        %add3A_784 = arith.addf %add3A_756, %div3A_783 : vector<16xf32>
        %masked_sort3A_785 = arith.constant dense<true> : vector<16xi1>
        %masked_sort3A_786, %masked_sort3A_787, %masked_sort3A_788 = tpu.sort %get3A_773, %get3A_773 masked %masked_sort3A_785 {descending = true} : (vector<16xf32>, vector<16xf32>, vector<16xi1>) -> (vector<16xi1>, vector<16xf32>, vector<16xf32>)
        %max3A_789 = arith.maximumf %scan3A_563, %masked_sort3A_787 : vector<16xf32>
        %masked_sort3A_790 = arith.constant dense<true> : vector<16xi1>
        %masked_sort3A_791, %masked_sort3A_792, %masked_sort3A_793 = tpu.sort %max3A_789, %max3A_789 masked %masked_sort3A_790 : (vector<16xf32>, vector<16xf32>, vector<16xi1>) -> (vector<16xi1>, vector<16xf32>, vector<16xf32>)
        %mul3A_794 = arith.constant 16 : i32
        %mul3A_795 = arith.muli %scan3A_555, %mul3A_794 : i32
        %get3A_796 = arith.constant 1 : i32
        %get3A_797 = arith.constant 8 : i32
        %get3A_798 = arith.index_cast %get3A_796 : i32 to index
        %get3A_799 = arith.index_cast %get3A_797 : i32 to index
        %get3A_800 = arith.index_cast %mul3A_795 : i32 to index
        %get3A_801 = tpu.vector_load %arg5[%get3A_798, %get3A_799, %get3A_800] {strides = array<i32>} : memref<2x16x2048xf32, #tpu.memory_space<vmem>>, vector<16xf32>,
        %neg3A_802 = arith.constant 0.000000e+00 : f32
        %neg3A_803 = vector.broadcast %neg3A_802 : f32 to vector<16xf32>
        %neg3A_804 = arith.subf %neg3A_803, %get3A_801 : vector<16xf32>
        %exp3A_805 = math.exp %neg3A_804 : vector<16xf32>
        %add3A_806 = arith.constant 1.000000e+00 : f32
        %add3A_807 = vector.broadcast %add3A_806 : f32 to vector<16xf32>
        %add3A_808 = arith.addf %add3A_807, %exp3A_805 : vector<16xf32>
        %div3A_809 = arith.constant 1.000000e+00 : f32
        %div3A_810 = vector.broadcast %div3A_809 : f32 to vector<16xf32>
        %div3A_811 = arith.divf %div3A_810, %add3A_808 : vector<16xf32>
        %add3A_812 = arith.addf %add3A_784, %div3A_811 : vector<16xf32>
        %masked_sort3A_813 = arith.constant dense<true> : vector<16xi1>
        %masked_sort3A_814, %masked_sort3A_815, %masked_sort3A_816 = tpu.sort %get3A_801, %get3A_801 masked %masked_sort3A_813 {descending = true} : (vector<16xf32>, vector<16xf32>, vector<16xi1>) -> (vector<16xi1>, vector<16xf32>, vector<16xf32>)
        %max3A_817 = arith.maximumf %scan3A_564, %masked_sort3A_815 : vector<16xf32>
        %masked_sort3A_818 = arith.constant dense<true> : vector<16xi1>
        %masked_sort3A_819, %masked_sort3A_820, %masked_sort3A_821 = tpu.sort %max3A_817, %max3A_817 masked %masked_sort3A_818 : (vector<16xf32>, vector<16xf32>, vector<16xi1>) -> (vector<16xi1>, vector<16xf32>, vector<16xf32>)
        %mul3A_822 = arith.constant 16 : i32
        %mul3A_823 = arith.muli %scan3A_555, %mul3A_822 : i32
        %get3A_824 = arith.constant 1 : i32
        %get3A_825 = arith.constant 9 : i32
        %get3A_826 = arith.index_cast %get3A_824 : i32 to index
        %get3A_827 = arith.index_cast %get3A_825 : i32 to index
        %get3A_828 = arith.index_cast %mul3A_823 : i32 to index
        %get3A_829 = tpu.vector_load %arg5[%get3A_826, %get3A_827, %get3A_828] {strides = array<i32>} : memref<2x16x2048xf32, #tpu.memory_space<vmem>>, vector<16xf32>,
        %neg3A_830 = arith.constant 0.000000e+00 : f32
        %neg3A_831 = vector.broadcast %neg3A_830 : f32 to vector<16xf32>
        %neg3A_832 = arith.subf %neg3A_831, %get3A_829 : vector<16xf32>
        %exp3A_833 = math.exp %neg3A_832 : vector<16xf32>
        %add3A_834 = arith.constant 1.000000e+00 : f32
        %add3A_835 = vector.broadcast %add3A_834 : f32 to vector<16xf32>
        %add3A_836 = arith.addf %add3A_835, %exp3A_833 : vector<16xf32>
        %div3A_837 = arith.constant 1.000000e+00 : f32
        %div3A_838 = vector.broadcast %div3A_837 : f32 to vector<16xf32>
        %div3A_839 = arith.divf %div3A_838, %add3A_836 : vector<16xf32>
        %add3A_840 = arith.addf %add3A_812, %div3A_839 : vector<16xf32>
        %masked_sort3A_841 = arith.constant dense<true> : vector<16xi1>
        %masked_sort3A_842, %masked_sort3A_843, %masked_sort3A_844 = tpu.sort %get3A_829, %get3A_829 masked %masked_sort3A_841 {descending = true} : (vector<16xf32>, vector<16xf32>, vector<16xi1>) -> (vector<16xi1>, vector<16xf32>, vector<16xf32>)
        %max3A_845 = arith.maximumf %scan3A_565, %masked_sort3A_843 : vector<16xf32>
        %masked_sort3A_846 = arith.constant dense<true> : vector<16xi1>
        %masked_sort3A_847, %masked_sort3A_848, %masked_sort3A_849 = tpu.sort %max3A_845, %max3A_845 masked %masked_sort3A_846 : (vector<16xf32>, vector<16xf32>, vector<16xi1>) -> (vector<16xi1>, vector<16xf32>, vector<16xf32>)
        %mul3A_850 = arith.constant 16 : i32
        %mul3A_851 = arith.muli %scan3A_555, %mul3A_850 : i32
        %get3A_852 = arith.constant 1 : i32
        %get3A_853 = arith.constant 10 : i32
        %get3A_854 = arith.index_cast %get3A_852 : i32 to index
        %get3A_855 = arith.index_cast %get3A_853 : i32 to index
        %get3A_856 = arith.index_cast %mul3A_851 : i32 to index
        %get3A_857 = tpu.vector_load %arg5[%get3A_854, %get3A_855, %get3A_856] {strides = array<i32>} : memref<2x16x2048xf32, #tpu.memory_space<vmem>>, vector<16xf32>,
        %neg3A_858 = arith.constant 0.000000e+00 : f32
        %neg3A_859 = vector.broadcast %neg3A_858 : f32 to vector<16xf32>
        %neg3A_860 = arith.subf %neg3A_859, %get3A_857 : vector<16xf32>
        %exp3A_861 = math.exp %neg3A_860 : vector<16xf32>
        %add3A_862 = arith.constant 1.000000e+00 : f32
        %add3A_863 = vector.broadcast %add3A_862 : f32 to vector<16xf32>
        %add3A_864 = arith.addf %add3A_863, %exp3A_861 : vector<16xf32>
        %div3A_865 = arith.constant 1.000000e+00 : f32
        %div3A_866 = vector.broadcast %div3A_865 : f32 to vector<16xf32>
        %div3A_867 = arith.divf %div3A_866, %add3A_864 : vector<16xf32>
        %add3A_868 = arith.addf %add3A_840, %div3A_867 : vector<16xf32>
        %masked_sort3A_869 = arith.constant dense<true> : vector<16xi1>
        %masked_sort3A_870, %masked_sort3A_871, %masked_sort3A_872 = tpu.sort %get3A_857, %get3A_857 masked %masked_sort3A_869 {descending = true} : (vector<16xf32>, vector<16xf32>, vector<16xi1>) -> (vector<16xi1>, vector<16xf32>, vector<16xf32>)
        %max3A_873 = arith.maximumf %scan3A_566, %masked_sort3A_871 : vector<16xf32>
        %masked_sort3A_874 = arith.constant dense<true> : vector<16xi1>
        %masked_sort3A_875, %masked_sort3A_876, %masked_sort3A_877 = tpu.sort %max3A_873, %max3A_873 masked %masked_sort3A_874 : (vector<16xf32>, vector<16xf32>, vector<16xi1>) -> (vector<16xi1>, vector<16xf32>, vector<16xf32>)
        %mul3A_878 = arith.constant 16 : i32
        %mul3A_879 = arith.muli %scan3A_555, %mul3A_878 : i32
        %get3A_880 = arith.constant 1 : i32
        %get3A_881 = arith.constant 11 : i32
        %get3A_882 = arith.index_cast %get3A_880 : i32 to index
        %get3A_883 = arith.index_cast %get3A_881 : i32 to index
        %get3A_884 = arith.index_cast %mul3A_879 : i32 to index
        %get3A_885 = tpu.vector_load %arg5[%get3A_882, %get3A_883, %get3A_884] {strides = array<i32>} : memref<2x16x2048xf32, #tpu.memory_space<vmem>>, vector<16xf32>,
        %neg3A_886 = arith.constant 0.000000e+00 : f32
        %neg3A_887 = vector.broadcast %neg3A_886 : f32 to vector<16xf32>
        %neg3A_888 = arith.subf %neg3A_887, %get3A_885 : vector<16xf32>
        %exp3A_889 = math.exp %neg3A_888 : vector<16xf32>
        %add3A_890 = arith.constant 1.000000e+00 : f32
        %add3A_891 = vector.broadcast %add3A_890 : f32 to vector<16xf32>
        %add3A_892 = arith.addf %add3A_891, %exp3A_889 : vector<16xf32>
        %div3A_893 = arith.constant 1.000000e+00 : f32
        %div3A_894 = vector.broadcast %div3A_893 : f32 to vector<16xf32>
        %div3A_895 = arith.divf %div3A_894, %add3A_892 : vector<16xf32>
        %add3A_896 = arith.addf %add3A_868, %div3A_895 : vector<16xf32>
        %masked_sort3A_897 = arith.constant dense<true> : vector<16xi1>
        %masked_sort3A_898, %masked_sort3A_899, %masked_sort3A_900 = tpu.sort %get3A_885, %get3A_885 masked %masked_sort3A_897 {descending = true} : (vector<16xf32>, vector<16xf32>, vector<16xi1>) -> (vector<16xi1>, vector<16xf32>, vector<16xf32>)
        %max3A_901 = arith.maximumf %scan3A_567, %masked_sort3A_899 : vector<16xf32>
        %masked_sort3A_902 = arith.constant dense<true> : vector<16xi1>
        %masked_sort3A_903, %masked_sort3A_904, %masked_sort3A_905 = tpu.sort %max3A_901, %max3A_901 masked %masked_sort3A_902 : (vector<16xf32>, vector<16xf32>, vector<16xi1>) -> (vector<16xi1>, vector<16xf32>, vector<16xf32>)
        %mul3A_906 = arith.constant 16 : i32
        %mul3A_907 = arith.muli %scan3A_555, %mul3A_906 : i32
        %get3A_908 = arith.constant 1 : i32
        %get3A_909 = arith.constant 12 : i32
        %get3A_910 = arith.index_cast %get3A_908 : i32 to index
        %get3A_911 = arith.index_cast %get3A_909 : i32 to index
        %get3A_912 = arith.index_cast %mul3A_907 : i32 to index
        %get3A_913 = tpu.vector_load %arg5[%get3A_910, %get3A_911, %get3A_912] {strides = array<i32>} : memref<2x16x2048xf32, #tpu.memory_space<vmem>>, vector<16xf32>,
        %neg3A_914 = arith.constant 0.000000e+00 : f32
        %neg3A_915 = vector.broadcast %neg3A_914 : f32 to vector<16xf32>
        %neg3A_916 = arith.subf %neg3A_915, %get3A_913 : vector<16xf32>
        %exp3A_917 = math.exp %neg3A_916 : vector<16xf32>
        %add3A_918 = arith.constant 1.000000e+00 : f32
        %add3A_919 = vector.broadcast %add3A_918 : f32 to vector<16xf32>
        %add3A_920 = arith.addf %add3A_919, %exp3A_917 : vector<16xf32>
        %div3A_921 = arith.constant 1.000000e+00 : f32
        %div3A_922 = vector.broadcast %div3A_921 : f32 to vector<16xf32>
        %div3A_923 = arith.divf %div3A_922, %add3A_920 : vector<16xf32>
        %add3A_924 = arith.addf %add3A_896, %div3A_923 : vector<16xf32>
        %masked_sort3A_925 = arith.constant dense<true> : vector<16xi1>
        %masked_sort3A_926, %masked_sort3A_927, %masked_sort3A_928 = tpu.sort %get3A_913, %get3A_913 masked %masked_sort3A_925 {descending = true} : (vector<16xf32>, vector<16xf32>, vector<16xi1>) -> (vector<16xi1>, vector<16xf32>, vector<16xf32>)
        %max3A_929 = arith.maximumf %scan3A_568, %masked_sort3A_927 : vector<16xf32>
        %masked_sort3A_930 = arith.constant dense<true> : vector<16xi1>
        %masked_sort3A_931, %masked_sort3A_932, %masked_sort3A_933 = tpu.sort %max3A_929, %max3A_929 masked %masked_sort3A_930 : (vector<16xf32>, vector<16xf32>, vector<16xi1>) -> (vector<16xi1>, vector<16xf32>, vector<16xf32>)
        %mul3A_934 = arith.constant 16 : i32
        %mul3A_935 = arith.muli %scan3A_555, %mul3A_934 : i32
        %get3A_936 = arith.constant 1 : i32
        %get3A_937 = arith.constant 13 : i32
        %get3A_938 = arith.index_cast %get3A_936 : i32 to index
        %get3A_939 = arith.index_cast %get3A_937 : i32 to index
        %get3A_940 = arith.index_cast %mul3A_935 : i32 to index
        %get3A_941 = tpu.vector_load %arg5[%get3A_938, %get3A_939, %get3A_940] {strides = array<i32>} : memref<2x16x2048xf32, #tpu.memory_space<vmem>>, vector<16xf32>,
        %neg3A_942 = arith.constant 0.000000e+00 : f32
        %neg3A_943 = vector.broadcast %neg3A_942 : f32 to vector<16xf32>
        %neg3A_944 = arith.subf %neg3A_943, %get3A_941 : vector<16xf32>
        %exp3A_945 = math.exp %neg3A_944 : vector<16xf32>
        %add3A_946 = arith.constant 1.000000e+00 : f32
        %add3A_947 = vector.broadcast %add3A_946 : f32 to vector<16xf32>
        %add3A_948 = arith.addf %add3A_947, %exp3A_945 : vector<16xf32>
        %div3A_949 = arith.constant 1.000000e+00 : f32
        %div3A_950 = vector.broadcast %div3A_949 : f32 to vector<16xf32>
        %div3A_951 = arith.divf %div3A_950, %add3A_948 : vector<16xf32>
        %add3A_952 = arith.addf %add3A_924, %div3A_951 : vector<16xf32>
        %masked_sort3A_953 = arith.constant dense<true> : vector<16xi1>
        %masked_sort3A_954, %masked_sort3A_955, %masked_sort3A_956 = tpu.sort %get3A_941, %get3A_941 masked %masked_sort3A_953 {descending = true} : (vector<16xf32>, vector<16xf32>, vector<16xi1>) -> (vector<16xi1>, vector<16xf32>, vector<16xf32>)
        %max3A_957 = arith.maximumf %scan3A_569, %masked_sort3A_955 : vector<16xf32>
        %masked_sort3A_958 = arith.constant dense<true> : vector<16xi1>
        %masked_sort3A_959, %masked_sort3A_960, %masked_sort3A_961 = tpu.sort %max3A_957, %max3A_957 masked %masked_sort3A_958 : (vector<16xf32>, vector<16xf32>, vector<16xi1>) -> (vector<16xi1>, vector<16xf32>, vector<16xf32>)
        %mul3A_962 = arith.constant 16 : i32
        %mul3A_963 = arith.muli %scan3A_555, %mul3A_962 : i32
        %get3A_964 = arith.constant 1 : i32
        %get3A_965 = arith.constant 14 : i32
        %get3A_966 = arith.index_cast %get3A_964 : i32 to index
        %get3A_967 = arith.index_cast %get3A_965 : i32 to index
        %get3A_968 = arith.index_cast %mul3A_963 : i32 to index
        %get3A_969 = tpu.vector_load %arg5[%get3A_966, %get3A_967, %get3A_968] {strides = array<i32>} : memref<2x16x2048xf32, #tpu.memory_space<vmem>>, vector<16xf32>,
        %neg3A_970 = arith.constant 0.000000e+00 : f32
        %neg3A_971 = vector.broadcast %neg3A_970 : f32 to vector<16xf32>
        %neg3A_972 = arith.subf %neg3A_971, %get3A_969 : vector<16xf32>
        %exp3A_973 = math.exp %neg3A_972 : vector<16xf32>
        %add3A_974 = arith.constant 1.000000e+00 : f32
        %add3A_975 = vector.broadcast %add3A_974 : f32 to vector<16xf32>
        %add3A_976 = arith.addf %add3A_975, %exp3A_973 : vector<16xf32>
        %div3A_977 = arith.constant 1.000000e+00 : f32
        %div3A_978 = vector.broadcast %div3A_977 : f32 to vector<16xf32>
        %div3A_979 = arith.divf %div3A_978, %add3A_976 : vector<16xf32>
        %add3A_980 = arith.addf %add3A_952, %div3A_979 : vector<16xf32>
        %masked_sort3A_981 = arith.constant dense<true> : vector<16xi1>
        %masked_sort3A_982, %masked_sort3A_983, %masked_sort3A_984 = tpu.sort %get3A_969, %get3A_969 masked %masked_sort3A_981 {descending = true} : (vector<16xf32>, vector<16xf32>, vector<16xi1>) -> (vector<16xi1>, vector<16xf32>, vector<16xf32>)
        %max3A_985 = arith.maximumf %scan3A_570, %masked_sort3A_983 : vector<16xf32>
        %masked_sort3A_986 = arith.constant dense<true> : vector<16xi1>
        %masked_sort3A_987, %masked_sort3A_988, %masked_sort3A_989 = tpu.sort %max3A_985, %max3A_985 masked %masked_sort3A_986 : (vector<16xf32>, vector<16xf32>, vector<16xi1>) -> (vector<16xi1>, vector<16xf32>, vector<16xf32>)
        %mul3A_990 = arith.constant 16 : i32
        %mul3A_991 = arith.muli %scan3A_555, %mul3A_990 : i32
        %get3A_992 = arith.constant 1 : i32
        %get3A_993 = arith.constant 15 : i32
        %get3A_994 = arith.index_cast %get3A_992 : i32 to index
        %get3A_995 = arith.index_cast %get3A_993 : i32 to index
        %get3A_996 = arith.index_cast %mul3A_991 : i32 to index
        %get3A_997 = tpu.vector_load %arg5[%get3A_994, %get3A_995, %get3A_996] {strides = array<i32>} : memref<2x16x2048xf32, #tpu.memory_space<vmem>>, vector<16xf32>,
        %neg3A_998 = arith.constant 0.000000e+00 : f32
        %neg3A_999 = vector.broadcast %neg3A_998 : f32 to vector<16xf32>
        %neg3A_1000 = arith.subf %neg3A_999, %get3A_997 : vector<16xf32>
        %exp3A_1001 = math.exp %neg3A_1000 : vector<16xf32>
        %add3A_1002 = arith.constant 1.000000e+00 : f32
        %add3A_1003 = vector.broadcast %add3A_1002 : f32 to vector<16xf32>
        %add3A_1004 = arith.addf %add3A_1003, %exp3A_1001 : vector<16xf32>
        %div3A_1005 = arith.constant 1.000000e+00 : f32
        %div3A_1006 = vector.broadcast %div3A_1005 : f32 to vector<16xf32>
        %div3A_1007 = arith.divf %div3A_1006, %add3A_1004 : vector<16xf32>
        %add3A_1008 = arith.addf %add3A_980, %div3A_1007 : vector<16xf32>
        %masked_sort3A_1009 = arith.constant dense<true> : vector<16xi1>
        %masked_sort3A_1010, %masked_sort3A_1011, %masked_sort3A_1012 = tpu.sort %get3A_997, %get3A_997 masked %masked_sort3A_1009 {descending = true} : (vector<16xf32>, vector<16xf32>, vector<16xi1>) -> (vector<16xi1>, vector<16xf32>, vector<16xf32>)
        %max3A_1013 = arith.maximumf %scan3A_571, %masked_sort3A_1011 : vector<16xf32>
        %masked_sort3A_1014 = arith.constant dense<true> : vector<16xi1>
        %masked_sort3A_1015, %masked_sort3A_1016, %masked_sort3A_1017 = tpu.sort %max3A_1013, %max3A_1013 masked %masked_sort3A_1014 : (vector<16xf32>, vector<16xf32>, vector<16xi1>) -> (vector<16xi1>, vector<16xf32>, vector<16xf32>)
        scf.yield %masked_sort3A_596, %masked_sort3A_624, %masked_sort3A_652, %masked_sort3A_680, %masked_sort3A_708, %masked_sort3A_736, %masked_sort3A_764, %masked_sort3A_792, %masked_sort3A_820, %masked_sort3A_848, %masked_sort3A_876, %masked_sort3A_904, %masked_sort3A_932, %masked_sort3A_960, %masked_sort3A_988, %masked_sort3A_1016, %add3A_1008 : vector<16xf32>, vector<16xf32>, vector<16xf32>, vector<16xf32>, vector<16xf32>, vector<16xf32>, vector<16xf32>, vector<16xf32>, vector<16xf32>, vector<16xf32>, vector<16xf32>, vector<16xf32>, vector<16xf32>, vector<16xf32>, vector<16xf32>, vector<16xf32>, vector<16xf32>
      }
      %scan3A_324 = arith.constant 32 : i32
      %scan3A_325 = arith.constant 32 : i32
      %scan3A_326 = arith.constant 96 : i32
      %scan3A_327 = arith.addi %scan3A_325, %scan3A_326 : i32
      %scan3A_328 = arith.constant 1 : i32
      %scan3A_329:16 = scf.for %scan3A_555 = %scan3A_325 to %scan3A_327 step %scan3A_328 iter_args(%scan3A_556 = %scan3A_323#0, %scan3A_557 = %scan3A_323#1, %scan3A_558 = %scan3A_323#2, %scan3A_559 = %scan3A_323#3, %scan3A_560 = %scan3A_323#4, %scan3A_561 = %scan3A_323#5, %scan3A_562 = %scan3A_323#6, %scan3A_563 = %scan3A_323#7, %scan3A_564 = %scan3A_323#8, %scan3A_565 = %scan3A_323#9, %scan3A_566 = %scan3A_323#10, %scan3A_567 = %scan3A_323#11, %scan3A_568 = %scan3A_323#12, %scan3A_569 = %scan3A_323#13, %scan3A_570 = %scan3A_323#14, %scan3A_571 = %scan3A_323#15) -> (vector<16xf32>, vector<16xf32>, vector<16xf32>, vector<16xf32>, vector<16xf32>, vector<16xf32>, vector<16xf32>, vector<16xf32>, vector<16xf32>, vector<16xf32>, vector<16xf32>, vector<16xf32>, vector<16xf32>, vector<16xf32>, vector<16xf32>, vector<16xf32>)  : i32 {
        %mul3A_572 = arith.constant 16 : i32
        %mul3A_573 = arith.muli %scan3A_555, %mul3A_572 : i32
        %get3A = arith.constant 1 : i32
        %get3A_574 = arith.constant 0 : i32
        %get3A_575 = arith.index_cast %get3A : i32 to index
        %get3A_576 = arith.index_cast %get3A_574 : i32 to index
        %get3A_577 = arith.index_cast %mul3A_573 : i32 to index
        %get3A_578 = tpu.vector_load %arg5[%get3A_575, %get3A_576, %get3A_577] {strides = array<i32>} : memref<2x16x2048xf32, #tpu.memory_space<vmem>>, vector<16xf32>,
        %masked_sort3A = arith.constant dense<true> : vector<16xi1>
        %masked_sort3A_579, %masked_sort3A_580, %masked_sort3A_581 = tpu.sort %get3A_578, %get3A_578 masked %masked_sort3A {descending = true} : (vector<16xf32>, vector<16xf32>, vector<16xi1>) -> (vector<16xi1>, vector<16xf32>, vector<16xf32>)
        %max3A = arith.maximumf %scan3A_556, %masked_sort3A_580 : vector<16xf32>
        %masked_sort3A_582 = arith.constant dense<true> : vector<16xi1>
        %masked_sort3A_583, %masked_sort3A_584, %masked_sort3A_585 = tpu.sort %max3A, %max3A masked %masked_sort3A_582 : (vector<16xf32>, vector<16xf32>, vector<16xi1>) -> (vector<16xi1>, vector<16xf32>, vector<16xf32>)
        %mul3A_586 = arith.constant 16 : i32
        %mul3A_587 = arith.muli %scan3A_555, %mul3A_586 : i32
        %get3A_588 = arith.constant 1 : i32
        %get3A_589 = arith.constant 1 : i32
        %get3A_590 = arith.index_cast %get3A_588 : i32 to index
        %get3A_591 = arith.index_cast %get3A_589 : i32 to index
        %get3A_592 = arith.index_cast %mul3A_587 : i32 to index
        %get3A_593 = tpu.vector_load %arg5[%get3A_590, %get3A_591, %get3A_592] {strides = array<i32>} : memref<2x16x2048xf32, #tpu.memory_space<vmem>>, vector<16xf32>,
        %masked_sort3A_594 = arith.constant dense<true> : vector<16xi1>
        %masked_sort3A_595, %masked_sort3A_596, %masked_sort3A_597 = tpu.sort %get3A_593, %get3A_593 masked %masked_sort3A_594 {descending = true} : (vector<16xf32>, vector<16xf32>, vector<16xi1>) -> (vector<16xi1>, vector<16xf32>, vector<16xf32>)
        %max3A_598 = arith.maximumf %scan3A_557, %masked_sort3A_596 : vector<16xf32>
        %masked_sort3A_599 = arith.constant dense<true> : vector<16xi1>
        %masked_sort3A_600, %masked_sort3A_601, %masked_sort3A_602 = tpu.sort %max3A_598, %max3A_598 masked %masked_sort3A_599 : (vector<16xf32>, vector<16xf32>, vector<16xi1>) -> (vector<16xi1>, vector<16xf32>, vector<16xf32>)
        %mul3A_603 = arith.constant 16 : i32
        %mul3A_604 = arith.muli %scan3A_555, %mul3A_603 : i32
        %get3A_605 = arith.constant 1 : i32
        %get3A_606 = arith.constant 2 : i32
        %get3A_607 = arith.index_cast %get3A_605 : i32 to index
        %get3A_608 = arith.index_cast %get3A_606 : i32 to index
        %get3A_609 = arith.index_cast %mul3A_604 : i32 to index
        %get3A_610 = tpu.vector_load %arg5[%get3A_607, %get3A_608, %get3A_609] {strides = array<i32>} : memref<2x16x2048xf32, #tpu.memory_space<vmem>>, vector<16xf32>,
        %masked_sort3A_611 = arith.constant dense<true> : vector<16xi1>
        %masked_sort3A_612, %masked_sort3A_613, %masked_sort3A_614 = tpu.sort %get3A_610, %get3A_610 masked %masked_sort3A_611 {descending = true} : (vector<16xf32>, vector<16xf32>, vector<16xi1>) -> (vector<16xi1>, vector<16xf32>, vector<16xf32>)
        %max3A_615 = arith.maximumf %scan3A_558, %masked_sort3A_613 : vector<16xf32>
        %masked_sort3A_616 = arith.constant dense<true> : vector<16xi1>
        %masked_sort3A_617, %masked_sort3A_618, %masked_sort3A_619 = tpu.sort %max3A_615, %max3A_615 masked %masked_sort3A_616 : (vector<16xf32>, vector<16xf32>, vector<16xi1>) -> (vector<16xi1>, vector<16xf32>, vector<16xf32>)
        %mul3A_620 = arith.constant 16 : i32
        %mul3A_621 = arith.muli %scan3A_555, %mul3A_620 : i32
        %get3A_622 = arith.constant 1 : i32
        %get3A_623 = arith.constant 3 : i32
        %get3A_624 = arith.index_cast %get3A_622 : i32 to index
        %get3A_625 = arith.index_cast %get3A_623 : i32 to index
        %get3A_626 = arith.index_cast %mul3A_621 : i32 to index
        %get3A_627 = tpu.vector_load %arg5[%get3A_624, %get3A_625, %get3A_626] {strides = array<i32>} : memref<2x16x2048xf32, #tpu.memory_space<vmem>>, vector<16xf32>,
        %masked_sort3A_628 = arith.constant dense<true> : vector<16xi1>
        %masked_sort3A_629, %masked_sort3A_630, %masked_sort3A_631 = tpu.sort %get3A_627, %get3A_627 masked %masked_sort3A_628 {descending = true} : (vector<16xf32>, vector<16xf32>, vector<16xi1>) -> (vector<16xi1>, vector<16xf32>, vector<16xf32>)
        %max3A_632 = arith.maximumf %scan3A_559, %masked_sort3A_630 : vector<16xf32>
        %masked_sort3A_633 = arith.constant dense<true> : vector<16xi1>
        %masked_sort3A_634, %masked_sort3A_635, %masked_sort3A_636 = tpu.sort %max3A_632, %max3A_632 masked %masked_sort3A_633 : (vector<16xf32>, vector<16xf32>, vector<16xi1>) -> (vector<16xi1>, vector<16xf32>, vector<16xf32>)
        %mul3A_637 = arith.constant 16 : i32
        %mul3A_638 = arith.muli %scan3A_555, %mul3A_637 : i32
        %get3A_639 = arith.constant 1 : i32
        %get3A_640 = arith.constant 4 : i32
        %get3A_641 = arith.index_cast %get3A_639 : i32 to index
        %get3A_642 = arith.index_cast %get3A_640 : i32 to index
        %get3A_643 = arith.index_cast %mul3A_638 : i32 to index
        %get3A_644 = tpu.vector_load %arg5[%get3A_641, %get3A_642, %get3A_643] {strides = array<i32>} : memref<2x16x2048xf32, #tpu.memory_space<vmem>>, vector<16xf32>,
        %masked_sort3A_645 = arith.constant dense<true> : vector<16xi1>
        %masked_sort3A_646, %masked_sort3A_647, %masked_sort3A_648 = tpu.sort %get3A_644, %get3A_644 masked %masked_sort3A_645 {descending = true} : (vector<16xf32>, vector<16xf32>, vector<16xi1>) -> (vector<16xi1>, vector<16xf32>, vector<16xf32>)
        %max3A_649 = arith.maximumf %scan3A_560, %masked_sort3A_647 : vector<16xf32>
        %masked_sort3A_650 = arith.constant dense<true> : vector<16xi1>
        %masked_sort3A_651, %masked_sort3A_652, %masked_sort3A_653 = tpu.sort %max3A_649, %max3A_649 masked %masked_sort3A_650 : (vector<16xf32>, vector<16xf32>, vector<16xi1>) -> (vector<16xi1>, vector<16xf32>, vector<16xf32>)
        %mul3A_654 = arith.constant 16 : i32
        %mul3A_655 = arith.muli %scan3A_555, %mul3A_654 : i32
        %get3A_656 = arith.constant 1 : i32
        %get3A_657 = arith.constant 5 : i32
        %get3A_658 = arith.index_cast %get3A_656 : i32 to index
        %get3A_659 = arith.index_cast %get3A_657 : i32 to index
        %get3A_660 = arith.index_cast %mul3A_655 : i32 to index
        %get3A_661 = tpu.vector_load %arg5[%get3A_658, %get3A_659, %get3A_660] {strides = array<i32>} : memref<2x16x2048xf32, #tpu.memory_space<vmem>>, vector<16xf32>,
        %masked_sort3A_662 = arith.constant dense<true> : vector<16xi1>
        %masked_sort3A_663, %masked_sort3A_664, %masked_sort3A_665 = tpu.sort %get3A_661, %get3A_661 masked %masked_sort3A_662 {descending = true} : (vector<16xf32>, vector<16xf32>, vector<16xi1>) -> (vector<16xi1>, vector<16xf32>, vector<16xf32>)
        %max3A_666 = arith.maximumf %scan3A_561, %masked_sort3A_664 : vector<16xf32>
        %masked_sort3A_667 = arith.constant dense<true> : vector<16xi1>
        %masked_sort3A_668, %masked_sort3A_669, %masked_sort3A_670 = tpu.sort %max3A_666, %max3A_666 masked %masked_sort3A_667 : (vector<16xf32>, vector<16xf32>, vector<16xi1>) -> (vector<16xi1>, vector<16xf32>, vector<16xf32>)
        %mul3A_671 = arith.constant 16 : i32
        %mul3A_672 = arith.muli %scan3A_555, %mul3A_671 : i32
        %get3A_673 = arith.constant 1 : i32
        %get3A_674 = arith.constant 6 : i32
        %get3A_675 = arith.index_cast %get3A_673 : i32 to index
        %get3A_676 = arith.index_cast %get3A_674 : i32 to index
        %get3A_677 = arith.index_cast %mul3A_672 : i32 to index
        %get3A_678 = tpu.vector_load %arg5[%get3A_675, %get3A_676, %get3A_677] {strides = array<i32>} : memref<2x16x2048xf32, #tpu.memory_space<vmem>>, vector<16xf32>,
        %masked_sort3A_679 = arith.constant dense<true> : vector<16xi1>
        %masked_sort3A_680, %masked_sort3A_681, %masked_sort3A_682 = tpu.sort %get3A_678, %get3A_678 masked %masked_sort3A_679 {descending = true} : (vector<16xf32>, vector<16xf32>, vector<16xi1>) -> (vector<16xi1>, vector<16xf32>, vector<16xf32>)
        %max3A_683 = arith.maximumf %scan3A_562, %masked_sort3A_681 : vector<16xf32>
        %masked_sort3A_684 = arith.constant dense<true> : vector<16xi1>
        %masked_sort3A_685, %masked_sort3A_686, %masked_sort3A_687 = tpu.sort %max3A_683, %max3A_683 masked %masked_sort3A_684 : (vector<16xf32>, vector<16xf32>, vector<16xi1>) -> (vector<16xi1>, vector<16xf32>, vector<16xf32>)
        %mul3A_688 = arith.constant 16 : i32
        %mul3A_689 = arith.muli %scan3A_555, %mul3A_688 : i32
        %get3A_690 = arith.constant 1 : i32
        %get3A_691 = arith.constant 7 : i32
        %get3A_692 = arith.index_cast %get3A_690 : i32 to index
        %get3A_693 = arith.index_cast %get3A_691 : i32 to index
        %get3A_694 = arith.index_cast %mul3A_689 : i32 to index
        %get3A_695 = tpu.vector_load %arg5[%get3A_692, %get3A_693, %get3A_694] {strides = array<i32>} : memref<2x16x2048xf32, #tpu.memory_space<vmem>>, vector<16xf32>,
        %masked_sort3A_696 = arith.constant dense<true> : vector<16xi1>
        %masked_sort3A_697, %masked_sort3A_698, %masked_sort3A_699 = tpu.sort %get3A_695, %get3A_695 masked %masked_sort3A_696 {descending = true} : (vector<16xf32>, vector<16xf32>, vector<16xi1>) -> (vector<16xi1>, vector<16xf32>, vector<16xf32>)
        %max3A_700 = arith.maximumf %scan3A_563, %masked_sort3A_698 : vector<16xf32>
        %masked_sort3A_701 = arith.constant dense<true> : vector<16xi1>
        %masked_sort3A_702, %masked_sort3A_703, %masked_sort3A_704 = tpu.sort %max3A_700, %max3A_700 masked %masked_sort3A_701 : (vector<16xf32>, vector<16xf32>, vector<16xi1>) -> (vector<16xi1>, vector<16xf32>, vector<16xf32>)
        %mul3A_705 = arith.constant 16 : i32
        %mul3A_706 = arith.muli %scan3A_555, %mul3A_705 : i32
        %get3A_707 = arith.constant 1 : i32
        %get3A_708 = arith.constant 8 : i32
        %get3A_709 = arith.index_cast %get3A_707 : i32 to index
        %get3A_710 = arith.index_cast %get3A_708 : i32 to index
        %get3A_711 = arith.index_cast %mul3A_706 : i32 to index
        %get3A_712 = tpu.vector_load %arg5[%get3A_709, %get3A_710, %get3A_711] {strides = array<i32>} : memref<2x16x2048xf32, #tpu.memory_space<vmem>>, vector<16xf32>,
        %masked_sort3A_713 = arith.constant dense<true> : vector<16xi1>
        %masked_sort3A_714, %masked_sort3A_715, %masked_sort3A_716 = tpu.sort %get3A_712, %get3A_712 masked %masked_sort3A_713 {descending = true} : (vector<16xf32>, vector<16xf32>, vector<16xi1>) -> (vector<16xi1>, vector<16xf32>, vector<16xf32>)
        %max3A_717 = arith.maximumf %scan3A_564, %masked_sort3A_715 : vector<16xf32>
        %masked_sort3A_718 = arith.constant dense<true> : vector<16xi1>
        %masked_sort3A_719, %masked_sort3A_720, %masked_sort3A_721 = tpu.sort %max3A_717, %max3A_717 masked %masked_sort3A_718 : (vector<16xf32>, vector<16xf32>, vector<16xi1>) -> (vector<16xi1>, vector<16xf32>, vector<16xf32>)
        %mul3A_722 = arith.constant 16 : i32
        %mul3A_723 = arith.muli %scan3A_555, %mul3A_722 : i32
        %get3A_724 = arith.constant 1 : i32
        %get3A_725 = arith.constant 9 : i32
        %get3A_726 = arith.index_cast %get3A_724 : i32 to index
        %get3A_727 = arith.index_cast %get3A_725 : i32 to index
        %get3A_728 = arith.index_cast %mul3A_723 : i32 to index
        %get3A_729 = tpu.vector_load %arg5[%get3A_726, %get3A_727, %get3A_728] {strides = array<i32>} : memref<2x16x2048xf32, #tpu.memory_space<vmem>>, vector<16xf32>,
        %masked_sort3A_730 = arith.constant dense<true> : vector<16xi1>
        %masked_sort3A_731, %masked_sort3A_732, %masked_sort3A_733 = tpu.sort %get3A_729, %get3A_729 masked %masked_sort3A_730 {descending = true} : (vector<16xf32>, vector<16xf32>, vector<16xi1>) -> (vector<16xi1>, vector<16xf32>, vector<16xf32>)
        %max3A_734 = arith.maximumf %scan3A_565, %masked_sort3A_732 : vector<16xf32>
        %masked_sort3A_735 = arith.constant dense<true> : vector<16xi1>
        %masked_sort3A_736, %masked_sort3A_737, %masked_sort3A_738 = tpu.sort %max3A_734, %max3A_734 masked %masked_sort3A_735 : (vector<16xf32>, vector<16xf32>, vector<16xi1>) -> (vector<16xi1>, vector<16xf32>, vector<16xf32>)
        %mul3A_739 = arith.constant 16 : i32
        %mul3A_740 = arith.muli %scan3A_555, %mul3A_739 : i32
        %get3A_741 = arith.constant 1 : i32
        %get3A_742 = arith.constant 10 : i32
        %get3A_743 = arith.index_cast %get3A_741 : i32 to index
        %get3A_744 = arith.index_cast %get3A_742 : i32 to index
        %get3A_745 = arith.index_cast %mul3A_740 : i32 to index
        %get3A_746 = tpu.vector_load %arg5[%get3A_743, %get3A_744, %get3A_745] {strides = array<i32>} : memref<2x16x2048xf32, #tpu.memory_space<vmem>>, vector<16xf32>,
        %masked_sort3A_747 = arith.constant dense<true> : vector<16xi1>
        %masked_sort3A_748, %masked_sort3A_749, %masked_sort3A_750 = tpu.sort %get3A_746, %get3A_746 masked %masked_sort3A_747 {descending = true} : (vector<16xf32>, vector<16xf32>, vector<16xi1>) -> (vector<16xi1>, vector<16xf32>, vector<16xf32>)
        %max3A_751 = arith.maximumf %scan3A_566, %masked_sort3A_749 : vector<16xf32>
        %masked_sort3A_752 = arith.constant dense<true> : vector<16xi1>
        %masked_sort3A_753, %masked_sort3A_754, %masked_sort3A_755 = tpu.sort %max3A_751, %max3A_751 masked %masked_sort3A_752 : (vector<16xf32>, vector<16xf32>, vector<16xi1>) -> (vector<16xi1>, vector<16xf32>, vector<16xf32>)
        %mul3A_756 = arith.constant 16 : i32
        %mul3A_757 = arith.muli %scan3A_555, %mul3A_756 : i32
        %get3A_758 = arith.constant 1 : i32
        %get3A_759 = arith.constant 11 : i32
        %get3A_760 = arith.index_cast %get3A_758 : i32 to index
        %get3A_761 = arith.index_cast %get3A_759 : i32 to index
        %get3A_762 = arith.index_cast %mul3A_757 : i32 to index
        %get3A_763 = tpu.vector_load %arg5[%get3A_760, %get3A_761, %get3A_762] {strides = array<i32>} : memref<2x16x2048xf32, #tpu.memory_space<vmem>>, vector<16xf32>,
        %masked_sort3A_764 = arith.constant dense<true> : vector<16xi1>
        %masked_sort3A_765, %masked_sort3A_766, %masked_sort3A_767 = tpu.sort %get3A_763, %get3A_763 masked %masked_sort3A_764 {descending = true} : (vector<16xf32>, vector<16xf32>, vector<16xi1>) -> (vector<16xi1>, vector<16xf32>, vector<16xf32>)
        %max3A_768 = arith.maximumf %scan3A_567, %masked_sort3A_766 : vector<16xf32>
        %masked_sort3A_769 = arith.constant dense<true> : vector<16xi1>
        %masked_sort3A_770, %masked_sort3A_771, %masked_sort3A_772 = tpu.sort %max3A_768, %max3A_768 masked %masked_sort3A_769 : (vector<16xf32>, vector<16xf32>, vector<16xi1>) -> (vector<16xi1>, vector<16xf32>, vector<16xf32>)
        %mul3A_773 = arith.constant 16 : i32
        %mul3A_774 = arith.muli %scan3A_555, %mul3A_773 : i32
        %get3A_775 = arith.constant 1 : i32
        %get3A_776 = arith.constant 12 : i32
        %get3A_777 = arith.index_cast %get3A_775 : i32 to index
        %get3A_778 = arith.index_cast %get3A_776 : i32 to index
        %get3A_779 = arith.index_cast %mul3A_774 : i32 to index
        %get3A_780 = tpu.vector_load %arg5[%get3A_777, %get3A_778, %get3A_779] {strides = array<i32>} : memref<2x16x2048xf32, #tpu.memory_space<vmem>>, vector<16xf32>,
        %masked_sort3A_781 = arith.constant dense<true> : vector<16xi1>
        %masked_sort3A_782, %masked_sort3A_783, %masked_sort3A_784 = tpu.sort %get3A_780, %get3A_780 masked %masked_sort3A_781 {descending = true} : (vector<16xf32>, vector<16xf32>, vector<16xi1>) -> (vector<16xi1>, vector<16xf32>, vector<16xf32>)
        %max3A_785 = arith.maximumf %scan3A_568, %masked_sort3A_783 : vector<16xf32>
        %masked_sort3A_786 = arith.constant dense<true> : vector<16xi1>
        %masked_sort3A_787, %masked_sort3A_788, %masked_sort3A_789 = tpu.sort %max3A_785, %max3A_785 masked %masked_sort3A_786 : (vector<16xf32>, vector<16xf32>, vector<16xi1>) -> (vector<16xi1>, vector<16xf32>, vector<16xf32>)
        %mul3A_790 = arith.constant 16 : i32
        %mul3A_791 = arith.muli %scan3A_555, %mul3A_790 : i32
        %get3A_792 = arith.constant 1 : i32
        %get3A_793 = arith.constant 13 : i32
        %get3A_794 = arith.index_cast %get3A_792 : i32 to index
        %get3A_795 = arith.index_cast %get3A_793 : i32 to index
        %get3A_796 = arith.index_cast %mul3A_791 : i32 to index
        %get3A_797 = tpu.vector_load %arg5[%get3A_794, %get3A_795, %get3A_796] {strides = array<i32>} : memref<2x16x2048xf32, #tpu.memory_space<vmem>>, vector<16xf32>,
        %masked_sort3A_798 = arith.constant dense<true> : vector<16xi1>
        %masked_sort3A_799, %masked_sort3A_800, %masked_sort3A_801 = tpu.sort %get3A_797, %get3A_797 masked %masked_sort3A_798 {descending = true} : (vector<16xf32>, vector<16xf32>, vector<16xi1>) -> (vector<16xi1>, vector<16xf32>, vector<16xf32>)
        %max3A_802 = arith.maximumf %scan3A_569, %masked_sort3A_800 : vector<16xf32>
        %masked_sort3A_803 = arith.constant dense<true> : vector<16xi1>
        %masked_sort3A_804, %masked_sort3A_805, %masked_sort3A_806 = tpu.sort %max3A_802, %max3A_802 masked %masked_sort3A_803 : (vector<16xf32>, vector<16xf32>, vector<16xi1>) -> (vector<16xi1>, vector<16xf32>, vector<16xf32>)
        %mul3A_807 = arith.constant 16 : i32
        %mul3A_808 = arith.muli %scan3A_555, %mul3A_807 : i32
        %get3A_809 = arith.constant 1 : i32
        %get3A_810 = arith.constant 14 : i32
        %get3A_811 = arith.index_cast %get3A_809 : i32 to index
        %get3A_812 = arith.index_cast %get3A_810 : i32 to index
        %get3A_813 = arith.index_cast %mul3A_808 : i32 to index
        %get3A_814 = tpu.vector_load %arg5[%get3A_811, %get3A_812, %get3A_813] {strides = array<i32>} : memref<2x16x2048xf32, #tpu.memory_space<vmem>>, vector<16xf32>,
        %masked_sort3A_815 = arith.constant dense<true> : vector<16xi1>
        %masked_sort3A_816, %masked_sort3A_817, %masked_sort3A_818 = tpu.sort %get3A_814, %get3A_814 masked %masked_sort3A_815 {descending = true} : (vector<16xf32>, vector<16xf32>, vector<16xi1>) -> (vector<16xi1>, vector<16xf32>, vector<16xf32>)
        %max3A_819 = arith.maximumf %scan3A_570, %masked_sort3A_817 : vector<16xf32>
        %masked_sort3A_820 = arith.constant dense<true> : vector<16xi1>
        %masked_sort3A_821, %masked_sort3A_822, %masked_sort3A_823 = tpu.sort %max3A_819, %max3A_819 masked %masked_sort3A_820 : (vector<16xf32>, vector<16xf32>, vector<16xi1>) -> (vector<16xi1>, vector<16xf32>, vector<16xf32>)
        %mul3A_824 = arith.constant 16 : i32
        %mul3A_825 = arith.muli %scan3A_555, %mul3A_824 : i32
        %get3A_826 = arith.constant 1 : i32
        %get3A_827 = arith.constant 15 : i32
        %get3A_828 = arith.index_cast %get3A_826 : i32 to index
        %get3A_829 = arith.index_cast %get3A_827 : i32 to index
        %get3A_830 = arith.index_cast %mul3A_825 : i32 to index
        %get3A_831 = tpu.vector_load %arg5[%get3A_828, %get3A_829, %get3A_830] {strides = array<i32>} : memref<2x16x2048xf32, #tpu.memory_space<vmem>>, vector<16xf32>,
        %masked_sort3A_832 = arith.constant dense<true> : vector<16xi1>
        %masked_sort3A_833, %masked_sort3A_834, %masked_sort3A_835 = tpu.sort %get3A_831, %get3A_831 masked %masked_sort3A_832 {descending = true} : (vector<16xf32>, vector<16xf32>, vector<16xi1>) -> (vector<16xi1>, vector<16xf32>, vector<16xf32>)
        %max3A_836 = arith.maximumf %scan3A_571, %masked_sort3A_834 : vector<16xf32>
        %masked_sort3A_837 = arith.constant dense<true> : vector<16xi1>
        %masked_sort3A_838, %masked_sort3A_839, %masked_sort3A_840 = tpu.sort %max3A_836, %max3A_836 masked %masked_sort3A_837 : (vector<16xf32>, vector<16xf32>, vector<16xi1>) -> (vector<16xi1>, vector<16xf32>, vector<16xf32>)
        scf.yield %masked_sort3A_584, %masked_sort3A_601, %masked_sort3A_618, %masked_sort3A_635, %masked_sort3A_652, %masked_sort3A_669, %masked_sort3A_686, %masked_sort3A_703, %masked_sort3A_720, %masked_sort3A_737, %masked_sort3A_754, %masked_sort3A_771, %masked_sort3A_788, %masked_sort3A_805, %masked_sort3A_822, %masked_sort3A_839 : vector<16xf32>, vector<16xf32>, vector<16xf32>, vector<16xf32>, vector<16xf32>, vector<16xf32>, vector<16xf32>, vector<16xf32>, vector<16xf32>, vector<16xf32>, vector<16xf32>, vector<16xf32>, vector<16xf32>, vector<16xf32>, vector<16xf32>, vector<16xf32>
      }
      %scan3A_330 = arith.constant 96 : i32
      %neg3A_331 = arith.constant 0.000000e+00 : f32
      %neg3A_332 = vector.broadcast %neg3A_331 : f32 to vector<16xf32>
      %neg3A_333 = arith.subf %neg3A_332, %scan3A_329#0 : vector<16xf32>
      %exp3A_334 = math.exp %neg3A_333 : vector<16xf32>
      %add3A_335 = arith.constant 1.000000e+00 : f32
      %add3A_336 = vector.broadcast %add3A_335 : f32 to vector<16xf32>
      %add3A_337 = arith.addf %add3A_336, %exp3A_334 : vector<16xf32>
      %div3A_338 = arith.constant 1.000000e+00 : f32
      %div3A_339 = vector.broadcast %div3A_338 : f32 to vector<16xf32>
      %div3A_340 = arith.divf %div3A_339, %add3A_337 : vector<16xf32>
      %jit3A_341 = arith.constant 0.000000e+00 : f32
      %broadcast_in_dim3A_342 = vector.broadcast %jit3A_341 : f32 to vector<16xf32>
      %select_n3A_343 = arith.select %ge3A_9, %div3A_340, %broadcast_in_dim3A_342 : vector<16xi1>, vector<16xf32>
      %add3A_344 = arith.addf %add3A_294, %select_n3A_343 : vector<16xf32>
      %neg3A_345 = arith.constant 0.000000e+00 : f32
      %neg3A_346 = vector.broadcast %neg3A_345 : f32 to vector<16xf32>
      %neg3A_347 = arith.subf %neg3A_346, %scan3A_329#1 : vector<16xf32>
      %exp3A_348 = math.exp %neg3A_347 : vector<16xf32>
      %add3A_349 = arith.constant 1.000000e+00 : f32
      %add3A_350 = vector.broadcast %add3A_349 : f32 to vector<16xf32>
      %add3A_351 = arith.addf %add3A_350, %exp3A_348 : vector<16xf32>
      %div3A_352 = arith.constant 1.000000e+00 : f32
      %div3A_353 = vector.broadcast %div3A_352 : f32 to vector<16xf32>
      %div3A_354 = arith.divf %div3A_353, %add3A_351 : vector<16xf32>
      %jit3A_355 = arith.constant 0.000000e+00 : f32
      %broadcast_in_dim3A_356 = vector.broadcast %jit3A_355 : f32 to vector<16xf32>
      %select_n3A_357 = arith.select %ge3A_9, %div3A_354, %broadcast_in_dim3A_356 : vector<16xi1>, vector<16xf32>
      %add3A_358 = arith.addf %add3A_344, %select_n3A_357 : vector<16xf32>
      %neg3A_359 = arith.constant 0.000000e+00 : f32
      %neg3A_360 = vector.broadcast %neg3A_359 : f32 to vector<16xf32>
      %neg3A_361 = arith.subf %neg3A_360, %scan3A_329#2 : vector<16xf32>
      %exp3A_362 = math.exp %neg3A_361 : vector<16xf32>
      %add3A_363 = arith.constant 1.000000e+00 : f32
      %add3A_364 = vector.broadcast %add3A_363 : f32 to vector<16xf32>
      %add3A_365 = arith.addf %add3A_364, %exp3A_362 : vector<16xf32>
      %div3A_366 = arith.constant 1.000000e+00 : f32
      %div3A_367 = vector.broadcast %div3A_366 : f32 to vector<16xf32>
      %div3A_368 = arith.divf %div3A_367, %add3A_365 : vector<16xf32>
      %jit3A_369 = arith.constant 0.000000e+00 : f32
      %broadcast_in_dim3A_370 = vector.broadcast %jit3A_369 : f32 to vector<16xf32>
      %select_n3A_371 = arith.select %ge3A_9, %div3A_368, %broadcast_in_dim3A_370 : vector<16xi1>, vector<16xf32>
      %add3A_372 = arith.addf %add3A_358, %select_n3A_371 : vector<16xf32>
      %neg3A_373 = arith.constant 0.000000e+00 : f32
      %neg3A_374 = vector.broadcast %neg3A_373 : f32 to vector<16xf32>
      %neg3A_375 = arith.subf %neg3A_374, %scan3A_329#3 : vector<16xf32>
      %exp3A_376 = math.exp %neg3A_375 : vector<16xf32>
      %add3A_377 = arith.constant 1.000000e+00 : f32
      %add3A_378 = vector.broadcast %add3A_377 : f32 to vector<16xf32>
      %add3A_379 = arith.addf %add3A_378, %exp3A_376 : vector<16xf32>
      %div3A_380 = arith.constant 1.000000e+00 : f32
      %div3A_381 = vector.broadcast %div3A_380 : f32 to vector<16xf32>
      %div3A_382 = arith.divf %div3A_381, %add3A_379 : vector<16xf32>
      %jit3A_383 = arith.constant 0.000000e+00 : f32
      %broadcast_in_dim3A_384 = vector.broadcast %jit3A_383 : f32 to vector<16xf32>
      %select_n3A_385 = arith.select %ge3A_9, %div3A_382, %broadcast_in_dim3A_384 : vector<16xi1>, vector<16xf32>
      %add3A_386 = arith.addf %add3A_372, %select_n3A_385 : vector<16xf32>
      %neg3A_387 = arith.constant 0.000000e+00 : f32
      %neg3A_388 = vector.broadcast %neg3A_387 : f32 to vector<16xf32>
      %neg3A_389 = arith.subf %neg3A_388, %scan3A_329#4 : vector<16xf32>
      %exp3A_390 = math.exp %neg3A_389 : vector<16xf32>
      %add3A_391 = arith.constant 1.000000e+00 : f32
      %add3A_392 = vector.broadcast %add3A_391 : f32 to vector<16xf32>
      %add3A_393 = arith.addf %add3A_392, %exp3A_390 : vector<16xf32>
      %div3A_394 = arith.constant 1.000000e+00 : f32
      %div3A_395 = vector.broadcast %div3A_394 : f32 to vector<16xf32>
      %div3A_396 = arith.divf %div3A_395, %add3A_393 : vector<16xf32>
      %jit3A_397 = arith.constant 0.000000e+00 : f32
      %broadcast_in_dim3A_398 = vector.broadcast %jit3A_397 : f32 to vector<16xf32>
      %select_n3A_399 = arith.select %ge3A_9, %div3A_396, %broadcast_in_dim3A_398 : vector<16xi1>, vector<16xf32>
      %add3A_400 = arith.addf %add3A_386, %select_n3A_399 : vector<16xf32>
      %neg3A_401 = arith.constant 0.000000e+00 : f32
      %neg3A_402 = vector.broadcast %neg3A_401 : f32 to vector<16xf32>
      %neg3A_403 = arith.subf %neg3A_402, %scan3A_329#5 : vector<16xf32>
      %exp3A_404 = math.exp %neg3A_403 : vector<16xf32>
      %add3A_405 = arith.constant 1.000000e+00 : f32
      %add3A_406 = vector.broadcast %add3A_405 : f32 to vector<16xf32>
      %add3A_407 = arith.addf %add3A_406, %exp3A_404 : vector<16xf32>
      %div3A_408 = arith.constant 1.000000e+00 : f32
      %div3A_409 = vector.broadcast %div3A_408 : f32 to vector<16xf32>
      %div3A_410 = arith.divf %div3A_409, %add3A_407 : vector<16xf32>
      %jit3A_411 = arith.constant 0.000000e+00 : f32
      %broadcast_in_dim3A_412 = vector.broadcast %jit3A_411 : f32 to vector<16xf32>
      %select_n3A_413 = arith.select %ge3A_9, %div3A_410, %broadcast_in_dim3A_412 : vector<16xi1>, vector<16xf32>
      %add3A_414 = arith.addf %add3A_400, %select_n3A_413 : vector<16xf32>
      %neg3A_415 = arith.constant 0.000000e+00 : f32
      %neg3A_416 = vector.broadcast %neg3A_415 : f32 to vector<16xf32>
      %neg3A_417 = arith.subf %neg3A_416, %scan3A_329#6 : vector<16xf32>
      %exp3A_418 = math.exp %neg3A_417 : vector<16xf32>
      %add3A_419 = arith.constant 1.000000e+00 : f32
      %add3A_420 = vector.broadcast %add3A_419 : f32 to vector<16xf32>
      %add3A_421 = arith.addf %add3A_420, %exp3A_418 : vector<16xf32>
      %div3A_422 = arith.constant 1.000000e+00 : f32
      %div3A_423 = vector.broadcast %div3A_422 : f32 to vector<16xf32>
      %div3A_424 = arith.divf %div3A_423, %add3A_421 : vector<16xf32>
      %jit3A_425 = arith.constant 0.000000e+00 : f32
      %broadcast_in_dim3A_426 = vector.broadcast %jit3A_425 : f32 to vector<16xf32>
      %select_n3A_427 = arith.select %ge3A_9, %div3A_424, %broadcast_in_dim3A_426 : vector<16xi1>, vector<16xf32>
      %add3A_428 = arith.addf %add3A_414, %select_n3A_427 : vector<16xf32>
      %neg3A_429 = arith.constant 0.000000e+00 : f32
      %neg3A_430 = vector.broadcast %neg3A_429 : f32 to vector<16xf32>
      %neg3A_431 = arith.subf %neg3A_430, %scan3A_329#7 : vector<16xf32>
      %exp3A_432 = math.exp %neg3A_431 : vector<16xf32>
      %add3A_433 = arith.constant 1.000000e+00 : f32
      %add3A_434 = vector.broadcast %add3A_433 : f32 to vector<16xf32>
      %add3A_435 = arith.addf %add3A_434, %exp3A_432 : vector<16xf32>
      %div3A_436 = arith.constant 1.000000e+00 : f32
      %div3A_437 = vector.broadcast %div3A_436 : f32 to vector<16xf32>
      %div3A_438 = arith.divf %div3A_437, %add3A_435 : vector<16xf32>
      %jit3A_439 = arith.constant 0.000000e+00 : f32
      %broadcast_in_dim3A_440 = vector.broadcast %jit3A_439 : f32 to vector<16xf32>
      %select_n3A_441 = arith.select %ge3A_9, %div3A_438, %broadcast_in_dim3A_440 : vector<16xi1>, vector<16xf32>
      %add3A_442 = arith.addf %add3A_428, %select_n3A_441 : vector<16xf32>
      %neg3A_443 = arith.constant 0.000000e+00 : f32
      %neg3A_444 = vector.broadcast %neg3A_443 : f32 to vector<16xf32>
      %neg3A_445 = arith.subf %neg3A_444, %scan3A_329#8 : vector<16xf32>
      %exp3A_446 = math.exp %neg3A_445 : vector<16xf32>
      %add3A_447 = arith.constant 1.000000e+00 : f32
      %add3A_448 = vector.broadcast %add3A_447 : f32 to vector<16xf32>
      %add3A_449 = arith.addf %add3A_448, %exp3A_446 : vector<16xf32>
      %div3A_450 = arith.constant 1.000000e+00 : f32
      %div3A_451 = vector.broadcast %div3A_450 : f32 to vector<16xf32>
      %div3A_452 = arith.divf %div3A_451, %add3A_449 : vector<16xf32>
      %jit3A_453 = arith.constant 0.000000e+00 : f32
      %broadcast_in_dim3A_454 = vector.broadcast %jit3A_453 : f32 to vector<16xf32>
      %select_n3A_455 = arith.select %ge3A_9, %div3A_452, %broadcast_in_dim3A_454 : vector<16xi1>, vector<16xf32>
      %add3A_456 = arith.addf %add3A_442, %select_n3A_455 : vector<16xf32>
      %neg3A_457 = arith.constant 0.000000e+00 : f32
      %neg3A_458 = vector.broadcast %neg3A_457 : f32 to vector<16xf32>
      %neg3A_459 = arith.subf %neg3A_458, %scan3A_329#9 : vector<16xf32>
      %exp3A_460 = math.exp %neg3A_459 : vector<16xf32>
      %add3A_461 = arith.constant 1.000000e+00 : f32
      %add3A_462 = vector.broadcast %add3A_461 : f32 to vector<16xf32>
      %add3A_463 = arith.addf %add3A_462, %exp3A_460 : vector<16xf32>
      %div3A_464 = arith.constant 1.000000e+00 : f32
      %div3A_465 = vector.broadcast %div3A_464 : f32 to vector<16xf32>
      %div3A_466 = arith.divf %div3A_465, %add3A_463 : vector<16xf32>
      %jit3A_467 = arith.constant 0.000000e+00 : f32
      %broadcast_in_dim3A_468 = vector.broadcast %jit3A_467 : f32 to vector<16xf32>
      %select_n3A_469 = arith.select %ge3A_9, %div3A_466, %broadcast_in_dim3A_468 : vector<16xi1>, vector<16xf32>
      %add3A_470 = arith.addf %add3A_456, %select_n3A_469 : vector<16xf32>
      %neg3A_471 = arith.constant 0.000000e+00 : f32
      %neg3A_472 = vector.broadcast %neg3A_471 : f32 to vector<16xf32>
      %neg3A_473 = arith.subf %neg3A_472, %scan3A_329#10 : vector<16xf32>
      %exp3A_474 = math.exp %neg3A_473 : vector<16xf32>
      %add3A_475 = arith.constant 1.000000e+00 : f32
      %add3A_476 = vector.broadcast %add3A_475 : f32 to vector<16xf32>
      %add3A_477 = arith.addf %add3A_476, %exp3A_474 : vector<16xf32>
      %div3A_478 = arith.constant 1.000000e+00 : f32
      %div3A_479 = vector.broadcast %div3A_478 : f32 to vector<16xf32>
      %div3A_480 = arith.divf %div3A_479, %add3A_477 : vector<16xf32>
      %jit3A_481 = arith.constant 0.000000e+00 : f32
      %broadcast_in_dim3A_482 = vector.broadcast %jit3A_481 : f32 to vector<16xf32>
      %select_n3A_483 = arith.select %ge3A_9, %div3A_480, %broadcast_in_dim3A_482 : vector<16xi1>, vector<16xf32>
      %add3A_484 = arith.addf %add3A_470, %select_n3A_483 : vector<16xf32>
      %neg3A_485 = arith.constant 0.000000e+00 : f32
      %neg3A_486 = vector.broadcast %neg3A_485 : f32 to vector<16xf32>
      %neg3A_487 = arith.subf %neg3A_486, %scan3A_329#11 : vector<16xf32>
      %exp3A_488 = math.exp %neg3A_487 : vector<16xf32>
      %add3A_489 = arith.constant 1.000000e+00 : f32
      %add3A_490 = vector.broadcast %add3A_489 : f32 to vector<16xf32>
      %add3A_491 = arith.addf %add3A_490, %exp3A_488 : vector<16xf32>
      %div3A_492 = arith.constant 1.000000e+00 : f32
      %div3A_493 = vector.broadcast %div3A_492 : f32 to vector<16xf32>
      %div3A_494 = arith.divf %div3A_493, %add3A_491 : vector<16xf32>
      %jit3A_495 = arith.constant 0.000000e+00 : f32
      %broadcast_in_dim3A_496 = vector.broadcast %jit3A_495 : f32 to vector<16xf32>
      %select_n3A_497 = arith.select %ge3A_9, %div3A_494, %broadcast_in_dim3A_496 : vector<16xi1>, vector<16xf32>
      %add3A_498 = arith.addf %add3A_484, %select_n3A_497 : vector<16xf32>
      %neg3A_499 = arith.constant 0.000000e+00 : f32
      %neg3A_500 = vector.broadcast %neg3A_499 : f32 to vector<16xf32>
      %neg3A_501 = arith.subf %neg3A_500, %scan3A_329#12 : vector<16xf32>
      %exp3A_502 = math.exp %neg3A_501 : vector<16xf32>
      %add3A_503 = arith.constant 1.000000e+00 : f32
      %add3A_504 = vector.broadcast %add3A_503 : f32 to vector<16xf32>
      %add3A_505 = arith.addf %add3A_504, %exp3A_502 : vector<16xf32>
      %div3A_506 = arith.constant 1.000000e+00 : f32
      %div3A_507 = vector.broadcast %div3A_506 : f32 to vector<16xf32>
      %div3A_508 = arith.divf %div3A_507, %add3A_505 : vector<16xf32>
      %jit3A_509 = arith.constant 0.000000e+00 : f32
      %broadcast_in_dim3A_510 = vector.broadcast %jit3A_509 : f32 to vector<16xf32>
      %select_n3A_511 = arith.select %ge3A_9, %div3A_508, %broadcast_in_dim3A_510 : vector<16xi1>, vector<16xf32>
      %add3A_512 = arith.addf %add3A_498, %select_n3A_511 : vector<16xf32>
      %neg3A_513 = arith.constant 0.000000e+00 : f32
      %neg3A_514 = vector.broadcast %neg3A_513 : f32 to vector<16xf32>
      %neg3A_515 = arith.subf %neg3A_514, %scan3A_329#13 : vector<16xf32>
      %exp3A_516 = math.exp %neg3A_515 : vector<16xf32>
      %add3A_517 = arith.constant 1.000000e+00 : f32
      %add3A_518 = vector.broadcast %add3A_517 : f32 to vector<16xf32>
      %add3A_519 = arith.addf %add3A_518, %exp3A_516 : vector<16xf32>
      %div3A_520 = arith.constant 1.000000e+00 : f32
      %div3A_521 = vector.broadcast %div3A_520 : f32 to vector<16xf32>
      %div3A_522 = arith.divf %div3A_521, %add3A_519 : vector<16xf32>
      %jit3A_523 = arith.constant 0.000000e+00 : f32
      %broadcast_in_dim3A_524 = vector.broadcast %jit3A_523 : f32 to vector<16xf32>
      %select_n3A_525 = arith.select %ge3A_9, %div3A_522, %broadcast_in_dim3A_524 : vector<16xi1>, vector<16xf32>
      %add3A_526 = arith.addf %add3A_512, %select_n3A_525 : vector<16xf32>
      %neg3A_527 = arith.constant 0.000000e+00 : f32
      %neg3A_528 = vector.broadcast %neg3A_527 : f32 to vector<16xf32>
      %neg3A_529 = arith.subf %neg3A_528, %scan3A_329#14 : vector<16xf32>
      %exp3A_530 = math.exp %neg3A_529 : vector<16xf32>
      %add3A_531 = arith.constant 1.000000e+00 : f32
      %add3A_532 = vector.broadcast %add3A_531 : f32 to vector<16xf32>
      %add3A_533 = arith.addf %add3A_532, %exp3A_530 : vector<16xf32>
      %div3A_534 = arith.constant 1.000000e+00 : f32
      %div3A_535 = vector.broadcast %div3A_534 : f32 to vector<16xf32>
      %div3A_536 = arith.divf %div3A_535, %add3A_533 : vector<16xf32>
      %jit3A_537 = arith.constant 0.000000e+00 : f32
      %broadcast_in_dim3A_538 = vector.broadcast %jit3A_537 : f32 to vector<16xf32>
      %select_n3A_539 = arith.select %ge3A_9, %div3A_536, %broadcast_in_dim3A_538 : vector<16xi1>, vector<16xf32>
      %add3A_540 = arith.addf %add3A_526, %select_n3A_539 : vector<16xf32>
      %neg3A_541 = arith.constant 0.000000e+00 : f32
      %neg3A_542 = vector.broadcast %neg3A_541 : f32 to vector<16xf32>
      %neg3A_543 = arith.subf %neg3A_542, %scan3A_329#15 : vector<16xf32>
      %exp3A_544 = math.exp %neg3A_543 : vector<16xf32>
      %add3A_545 = arith.constant 1.000000e+00 : f32
      %add3A_546 = vector.broadcast %add3A_545 : f32 to vector<16xf32>
      %add3A_547 = arith.addf %add3A_546, %exp3A_544 : vector<16xf32>
      %div3A_548 = arith.constant 1.000000e+00 : f32
      %div3A_549 = vector.broadcast %div3A_548 : f32 to vector<16xf32>
      %div3A_550 = arith.divf %div3A_549, %add3A_547 : vector<16xf32>
      %jit3A_551 = arith.constant 0.000000e+00 : f32
      %broadcast_in_dim3A_552 = vector.broadcast %jit3A_551 : f32 to vector<16xf32>
      %select_n3A_553 = arith.select %ge3A_9, %div3A_550, %broadcast_in_dim3A_552 : vector<16xi1>, vector<16xf32>
      %add3A_554 = arith.addf %add3A_540, %select_n3A_553 : vector<16xf32>
      scf.yield %scan3A_323#16, %add3A_554 : vector<16xf32>, vector<16xf32>
    }
    %scan3A_26 = arith.constant 4 : i32
    %swap3A = arith.constant 0 : i32
    %swap3A_27 = arith.constant 0 : i32
    %swap3A_28 = arith.index_cast %swap3A : i32 to index
    %swap3A_29 = arith.index_cast %swap3A_27 : i32 to index
    %swap3A_30 = arith.constant 0 : index
    %swap3A_31 = tpu.vector_load %arg5[%swap3A_28, %swap3A_29, %swap3A_30] {strides = array<i32>} : memref<2x16x2048xf32, #tpu.memory_space<vmem>>, vector<16xf32>,
    tpu.vector_store %arg5[%swap3A_28, %swap3A_29, %swap3A_30], %scan3A_25#1 {strides = array<i32>} : memref<2x16x2048xf32, #tpu.memory_space<vmem>>, vector<16xf32>,
    %swap3A_32 = arith.constant 0 : i32
    %swap3A_33 = arith.constant 0 : i32
    %swap3A_34 = arith.index_cast %swap3A_32 : i32 to index
    %swap3A_35 = arith.index_cast %swap3A_33 : i32 to index
    %swap3A_36 = arith.constant 16 : index
    %swap3A_37 = tpu.vector_load %arg5[%swap3A_34, %swap3A_35, %swap3A_36] {strides = array<i32>} : memref<2x16x2048xf32, #tpu.memory_space<vmem>>, vector<16xf32>,
    tpu.vector_store %arg5[%swap3A_34, %swap3A_35, %swap3A_36], %scan3A_25#0 {strides = array<i32>} : memref<2x16x2048xf32, #tpu.memory_space<vmem>>, vector<16xf32>,
    %run_scoped3A = arith.constant 0 : i32
    %run_scoped3A_38 = arith.constant 0 : i32
    "tpu.region"() ({
      %run_scoped3A_41 = tpu.sem_alloc : memref<!tpu.dma_semaphore, #tpu.memory_space<semaphore_mem>>
      %dma_start3A_42 = arith.constant 0 : i32
      %dma_start3A_43 = tpu.memref_slice %arg5[%run_scoped3A, %run_scoped3A_38, %dma_start3A_42] : memref<2x16x2048xf32, #tpu.memory_space<vmem>> -> memref<1x1x16xf32, #tpu.memory_space<vmem>>
      %dma_start3A_44 = tpu.memref_squeeze %dma_start3A_43 : memref<1x1x16xf32, #tpu.memory_space<vmem>> -> memref<16xf32, #tpu.memory_space<vmem>>
      %dma_start3A_45 = arith.constant 0 : i32
      %dma_start3A_46 = tpu.memref_slice %arg3[%add3A, %dma_start3A_45] : memref<32x16xf32, #tpu.memory_space<hbm>> -> memref<1x16xf32, #tpu.memory_space<hbm>>
      %dma_start3A_47 = tpu.memref_squeeze %dma_start3A_46 : memref<1x16xf32, #tpu.memory_space<hbm>> -> memref<16xf32, #tpu.memory_space<hbm>>
      %dma_start3A_48 = arith.constant 0 : i32
      %dma_start3A_49 = tpu.memref_slice %arg3[%add3A, %dma_start3A_48] : memref<32x16xf32, #tpu.memory_space<hbm>> -> memref<1x16xf32, #tpu.memory_space<hbm>>
      %dma_start3A_50 = tpu.memref_squeeze %dma_start3A_49 : memref<1x16xf32, #tpu.memory_space<hbm>> -> memref<16xf32, #tpu.memory_space<hbm>>
      %dma_start3A_51 = arith.constant 0 : i32
      %dma_start3A_52 = tpu.memref_slice %arg5[%run_scoped3A, %run_scoped3A_38, %dma_start3A_51] : memref<2x16x2048xf32, #tpu.memory_space<vmem>> -> memref<1x1x16xf32, #tpu.memory_space<vmem>>
      %dma_start3A_53 = tpu.memref_squeeze %dma_start3A_52 : memref<1x1x16xf32, #tpu.memory_space<vmem>> -> memref<16xf32, #tpu.memory_space<vmem>>
      tpu.enqueue_dma source(%dma_start3A_53 : memref<16xf32, #tpu.memory_space<vmem>>) target(%dma_start3A_50 : memref<16xf32, #tpu.memory_space<hbm>>) target_semaphore(%run_scoped3A_41 : memref<!tpu.dma_semaphore, #tpu.memory_space<semaphore_mem>>)
      %dma_wait3A = arith.constant 0 : i32
      %dma_wait3A_54 = tpu.memref_slice %arg5[%run_scoped3A, %run_scoped3A_38, %dma_wait3A] : memref<2x16x2048xf32, #tpu.memory_space<vmem>> -> memref<1x1x16xf32, #tpu.memory_space<vmem>>
      %dma_wait3A_55 = tpu.memref_squeeze %dma_wait3A_54 : memref<1x1x16xf32, #tpu.memory_space<vmem>> -> memref<16xf32, #tpu.memory_space<vmem>>
      %dma_wait3A_56 = arith.constant 0 : i32
      %dma_wait3A_57 = tpu.memref_slice %arg3[%add3A, %dma_wait3A_56] : memref<32x16xf32, #tpu.memory_space<hbm>> -> memref<1x16xf32, #tpu.memory_space<hbm>>
      %dma_wait3A_58 = tpu.memref_squeeze %dma_wait3A_57 : memref<1x16xf32, #tpu.memory_space<hbm>> -> memref<16xf32, #tpu.memory_space<hbm>>
      %dma_wait3A_59 = arith.constant 0 : i32
      %dma_wait3A_60 = tpu.memref_slice %arg3[%add3A, %dma_wait3A_59] : memref<32x16xf32, #tpu.memory_space<hbm>> -> memref<1x16xf32, #tpu.memory_space<hbm>>
      %dma_wait3A_61 = tpu.memref_squeeze %dma_wait3A_60 : memref<1x16xf32, #tpu.memory_space<hbm>> -> memref<16xf32, #tpu.memory_space<hbm>>
      %dma_wait3A_62 = arith.constant 0 : i32
      %dma_wait3A_63 = tpu.memref_slice %arg5[%run_scoped3A, %run_scoped3A_38, %dma_wait3A_62] : memref<2x16x2048xf32, #tpu.memory_space<vmem>> -> memref<1x1x16xf32, #tpu.memory_space<vmem>>
      %dma_wait3A_64 = tpu.memref_squeeze %dma_wait3A_63 : memref<1x1x16xf32, #tpu.memory_space<vmem>> -> memref<16xf32, #tpu.memory_space<vmem>>
      tpu.wait_dma2 semaphore(%run_scoped3A_41 : memref<!tpu.dma_semaphore, #tpu.memory_space<semaphore_mem>>) src(%dma_wait3A_64 : memref<16xf32, #tpu.memory_space<vmem>>) dst(%dma_wait3A_61 : memref<16xf32, #tpu.memory_space<hbm>>)
      tpu.yield
    }) : () -> ()
    %run_scoped3A_39 = arith.constant 0 : i32
    %run_scoped3A_40 = arith.constant 0 : i32
    "tpu.region"() ({
      %run_scoped3A_41 = tpu.sem_alloc : memref<!tpu.dma_semaphore, #tpu.memory_space<semaphore_mem>>
      %dma_start3A_42 = arith.constant 16 : i32
      %dma_start3A_43 = tpu.memref_slice %arg5[%run_scoped3A_39, %run_scoped3A_40, %dma_start3A_42] : memref<2x16x2048xf32, #tpu.memory_space<vmem>> -> memref<1x1x16xf32, #tpu.memory_space<vmem>>
      %dma_start3A_44 = tpu.memref_squeeze %dma_start3A_43 : memref<1x1x16xf32, #tpu.memory_space<vmem>> -> memref<16xf32, #tpu.memory_space<vmem>>
      %dma_start3A_45 = arith.constant 0 : i32
      %dma_start3A_46 = tpu.memref_slice %arg4[%add3A, %dma_start3A_45] : memref<32x16xf32, #tpu.memory_space<hbm>> -> memref<1x16xf32, #tpu.memory_space<hbm>>
      %dma_start3A_47 = tpu.memref_squeeze %dma_start3A_46 : memref<1x16xf32, #tpu.memory_space<hbm>> -> memref<16xf32, #tpu.memory_space<hbm>>
      %dma_start3A_48 = arith.constant 0 : i32
      %dma_start3A_49 = tpu.memref_slice %arg4[%add3A, %dma_start3A_48] : memref<32x16xf32, #tpu.memory_space<hbm>> -> memref<1x16xf32, #tpu.memory_space<hbm>>
      %dma_start3A_50 = tpu.memref_squeeze %dma_start3A_49 : memref<1x16xf32, #tpu.memory_space<hbm>> -> memref<16xf32, #tpu.memory_space<hbm>>
      %dma_start3A_51 = arith.constant 16 : i32
      %dma_start3A_52 = tpu.memref_slice %arg5[%run_scoped3A_39, %run_scoped3A_40, %dma_start3A_51] : memref<2x16x2048xf32, #tpu.memory_space<vmem>> -> memref<1x1x16xf32, #tpu.memory_space<vmem>>
      %dma_start3A_53 = tpu.memref_squeeze %dma_start3A_52 : memref<1x1x16xf32, #tpu.memory_space<vmem>> -> memref<16xf32, #tpu.memory_space<vmem>>
      tpu.enqueue_dma source(%dma_start3A_53 : memref<16xf32, #tpu.memory_space<vmem>>) target(%dma_start3A_50 : memref<16xf32, #tpu.memory_space<hbm>>) target_semaphore(%run_scoped3A_41 : memref<!tpu.dma_semaphore, #tpu.memory_space<semaphore_mem>>)
      %dma_wait3A = arith.constant 16 : i32
      %dma_wait3A_54 = tpu.memref_slice %arg5[%run_scoped3A_39, %run_scoped3A_40, %dma_wait3A] : memref<2x16x2048xf32, #tpu.memory_space<vmem>> -> memref<1x1x16xf32, #tpu.memory_space<vmem>>
      %dma_wait3A_55 = tpu.memref_squeeze %dma_wait3A_54 : memref<1x1x16xf32, #tpu.memory_space<vmem>> -> memref<16xf32, #tpu.memory_space<vmem>>
      %dma_wait3A_56 = arith.constant 0 : i32
      %dma_wait3A_57 = tpu.memref_slice %arg4[%add3A, %dma_wait3A_56] : memref<32x16xf32, #tpu.memory_space<hbm>> -> memref<1x16xf32, #tpu.memory_space<hbm>>
      %dma_wait3A_58 = tpu.memref_squeeze %dma_wait3A_57 : memref<1x16xf32, #tpu.memory_space<hbm>> -> memref<16xf32, #tpu.memory_space<hbm>>
      %dma_wait3A_59 = arith.constant 0 : i32
      %dma_wait3A_60 = tpu.memref_slice %arg4[%add3A, %dma_wait3A_59] : memref<32x16xf32, #tpu.memory_space<hbm>> -> memref<1x16xf32, #tpu.memory_space<hbm>>
      %dma_wait3A_61 = tpu.memref_squeeze %dma_wait3A_60 : memref<1x16xf32, #tpu.memory_space<hbm>> -> memref<16xf32, #tpu.memory_space<hbm>>
      %dma_wait3A_62 = arith.constant 16 : i32
      %dma_wait3A_63 = tpu.memref_slice %arg5[%run_scoped3A_39, %run_scoped3A_40, %dma_wait3A_62] : memref<2x16x2048xf32, #tpu.memory_space<vmem>> -> memref<1x1x16xf32, #tpu.memory_space<vmem>>
      %dma_wait3A_64 = tpu.memref_squeeze %dma_wait3A_63 : memref<1x1x16xf32, #tpu.memory_space<vmem>> -> memref<16xf32, #tpu.memory_space<vmem>>
      tpu.wait_dma2 semaphore(%run_scoped3A_41 : memref<!tpu.dma_semaphore, #tpu.memory_space<semaphore_mem>>) src(%dma_wait3A_64 : memref<16xf32, #tpu.memory_space<vmem>>) dst(%dma_wait3A_61 : memref<16xf32, #tpu.memory_space<hbm>>)
      tpu.yield
    }) : () -> ()
    return
  }
}

module attributes {stable_mosaic.version = 14 : i64} {
  func.func @_tc_dense_body(%arg0: i32, %arg1: memref<1000x512xf32, #tpu.memory_space<vmem>>, %arg2: memref<1000x512xf32, #tpu.memory_space<vmem>>, %arg3: memref<512x512xf32, #tpu.memory_space<vmem>>, %arg4: memref<512x1024xf32, #tpu.memory_space<vmem>>, %arg5: memref<1x1xf32, #tpu.memory_space<smem>>, %arg6: memref<1x1xf32, #tpu.memory_space<smem>>) attributes {dimension_semantics = [#tpu.dimension_semantics<arbitrary>], iteration_bounds = array<i64: 8>, scalar_prefetch = 0 : i64, scratch_operands = 0 : i64, tpu.core_type = #tpu.core_type<tc>, window_params = [{transform_indices = @transform_0, window_bounds = array<i64: 1000, 512>}, {transform_indices = @transform_1, window_bounds = array<i64: 1000, 512>}, {transform_indices = @transform_2, window_bounds = array<i64: 512, 512>}, {transform_indices = @transform_3, window_bounds = array<i64: 512, 1024>}, {transform_indices = @transform_4, window_bounds = array<i64: 1, 1>}, {transform_indices = @transform_5, window_bounds = array<i64: 1, 1>}]} {
    %eq3A = arith.constant 0 : i32
    %eq3A_0 = arith.cmpi eq, %arg0, %eq3A : i32
    %convert_element_type3A = arith.extui %eq3A_0 : i1 to i32
    %cond3A = arith.constant 0 : i32
    %cond3A_1 = arith.cmpi ne, %convert_element_type3A, %cond3A : i32
    scf.if %cond3A_1 {
      %swap3A_56 = arith.constant 0.000000e+00 : f32
      %swap3A_57 = arith.constant 0 : index
      %swap3A_58 = arith.constant 0 : index
      %swap3A_59 = memref.load %arg5[%swap3A_57, %swap3A_58] : memref<1x1xf32, #tpu.memory_space<smem>>
      memref.store %swap3A_56, %arg5[%swap3A_57, %swap3A_58] : memref<1x1xf32, #tpu.memory_space<smem>>
      %swap3A_60 = arith.constant 0.000000e+00 : f32
      %swap3A_61 = arith.constant 0 : index
      %swap3A_62 = arith.constant 0 : index
      %swap3A_63 = memref.load %arg6[%swap3A_61, %swap3A_62] : memref<1x1xf32, #tpu.memory_space<smem>>
      memref.store %swap3A_60, %arg6[%swap3A_61, %swap3A_62] : memref<1x1xf32, #tpu.memory_space<smem>>
    } else {
    }
    %get3A = arith.constant 0 : index
    %get3A_2 = arith.constant 0 : index
    %get3A_3 = vector.load %arg1[%get3A, %get3A_2] : memref<1000x512xf32, #tpu.memory_space<vmem>>, vector<1000x512xf32>
    %get3A_4 = arith.constant 0 : index
    %get3A_5 = arith.constant 0 : index
    %get3A_6 = vector.load %arg2[%get3A_4, %get3A_5] : memref<1000x512xf32, #tpu.memory_space<vmem>>, vector<1000x512xf32>
    %max3A = arith.constant 0.000000e+00 : f32
    %max3A_7 = vector.broadcast %max3A : f32 to vector<1000x512xf32>
    %max3A_8 = arith.maximumf %get3A_3, %max3A_7 : vector<1000x512xf32>
    %mul3A = arith.mulf %get3A_3, %get3A_6 : vector<1000x512xf32>
    %sub3A = arith.subf %max3A_8, %mul3A : vector<1000x512xf32>
    %abs3A = math.absf %get3A_3 : vector<1000x512xf32>
    %neg3A = arith.constant 0.000000e+00 : f32
    %neg3A_9 = vector.broadcast %neg3A : f32 to vector<1000x512xf32>
    %neg3A_10 = arith.subf %neg3A_9, %abs3A : vector<1000x512xf32>
    %exp3A = math.exp %neg3A_10 : vector<1000x512xf32>
    %log1p3A = math.log1p %exp3A : vector<1000x512xf32>
    %add3A = arith.addf %sub3A, %log1p3A : vector<1000x512xf32>
    %get3A_11 = arith.constant 0 : index
    %get3A_12 = arith.constant 0 : index
    %get3A_13 = memref.load %arg5[%get3A_11, %get3A_12] : memref<1x1xf32, #tpu.memory_space<smem>>
    %reduce_sum3A = vector.shape_cast %add3A : vector<1000x512xf32> to vector<1x1000x512xf32>
    %reduce_sum3A_14 = arith.constant dense<0.000000e+00> : vector<1xf32>
    %reduce_sum3A_15 = vector.multi_reduction <add>, %reduce_sum3A, %reduce_sum3A_14 [1, 2] : vector<1x1000x512xf32> to vector<1xf32>
    %reduce_sum3A_16 = vector.shape_cast %reduce_sum3A_15 : vector<1xf32> to vector<1x1x1xf32>
    %reduce_sum3A_17 = vector.extract %reduce_sum3A_16[0, 0, 0] : f32 from vector<1x1x1xf32>
    %add3A_18 = arith.addf %get3A_13, %reduce_sum3A_17 : f32
    %swap3A = arith.constant 0 : index
    %swap3A_19 = arith.constant 0 : index
    %swap3A_20 = memref.load %arg5[%swap3A, %swap3A_19] : memref<1x1xf32, #tpu.memory_space<smem>>
    memref.store %add3A_18, %arg5[%swap3A, %swap3A_19] : memref<1x1xf32, #tpu.memory_space<smem>>
    %get3A_21 = arith.constant 0 : index
    %get3A_22 = arith.constant 0 : index
    %get3A_23 = memref.load %arg6[%get3A_21, %get3A_22] : memref<1x1xf32, #tpu.memory_space<smem>>
    %get3A_24 = arith.constant 0 : index
    %get3A_25 = arith.constant 0 : index
    %get3A_26 = vector.load %arg3[%get3A_24, %get3A_25] : memref<512x512xf32, #tpu.memory_space<vmem>>, vector<512x512xf32>
    %logistic3A = arith.negf %get3A_26 : vector<512x512xf32>
    %logistic3A_27 = math.exp %logistic3A : vector<512x512xf32>
    %logistic3A_28 = arith.constant 1.000000e+00 : f32
    %logistic3A_29 = vector.broadcast %logistic3A_28 : f32 to vector<512x512xf32>
    %logistic3A_30 = arith.addf %logistic3A_29, %logistic3A_27 : vector<512x512xf32>
    %logistic3A_31 = arith.divf %logistic3A_29, %logistic3A_30 : vector<512x512xf32>
    %reduce_sum3A_32 = vector.shape_cast %logistic3A_31 : vector<512x512xf32> to vector<1x512x512xf32>
    %reduce_sum3A_33 = arith.constant dense<0.000000e+00> : vector<1xf32>
    %reduce_sum3A_34 = vector.multi_reduction <add>, %reduce_sum3A_32, %reduce_sum3A_33 [1, 2] : vector<1x512x512xf32> to vector<1xf32>
    %reduce_sum3A_35 = vector.shape_cast %reduce_sum3A_34 : vector<1xf32> to vector<1x1x1xf32>
    %reduce_sum3A_36 = vector.extract %reduce_sum3A_35[0, 0, 0] : f32 from vector<1x1x1xf32>
    %get3A_37 = arith.constant 0 : index
    %get3A_38 = arith.constant 0 : index
    %get3A_39 = vector.load %arg4[%get3A_37, %get3A_38] : memref<512x1024xf32, #tpu.memory_space<vmem>>, vector<512x1024xf32>
    %logistic3A_40 = arith.negf %get3A_39 : vector<512x1024xf32>
    %logistic3A_41 = math.exp %logistic3A_40 : vector<512x1024xf32>
    %logistic3A_42 = arith.constant 1.000000e+00 : f32
    %logistic3A_43 = vector.broadcast %logistic3A_42 : f32 to vector<512x1024xf32>
    %logistic3A_44 = arith.addf %logistic3A_43, %logistic3A_41 : vector<512x1024xf32>
    %logistic3A_45 = arith.divf %logistic3A_43, %logistic3A_44 : vector<512x1024xf32>
    %reduce_sum3A_46 = vector.shape_cast %logistic3A_45 : vector<512x1024xf32> to vector<1x512x1024xf32>
    %reduce_sum3A_47 = arith.constant dense<0.000000e+00> : vector<1xf32>
    %reduce_sum3A_48 = vector.multi_reduction <add>, %reduce_sum3A_46, %reduce_sum3A_47 [1, 2] : vector<1x512x1024xf32> to vector<1xf32>
    %reduce_sum3A_49 = vector.shape_cast %reduce_sum3A_48 : vector<1xf32> to vector<1x1x1xf32>
    %reduce_sum3A_50 = vector.extract %reduce_sum3A_49[0, 0, 0] : f32 from vector<1x1x1xf32>
    %add3A_51 = arith.addf %reduce_sum3A_36, %reduce_sum3A_50 : f32
    %add3A_52 = arith.addf %get3A_23, %add3A_51 : f32
    %swap3A_53 = arith.constant 0 : index
    %swap3A_54 = arith.constant 0 : index
    %swap3A_55 = memref.load %arg6[%swap3A_53, %swap3A_54] : memref<1x1xf32, #tpu.memory_space<smem>>
    memref.store %add3A_52, %arg6[%swap3A_53, %swap3A_54] : memref<1x1xf32, #tpu.memory_space<smem>>
    return
  }
  func.func @transform_0(%arg0: i32) -> (i32, i32) {
    %c0_i32 = arith.constant 0 : i32
    %c0_i32_0 = arith.constant 0 : i32
    return %c0_i32, %arg0 : i32, i32
  }
  func.func @transform_1(%arg0: i32) -> (i32, i32) {
    %c0_i32 = arith.constant 0 : i32
    %c0_i32_0 = arith.constant 0 : i32
    return %c0_i32, %arg0 : i32, i32
  }
  func.func @transform_2(%arg0: i32) -> (i32, i32) {
    %c1_i32 = arith.constant 1 : i32
    %c0_i32 = arith.constant 0 : i32
    return %arg0, %c1_i32 : i32, i32
  }
  func.func @transform_3(%arg0: i32) -> (i32, i32) {
    %c1_i32 = arith.constant 1 : i32
    %c0_i32 = arith.constant 0 : i32
    return %arg0, %c1_i32 : i32, i32
  }
  func.func @transform_4(%arg0: i32) -> (i32, i32) {
    %c0_i32 = arith.constant 0 : i32
    %c0_i32_0 = arith.constant 0 : i32
    %c0_i32_1 = arith.constant 0 : i32
    return %c0_i32, %c0_i32_0 : i32, i32
  }
  func.func @transform_5(%arg0: i32) -> (i32, i32) {
    %c0_i32 = arith.constant 0 : i32
    %c0_i32_0 = arith.constant 0 : i32
    %c0_i32_1 = arith.constant 0 : i32
    return %c0_i32, %c0_i32_0 : i32, i32
  }
}

module attributes {stable_mosaic.version = 14 : i64} {
  func.func @_tc_combine_body(%arg0: memref<32x16xf32, #tpu.memory_space<vmem>>, %arg1: memref<32x16xf32, #tpu.memory_space<vmem>>, %arg2: memref<1x1xf32, #tpu.memory_space<smem>>, %arg3: memref<1x1xf32, #tpu.memory_space<smem>>, %arg4: memref<5xf32, #tpu.memory_space<smem>>) attributes {dimension_semantics = [], scalar_prefetch = 0 : i64, scratch_operands = 0 : i64, tpu.core_type = #tpu.core_type<tc>} {
    %get3A = arith.constant 0 : index
    %get3A_0 = arith.constant 0 : index
    %get3A_1 = vector.load %arg0[%get3A, %get3A_0] : memref<32x16xf32, #tpu.memory_space<vmem>>, vector<32x16xf32>
    %reduce_sum3A = vector.shape_cast %get3A_1 : vector<32x16xf32> to vector<1x32x16xf32>
    %reduce_sum3A_2 = arith.constant dense<0.000000e+00> : vector<1xf32>
    %reduce_sum3A_3 = vector.multi_reduction <add>, %reduce_sum3A, %reduce_sum3A_2 [1, 2] : vector<1x32x16xf32> to vector<1xf32>
    %reduce_sum3A_4 = vector.shape_cast %reduce_sum3A_3 : vector<1xf32> to vector<1x1x1xf32>
    %reduce_sum3A_5 = vector.extract %reduce_sum3A_4[0, 0, 0] : f32 from vector<1x1x1xf32>
    %get3A_6 = arith.constant 0 : index
    %get3A_7 = arith.constant 0 : index
    %get3A_8 = memref.load %arg2[%get3A_6, %get3A_7] : memref<1x1xf32, #tpu.memory_space<smem>>
    %div3A = arith.constant 4.096000e+06 : f32
    %div3A_9 = arith.divf %get3A_8, %div3A : f32
    %get3A_10 = arith.constant 0 : index
    %get3A_11 = arith.constant 0 : index
    %get3A_12 = memref.load %arg3[%get3A_10, %get3A_11] : memref<1x1xf32, #tpu.memory_space<smem>>
    %get3A_13 = arith.constant 0 : index
    %get3A_14 = arith.constant 0 : index
    %get3A_15 = vector.load %arg1[%get3A_13, %get3A_14] : memref<32x16xf32, #tpu.memory_space<vmem>>, vector<32x16xf32>
    %reduce_sum3A_16 = vector.shape_cast %get3A_15 : vector<32x16xf32> to vector<1x32x16xf32>
    %reduce_sum3A_17 = arith.constant dense<0.000000e+00> : vector<1xf32>
    %reduce_sum3A_18 = vector.multi_reduction <add>, %reduce_sum3A_16, %reduce_sum3A_17 [1, 2] : vector<1x32x16xf32> to vector<1xf32>
    %reduce_sum3A_19 = vector.shape_cast %reduce_sum3A_18 : vector<1xf32> to vector<1x1x1xf32>
    %reduce_sum3A_20 = vector.extract %reduce_sum3A_19[0, 0, 0] : f32 from vector<1x1x1xf32>
    %add3A = arith.addf %get3A_12, %reduce_sum3A_20 : f32
    %div3A_21 = arith.constant 0x4B000000 : f32
    %div3A_22 = arith.divf %add3A, %div3A_21 : f32
    %div3A_23 = arith.constant 4.096000e+04 : f32
    %div3A_24 = arith.divf %reduce_sum3A_5, %div3A_23 : f32
    %mul3A = arith.constant 6.000000e-01 : f32
    %mul3A_25 = arith.mulf %mul3A, %div3A_9 : f32
    %mul3A_26 = arith.constant 2.500000e-01 : f32
    %mul3A_27 = arith.mulf %mul3A_26, %div3A_22 : f32
    %add3A_28 = arith.addf %mul3A_25, %mul3A_27 : f32
    %mul3A_29 = arith.constant 1.500000e-01 : f32
    %mul3A_30 = arith.mulf %mul3A_29, %div3A_24 : f32
    %sub3A = arith.subf %add3A_28, %mul3A_30 : f32
    %swap3A = arith.constant 0 : index
    %swap3A_31 = memref.load %arg4[%swap3A] : memref<5xf32, #tpu.memory_space<smem>>
    memref.store %sub3A, %arg4[%swap3A] : memref<5xf32, #tpu.memory_space<smem>>
    %swap3A_32 = arith.constant 1 : index
    %swap3A_33 = memref.load %arg4[%swap3A_32] : memref<5xf32, #tpu.memory_space<smem>>
    memref.store %div3A_9, %arg4[%swap3A_32] : memref<5xf32, #tpu.memory_space<smem>>
    %swap3A_34 = arith.constant 2 : index
    %swap3A_35 = memref.load %arg4[%swap3A_34] : memref<5xf32, #tpu.memory_space<smem>>
    memref.store %div3A_22, %arg4[%swap3A_34] : memref<5xf32, #tpu.memory_space<smem>>
    %neg3A = arith.constant 0.000000e+00 : f32
    %neg3A_36 = arith.subf %neg3A, %div3A_24 : f32
    %swap3A_37 = arith.constant 3 : index
    %swap3A_38 = memref.load %arg4[%swap3A_37] : memref<5xf32, #tpu.memory_space<smem>>
    memref.store %neg3A_36, %arg4[%swap3A_37] : memref<5xf32, #tpu.memory_space<smem>>
    %swap3A_39 = arith.constant 4 : index
    %swap3A_40 = memref.load %arg4[%swap3A_39] : memref<5xf32, #tpu.memory_space<smem>>
    memref.store %div3A_24, %arg4[%swap3A_39] : memref<5xf32, #tpu.memory_space<smem>>
    return
  }
}

</mosaic_0001>

<sc_bundles>
// kernel: kernel.5.cloned.1.call-start
scs
__scs_entry_jumppad:
0x0: {  	(pc) =	sbr.rel $0x88, $3  }
0x1: {  	(tag) =	ssettag $0x0;
	lr =	simm.s32 $0x1  }
0x2: {  	[smem:$0x3F9E] =	sst lr;
	_ =	strace $0xD0000000  }
0x3: {  	_ = 	snop  }
0x4: {  	_ = 	snop  }
0x5: {  	_ = 	snop  }
0x6: {  	_ = 	snop  }
0x7: {  	_ = 	snop  }
__scs_overlays_trampoline_lowered:
0x8: {  	[smem:$0x3FAD] =	sst s0  }
0x9: {  	[smem:$0x3FAE] =	sst s1  }
0xa: {  	[smem:$0x3FAF] =	sst s2  }
0xb: {  	[smem:$0x3FB0] =	sst s3  }
0xc: {  	[smem:$0x3FB1] =	sst s4  }
0xd: {  	[smem:$0x3FB2] =	sst s5  }
0xe: {  	[smem:$0x3FB3] =	sst s6  }
0xf: {  	[smem:$0x3FB4] =	sst s7  }
0x10: {  	[smem:$0x3FB5] =	sst s8  }
0x11: {  	[smem:$0x3FB6] =	sst s9;
	s0 =	simm.s32 @!p0 $0x0  }
0x12: {  	s1 =	sld [smem:$0x3F9C];
	s0 =	simm.s32 @p0 $0x1  }
0x13: {  	[smem:$0x3FB7] =	sst s0;
	s0 =	simm.s32 @!p1 $0x0  }
0x14: {  	s2 =	sld [smem:$0x3F9B];
	s0 =	simm.s32 @p1 $0x1  }
0x15: {  	[smem:$0x3FB8] =	sst s0;
	s0 =	simm.s32 @!p2 $0x0  }
0x16: {  	s3 =	sld [smem:$0x3FDB];
	s0 =	simm.s32 @p2 $0x1  }
0x17: {  	s4 =	simm.s32 $0x1BF5;
	[smem:$0x3FBA] =	sst s0  }
0x18: {  	s0 =	sld [smem:$0x3F9D];
	_ =	swait.ge [sflag:s4], $0x0  }
0x19: {  	s7 =	sld [smem:$0x3F9E]  }
0x1a: {  	s8 =	sadd.s32 $0xFFFFE003, lr  }
0x1b: {  	s9 =	sadd.s32 $0xFFFFFEF7, lr;
	s5 =	simm.s32 $0xFFFFFFFF;
	p2 =	slt.u32 s8, $0xFFFFF086  }
0x1c: {  	p1 =	slt.u32 s9, $0xF7A;
	s5 =	simm.s32 @!p2 $0x0  }
0x1d: {  	s5 =	simm.s32 @p1 $0x1;
	p0 =	seq.s32 s7, s2  }
0x1e: {  	s7 =	smul.u32 @!p0 $0xF7A, s2;
	p2 =	seq.s32 @!p0 s5, $0x0  }
0x1f: {  	s9 =	smul.u32 $0xF7A, s1;
	s8 =	simm.s32 @!p0 $0x1BF5;
	p2 =	por !p2, p0  }
0x20: {  	[sflag:s8] =	ssyncset.s32 @!p0 $0xFFFFF086;
	s6 =	sadd.s32 @!p0 s3, s7;
	s7 =	simm.s32 @!p0 $0x108  }
0x21: {  	s3 =	sadd.s32 s3, s9;
	s6 =	sadd.s32 @!p0 $0x88, s6;
	s7 =	simm.s32 @p2 $0x1082  }
0x22: {  	[simem:s7], [sflag:s8] =	dma.local @!p0 [hbm:s6], $0xF7A  }
0x23: {  	s9 =	sor.u32 $0xD0000000, s2;
	s6 =	simm.s32 $0x108;
	_ =	swait.ge @!p0 [sflag:s8], $0x0  }
0x24: {  	s3 =	sadd.s32 $0x88, s3;
	s6 =	simm.s32 @!p1 $0x1082;
	[sflag:s4] =	ssyncset.s32 $0xFFFFF086  }
0x25: {  	[simem:s6], [sflag:s4] =	dma.local [hbm:s3], $0xF7A  }
0x26: {  	[smem:$0x3F9E] =	sst s1;
	(tag) =	ssettag s2;
	_ =	strace s9  }
0x27: {  	s1 =	sld [smem:$0x3FAE]  }
0x28: {  	s2 =	sld [smem:$0x3FAF]  }
0x29: {  	s4 =	sld [smem:$0x3FB1]  }
0x2a: {  	p0 =	seq.s32 s5, $0x0;
	s5 =	sld [smem:$0x3FB2]  }
0x2b: {  	s6 =	sld [smem:$0x3FB3]  }
0x2c: {  	s7 =	sld [smem:$0x3FB4]  }
0x2d: {  	s3 =	simm.s32 $0x108;
	s8 =	sld [smem:$0x3FB5]  }
0x2e: {  	s3 =	simm.s32 @!p0 $0x1082;
	s9 =	sld [smem:$0x3FB6]  }
0x2f: {  	lr =	sadd.s32 s0, s3;
	s0 =	sld [smem:$0x3FAD]  }
0x30: {  	s3 =	sld [smem:$0x3FB0]  }
0x31: {  	[smem:$0x3FB9] =	sst s10  }
0x32: {  	s10 =	sld [smem:$0x3FB7];
	_ =	sdelay $0x3  }
0x33: {  	p0 =	seq.s32 s10, $0x1;
	s10 =	sld [smem:$0x3FB9];
	_ =	sdelay $0x3  }
0x34: {  	[smem:$0x3FB9] =	sst s10  }
0x35: {  	s10 =	sld [smem:$0x3FB8];
	_ =	sdelay $0x3  }
0x36: {  	p1 =	seq.s32 s10, $0x1;
	s10 =	sld [smem:$0x3FB9];
	_ =	sdelay $0x3  }
0x37: {  	[smem:$0x3FB9] =	sst s10  }
0x38: {  	s10 =	sld [smem:$0x3FBA]  }
0x39: {  	_ = 	snop;
	(pc) =	sbr.ind lr, $3  }
0x3a: {  	_ = 	snop  }
0x3b: {  	_ = 	snop  }
0x3c: {  	p2 =	seq.s32 s10, $0x1;
	s10 =	sld [smem:$0x3FB9]  }
0x3d: {  	_ =	shalt  }
0x3e: {  	_ =	shalt  }
0x3f: {  	_ =	shalt  }
0x40: {  	_ =	shalt  }
0x41: {  	_ =	shalt  }
0x42: {  	_ =	shalt  }
0x43: {  	_ =	shalt  }
0x44: {  	_ =	shalt  }
0x45: {  	_ =	shalt  }
0x46: {  	_ =	shalt  }
0x47: {  	_ =	shalt  }
0x48: {  	_ =	shalt  }
0x49: {  	_ =	shalt  }
0x4a: {  	_ =	shalt  }
0x4b: {  	_ =	shalt  }
0x4c: {  	_ =	shalt  }
0x4d: {  	_ =	shalt  }
0x4e: {  	_ =	shalt  }
0x4f: {  	_ =	shalt  }
0x50: {  	_ =	shalt  }
0x51: {  	_ =	shalt  }
0x52: {  	_ =	shalt  }
0x53: {  	_ =	shalt  }
0x54: {  	_ =	shalt  }
0x55: {  	_ =	shalt  }
0x56: {  	_ =	shalt  }
0x57: {  	_ =	shalt  }
0x58: {  	_ =	shalt  }
0x59: {  	_ =	shalt  }
0x5a: {  	_ =	shalt  }
0x5b: {  	_ =	shalt  }
0x5c: {  	_ =	shalt  }
0x5d: {  	_ =	shalt  }
0x5e: {  	_ =	shalt  }
0x5f: {  	_ =	shalt  }
0x60: {  	_ =	shalt  }
0x61: {  	_ =	shalt  }
0x62: {  	_ =	shalt  }
0x63: {  	_ =	shalt  }
0x64: {  	_ =	shalt  }
0x65: {  	_ =	shalt  }
0x66: {  	_ =	shalt  }
0x67: {  	_ =	shalt  }
0x68: {  	_ =	shalt  }
0x69: {  	_ =	shalt  }
0x6a: {  	_ =	shalt  }
0x6b: {  	_ =	shalt  }
0x6c: {  	_ =	shalt  }
0x6d: {  	_ =	shalt  }
0x6e: {  	_ =	shalt  }
0x6f: {  	_ =	shalt  }
0x70: {  	_ =	shalt  }
0x71: {  	_ =	shalt  }
0x72: {  	_ =	shalt  }
0x73: {  	_ =	shalt  }
0x74: {  	_ =	shalt  }
0x75: {  	_ =	shalt  }
0x76: {  	_ =	shalt  }
0x77: {  	_ =	shalt  }
0x78: {  	_ =	shalt  }
0x79: {  	_ =	shalt  }
0x7a: {  	_ =	shalt  }
0x7b: {  	_ =	shalt  }
0x7c: {  	_ =	shalt  }
0x7d: {  	_ =	shalt  }
0x7e: {  	_ =	shalt  }
0x7f: {  	_ =	shalt  }
0x80: {  	_ =	shalt  }
0x81: {  	_ =	shalt  }
0x82: {  	_ =	shalt  }
0x83: {  	_ =	shalt  }
0x84: {  	_ =	shalt  }
0x85: {  	_ =	shalt  }
0x86: {  	_ =	shalt  }
0x87: {  	_ =	shalt  }
.Lfunc_end0:
.L_simem_size_0:
called_computation_lowered:
.L_overlay_start_0:
0x88: {  	s2 =	sld [smem:$0x3FD9]  }
0x89: {  	s3 =	sld [smem:$0x3FFE];
	_ =	sdelay $0x1  }
0x8a: {  	s1 =	srdreg.scid  }
0x8b: {  	s0 =	sand.u32 $0x1, s1  }
0x8c: {  	s17 =	sshll.u32 s0, $0xA;
	s2 =	sadd.s32 s3, s2  }
0x8d: {  	s2 =	sadd.s32 s2, s17  }
0x8e: {  	[smem:$0x3FC5] =	sst s2  }
0x8f: {  	_ = 	snop  }
0x90: {  	s2 =	sld [smem:$0x3FC7];
	(tm) =	ssettm $0x1  }
0x91: {  	s18 =	sld [smem:$0x3FFB];
	_ =	sdelay $0x3  }
0x92: {  	_ =	strace s18  }
0x93: {  	s3 =	sld [smem:$0x3FFC];
	_ =	sdelay $0x3  }
0x94: {  	_ =	strace s3  }
0x95: {  	s3 =	sld [smem:$0x3FFD];
	_ =	sdelay $0x3  }
0x96: {  	_ =	strace s3  }
0x97: {  	_ =	strace $0x8FFFFFFF  }
0x98: {  	s19 =	sld [smem:$0x3FDB];
	_ =	sdelay $0x1  }
0x99: {  	s4 =	simm.s32 $_scs_section_size  }
0x9a: {  	s5 =	simm.s32 $_size__tile_overlayer_lowered;
	s6 =	simm.s32 $_tile_overlayer_lowered  }
0x9b: {  	s22 =	simm.s32 $0x1BFF;
	s21 =	sshll.u32 s6, $0x1;
	s3 =	sadd.s32 s4, s19  }
0x9c: {  	s7 =	simm.s32 $0x0;
	s20 =	sshll.u32 s5, $0x1;
	s5 =	sadd.s32 s21, s3  }
0x9d: {  	[timem:s7], [sflag:s22] =	dma.local [hbm:s5], s20  }
0x9e: {  	_ =	swait.ge [sflag:s22], s20  }
0x9f: {  	s4 =	ssub.s32 $0x0, s20;
	[sflag:s22] =	ssyncset.done $0x0  }
0xa0: {  	[sflag:s22] =	ssyncadd.s32 s4;
	_ =	sdelay $0x1  }
0xa1: {  	s23 =	simm.s32 $0x1B8B  }
0xa2: {  	_ =	swait.ge [sflag:s23], $0x1  }
0xa3: {  	[sflag:s23] =	ssyncset.done $0x0  }
0xa4: {  	s25 =	simm.s32 $0x1B8E;
	s24 =	sld [smem:$0x3FFE];
	[sflag:s23] =	ssyncadd.s32 $0xFFFFFFFF  }
0xa5: {  	s26 =	simm.s32 $execute0_lowered;
	[smem:$0x3FD2] =	sst s25  }
0xa6: {  	s5 =	sshll.u32 s26, $0x1;
	_ =	strace $0x80000046;
	[dreg:$0x1] =	wrdreg $0xFFFFFFFF  }
0xa7: {  	s28 =	simm.s32 $_size_execute0_lowered;
	s3 =	sadd.s32 s3, s5;
	[dreg:$0x0] =	wrdreg $0x0  }
0xa8: {  	s5 =	sshll.u32 s28, $0x1;
	[dreg:$0x2] =	wrdreg s3  }
0xa9: {  	[dreg:$0x3] =	wrdreg s5  }
0xaa: {  	[dreg:$0x4] =	wrdreg $0xC0  }
0xab: {  	_ =	task [dreg:s7], $0x5FFFF  }
0xac: {  	[dreg:$0x1] =	wrdreg $0xFFFFFFFF  }
0xad: {  	[dreg:$0x0] =	wrdreg $0x60  }
0xae: {  	[dreg:$0x2] =	wrdreg s2  }
0xaf: {  	[dreg:$0x3] =	wrdreg s24  }
0xb0: {  	[dreg:$0x4] =	wrdreg $0x9  }
0xb1: {  	_ =	task.clear_ibuf [dreg:s7], $0x5FFFF;
	_ =	strace $0x90000046  }
0xb2: {  	s29 =	simm.s32 $0x9;
	_ =	strace $0x80000048  }
0xb3: {  	_ =	swait.ge [sflag:s29], $0x1  }
0xb4: {  	[sflag:s29] =	ssyncadd.s32 $0xFFFFFFFF  }
0xb5: {  	_ =	strace $0x90000048  }
0xb6: {  	_ =	sfence  }
0xb7: {  	s30 =	sld [smem:$0x0];
	_ =	sdelay $0x2  }
0xb8: {  	s31 =	sshll.u32 s1, $0xD;
	s1 =	sshrl.u32 s1, $0x2  }
0xb9: {  	s3 =	sand.u32 $0x4000, s31;
	s1 =	sadd.s32 s1, s30  }
0xba: {  	s0 =	sor.u32 s3, s0;
	s1 =	sshll.u32 s1, $0x11  }
0xbb: {  	s0 =	sor.u32 s1, s0  }
0xbc: {  	s0 =	sadd.s32 $0x8F2B, s0  }
0xbd: {  	[sflag:s0] =	ssyncadd.remote.s32 $0x1  }
0xbe: {  	_ =	sfence.sel $0xFFFF  }
0xbf: {  	[dreg:$0x0] =	wrdreg $0xFFFFFFFF;
	(pc) =	sbr.abs _section_cstart, $3  }
0xc0: {  	[dreg:$0x1] =	wrdreg $0xFFFFFFFF  }
0xc1: {  	_ =	task.clear_ibuf [dreg:s7], $0x2FFFF;
	_ =	strace $0x9FFFFFFF  }
0xc2: {  	(tm) =	ssettm $0x7FFFFFFF  }
0xc3: {  	_ =	shalt  }
tec
execute0_lowered:
.L_overlay_start_1:
0x0: {  	(tag) =	ssettag $0x1  }
0x1: {  	s5 =	rddreg [dreg:$0x0]  }
0x2: {  	s3 =	rddreg [dreg:$0x1]  }
0x3: {  	s0 =	rddreg [dreg:$0x2];
	s4 =	srdreg.scid  }
0x4: {  	s1 =	stileid.u32;
	s2 =	simm.s32 $0x0;
	s10 =	simm.s32 $0x1  }
0x5: {  	s11 =	simm.s32 $0x8000;
	s12 =	simm.s32 $0x2;
	s13 =	simm.s32 $0x80  }
0x6: {  	s14 =	simm.s32 $0x400;
	s15 =	simm.s32 $0x3;
	s16 =	simm.s32 $0x10  }
0x7: {  	s17 =	simm.s32 $0x0;
	s4 =	sand.u32 $0x1, s4;
	s6 =	sshll.u32 s1, $0x1  }
0x8: {  	[smem:$0x7FF] =	sst s2;
	s6 =	sor.u32 s4, s6;
	s4 =	ssub.s32 $0x2, s4  }
0x9: {  	_ =	strace $0x80000047;
	s7 =	sshll.u32 s6, $0x4;
	s31 =	sshrl.u32 s4, $0x1  }
0xa: {  	s8 =	sadd.s32 s7, s3;
	s3 =	sshll.u32 s6, $0xF;
	s9 =	ssub.s32 s4, s31  }
0xb: {  	s4 =	sadd.s32 s5, s3;
	s5 =	sadd.s32 $0x1000, s5;
	s7 =	sadd.s32 $0x1200, s8  }
0xc: {  	vm0 =	vmmov $0x3f;
	s8 =	sadd.s32 $0x1400, s8;
	s9 =	smax.u32 s9, $0x1;
	s6 =	sadd.s32 $0x2000, s4  }
.LBB2_1:
0xd: {  	[tilespmem:s2], [sflag:$0x1] =	stream.linear.gather [hbm4b:s4+s2], $0x8000, $0x38;
	[tilespmem:$0x10000] =	vst v63  }
0xe: {  	v0 =	vimm.f32 $0.0e+00;
	v1 =	vimm.f32 $0.0e+00;
	s18 =	simm.s32 $0x0  }
.LBB2_2:
0xf: {  	s19 =	sshll.u32 s18, $0xD;
	_ =	swait.ge [sflag:s10], $0x8000  }
0x10: {  	[sflag:s10] =	ssyncset.done $0x0;
	s20 =	sor.u32 s19, s3  }
0x11: {  	[sflag:s10] =	ssyncadd.s32 $0xFFFF8000;
	s21 =	sadd.s32 s20, s5;
	s20 =	simm.s32 $0x0  }
0x12: {  	[tilespmem:s11], [sflag:$0x2] =	stream.linear.gather [hbm4b:s21+s20], $0x8000, $0x38;
	[tilespmem:$0x10000] =	vst v63  }
0x13: {  	s30 =	sand.u32 $0x70, s20;
	s22 =	sand.u32 $0xC00, s20  }
0x14: {  	s21 =	sor.u32 s30, s22  }
0x15: {  	v2 =	vld [tilespmem:s21+$0x0];
	_ =	sdelay $0x1  }
0x16: {  	v3 =	vld [tilespmem:s21+$0x80];
	_ =	sdelay $0x1  }
0x17: {  	v4 =	vld [tilespmem:s21+$0x100]  }
0x18: {  	v5 =	vld [tilespmem:s21+$0x180];
	(xrf1) =	vsort.dscd.msk.f32 $0xffff, v2, v2;
	v2 =	vsub.f32 $0.0e+00, v2;
	_ =	sdelay $0x1  }
0x19: {  	(xrf1) =	vsort.dscd.msk.f32 $0xffff, v3, v3;
	v3 =	vsub.f32 $0.0e+00, v3;
	v2 =	vmul.f32 $1.442695020e+00, v2  }
0x1a: {  	v6 =	vld [tilespmem:s21+$0x200]  }
0x1b: {  	v7 =	vld [tilespmem:s21+$0x280];
	(xrf1) =	vsort.dscd.msk.f32 $0xffff, v4, v4;
	v4 =	vsub.f32 $0.0e+00, v4;
	v3 =	vmul.f32 $1.442695020e+00, v3;
	(erf) = vpow2.f32 v2  }
0x1c: {  	(xrf1) =	vsort.dscd.msk.f32 $0xffff, v5, v5  }
0x1d: {  	s31 =	sor.u32 s20, s20;
	v8 =	vld [tilespmem:s21+$0x300];
	v2 =	vmul.f32 $1.442695020e+00, v4;
	(erf) = vpow2.f32 v3  }
0x1e: {  	s22 =	sor.u32 $0x380, s31;
	v4 =	vsub.f32 $0.0e+00, v5  }
0x1f: {  	v9 =	vld [tilespmem:s22+$0x0];
	(xrf1) =	vsort.dscd.msk.f32 $0xffff, v6, v6;
	v5 =	vsub.f32 $0.0e+00, v6;
	(erf) = vpow2.f32 v2  }
0x20: {  	(xrf1) =	vsort.dscd.msk.f32 $0xffff, v7, v7;
	v4 =	vmul.f32 $1.442695020e+00, v4  }
0x21: {  	v5 =	vmul.f32 $1.442695020e+00, v5  }
0x22: {  	v10 =	vld [tilespmem:s21+$0x4000];
	v7 =	vsub.f32 $0.0e+00, v7;
	(xrf1) =	vsort.dscd.msk.f32 $0xffff, v8, v8;
	(erf) = vpow2.f32 v4  }
0x23: {  	v8 =	vsub.f32 $0.0e+00, v8;
	(erf) = vpow2.f32 v5  }
0x24: {  	v11 =	vld [tilespmem:s21+$0x4080];
	(xrf1) =	vsort.dscd.msk.f32 $0xffff, v9, v9;
	v7 =	vmul.f32 $1.442695020e+00, v7;
	v14 =	vpop (erf)  }
0x25: {  	v9 =	vsub.f32 $0.0e+00, v9;
	v8 =	vmul.f32 $1.442695020e+00, v8;
	v3, _, _ =	vpop (xrf1)  }
0x26: {  	(erf) = vpow2.f32 v7;
	v14 =	vadd.f32 $1.000000000e+00, v14;
	v15 =	vpop (erf)  }
0x27: {  	v12 =	vld [tilespmem:s21+$0x4100];
	(xrf1) =	vsort.dscd.msk.f32 $0xffff, v10, v10;
	v10 =	vsub.f32 $0.0e+00, v10;
	v9 =	vmul.f32 $1.442695020e+00, v9;
	(erf) = vpow2.f32 v8;
	v6, _, _ =	vpop (xrf1)  }
0x28: {  	v8 =	vadd.f32 $1.000000000e+00, v15;
	v16 =	vpop (erf);
	(erf) = vrcp.f32 v14  }
0x29: {  	(xrf1) =	vsort.dscd.msk.f32 $0xffff, v11, v11;
	v11 =	vsub.f32 $0.0e+00, v11;
	v10 =	vmul.f32 $1.442695020e+00, v10;
	v2, _, _ =	vpop (xrf1);
	(erf) = vpow2.f32 v9  }
0x2a: {  	v53 =	vld [tilespmem:s21+$0x4180];
	v4, _, _ =	vpop (xrf1);
	v9 =	vadd.f32 $1.000000000e+00, v16;
	(erf) = vrcp.f32 v8  }
0x2b: {  	v11 =	vmul.f32 $1.442695020e+00, v11;
	v17 =	vpop (erf);
	(erf) = vpow2.f32 v10  }
0x2c: {  	(xrf1) =	vsort.dscd.msk.f32 $0xffff, v12, v12;
	v12 =	vsub.f32 $0.0e+00, v12;
	v16 =	vld [tilespmem:s21+$0x4200];
	v19 =	vpop (erf);
	(erf) = vrcp.f32 v9  }
0x2d: {  	v13, _, _ =	vpop (xrf1);
	v10 =	vadd.f32 $1.000000000e+00, v17;
	(erf) = vpow2.f32 v11;
	v11 =	vadd.f32 $1.000000000e+00, v19  }
0x2e: {  	v12 =	vmul.f32 $1.442695020e+00, v12;
	v5, _, _ =	vpop (xrf1)  }
0x2f: {  	v18 =	vsub.f32 $0.0e+00, v53;
	v17 =	vld [tilespmem:s21+$0x4280];
	v21 =	vpop (erf);
	(erf) = vrcp.f32 v10  }
0x30: {  	v7, _, _ =	vpop (xrf1);
	(erf) = vpow2.f32 v12  }
0x31: {  	v18 =	vmul.f32 $1.442695020e+00, v18;
	v19 =	vld [tilespmem:s21+$0x4300];
	v20 =	vsub.f32 $0.0e+00, v16;
	(erf) = vrcp.f32 v11;
	v11 =	vpop (erf)  }
0x32: {  	v55 =	vadd.f32 $1.000000000e+00, v21;
	v54, _, _ =	vpop (xrf1);
	v11 =	vadd.f32 $1.000000000e+00, v11  }
0x33: {  	v20 =	vmul.f32 $1.442695020e+00, v20;
	(erf) = vpow2.f32 v18;
	v23 =	vpop (erf)  }
0x34: {  	v22 =	vsub.f32 $0.0e+00, v17;
	(erf) = vrcp.f32 v55;
	v56 =	vpop (erf)  }
0x35: {  	v21 =	vld [tilespmem:s21+$0x4380];
	v1 =	vadd.f32 v23, v1;
	(erf) = vpow2.f32 v20;
	v23 =	vpop (erf)  }
0x36: {  	v18 =	vmul.f32 $1.442695020e+00, v22;
	v22 =	vsub.f32 $0.0e+00, v19;
	(erf) = vrcp.f32 v11;
	v11 =	vpop (erf)  }
0x37: {  	v8, _, _ =	vpop (xrf1);
	v12 =	vadd.f32 $1.000000000e+00, v56;
	v11 =	vadd.f32 $1.000000000e+00, v11  }
0x38: {  	v20 =	vmul.f32 $1.442695020e+00, v22;
	v1 =	vadd.f32 v23, v1;
	(erf) = vpow2.f32 v18;
	v23 =	vpop (erf)  }
0x39: {  	(erf) = vrcp.f32 v12;
	v57 =	vpop (erf)  }
0x3a: {  	v22 =	vsub.f32 $0.0e+00, v21;
	(erf) = vpow2.f32 v20;
	v18 =	vpop (erf)  }
0x3b: {  	v1 =	vadd.f32 v23, v1;
	(erf) = vrcp.f32 v11;
	v11 =	vpop (erf)  }
0x3c: {  	(xrf1) =	vsort.dscd.msk.f32 $0xffff, v53, v53;
	v9, _, _ =	vpop (xrf1);
	v58 =	vmul.f32 $1.442695020e+00, v22;
	v11 =	vadd.f32 $1.000000000e+00, v11  }
0x3d: {  	(xrf1) =	vsort.dscd.msk.f32 $0xffff, v16, v16;
	v12 =	vadd.f32 $1.000000000e+00, v57;
	v1 =	vadd.f32 v18, v1;
	v16 =	vpop (erf)  }
0x3e: {  	(erf) = vpow2.f32 v58;
	v59 =	vpop (erf)  }
0x3f: {  	(erf) = vrcp.f32 v12;
	v1 =	vadd.f32 v16, v1;
	v60 =	vpop (erf)  }
0x40: {  	(xrf1) =	vsort.dscd.msk.f32 $0xffff, v17, v17;
	(erf) = vrcp.f32 v11;
	v11 =	vpop (erf)  }
0x41: {  	v1 =	vadd.f32 v60, v1;
	v11 =	vadd.f32 $1.000000000e+00, v11  }
0x42: {  	v16 =	vimm.f32 $-Inf;
	v12 =	vadd.f32 $1.000000000e+00, v59;
	v61 =	vpop (erf)  }
0x43: {  	(xrf1) =	vsort.dscd.msk.f32 $0xffff, v19, v19;
	v3 =	vmax.f32 v16, v3;
	v62 =	vpop (erf);
	v1 =	vadd.f32 v61, v1  }
0x44: {  	(xrf1) =	vsort.dscd.msk.f32 $0xffff, v21, v21;
	v6 =	vmax.f32 v16, v6;
	v2 =	vmax.f32 v16, v2;
	(erf) = vrcp.f32 v12;
	v63 =	vpop (erf)  }
0x45: {  	v12 =	vadd.f32 $1.000000000e+00, v62;
	(erf) = vrcp.f32 v11;
	v1 =	vadd.f32 v63, v1;
	v11 =	vpop (erf)  }
0x46: {  	(xrf1) =	vsort.ascd.msk.f32 $0xffff, v3, v3;
	v3 =	vpop (erf)  }
0x47: {  	(xrf1) =	vsort.ascd.msk.f32 $0xffff, v6, v6;
	(erf) = vrcp.f32 v12;
	v11 =	vadd.f32 $1.000000000e+00, v11;
	v6 =	vpop (erf);
	v1 =	vadd.f32 v3, v1  }
0x48: {  	(xrf1) =	vsort.ascd.msk.f32 $0xffff, v2, v2;
	v3 =	vmax.f32 v16, v4;
	v4 =	vadd.f32 $1.000000000e+00, v6;
	v2 =	vpop (erf)  }
0x49: {  	v10, _, _ =	vpop (xrf1);
	(erf) = vrcp.f32 v11;
	v1 =	vadd.f32 v2, v1;
	v2 =	vmax.f32 v16, v5  }
0x4a: {  	v6 =	vmax.f32 v16, v13;
	(xrf1) =	vsort.ascd.msk.f32 $0xffff, v3, v3;
	v5 =	vpop (erf);
	(erf) = vrcp.f32 v4;
	v4 =	vmax.f32 v16, v7  }
0x4b: {  	(xrf1) =	vsort.ascd.msk.f32 $0xffff, v6, v6;
	v3, _, _ =	vpop (xrf1);
	v1 =	vadd.f32 v5, v1;
	v5 =	vmax.f32 v16, v54  }
0x4c: {  	v6 =	vmax.f32 v16, v8;
	(xrf1) =	vsort.ascd.msk.f32 $0xffff, v2, v2;
	v2, _, _ =	vpop (xrf1)  }
0x4d: {  	(xrf1) =	vsort.ascd.msk.f32 $0xffff, v4, v4;
	v4 =	vpop (erf)  }
0x4e: {  	(xrf1) =	vsort.ascd.msk.f32 $0xffff, v5, v5;
	v5, _, _ =	vpop (xrf1);
	v1 =	vadd.f32 v4, v1;
	v4 =	vmax.f32 v16, v9  }
0x4f: {  	s22 =	simm.s32 $0x80;
	s21 =	simm.s32 $0x10;
	v7 =	vmax.f32 v16, v10;
	v3 =	vmax.f32 v16, v3;
	(xrf1) =	vsort.ascd.msk.f32 $0xffff, v6, v6;
	v6 =	vpop (erf)  }
0x50: {  	s24 =	sand.u32 $0xC00, s22;
	s23 =	sand.u32 $0x70, s21;
	v2 =	vmax.f32 v16, v2;
	(xrf1) =	vsort.ascd.msk.f32 $0xffff, v4, v4;
	v1 =	vadd.f32 v6, v1;
	v6 =	vpop (erf)  }
0x51: {  	s24 =	sor.u32 s23, s24;
	v5 =	vmax.f32 v16, v5;
	(xrf1) =	vsort.ascd.msk.f32 $0xffff, v7, v7;
	v4, _, _ =	vpop (xrf1)  }
0x52: {  	v9 =	vld [tilespmem:s24+$0x0];
	(xrf1) =	vsort.ascd.msk.f32 $0xffff, v3, v3;
	v3, _, _ =	vpop (xrf1)  }
0x53: {  	v7 =	vld [tilespmem:s24+$0x80];
	v1 =	vadd.f32 v6, v1;
	(xrf1) =	vsort.ascd.msk.f32 $0xffff, v2, v2;
	v2 =	vpop (erf)  }
0x54: {  	v8 =	vld [tilespmem:s24+$0x100];
	v4 =	vmax.f32 v16, v4;
	(xrf1) =	vsort.ascd.msk.f32 $0xffff, v5, v5;
	v5 =	vpop (erf)  }
0x55: {  	v20 =	vld [tilespmem:s24+$0x180];
	v6 =	vmax.f32 v16, v3;
	v1 =	vadd.f32 v2, v1;
	v2, _, _ =	vpop (xrf1);
	(xrf1) =	vsort.ascd.msk.f32 $0xffff, v4, v4  }
0x56: {  	v19 =	vld [tilespmem:s24+$0x200];
	v3, _, _ =	vpop (xrf1);
	(xrf1) =	vsort.ascd.msk.f32 $0xffff, v6, v6  }
0x57: {  	s23 =	simm.s32 $0x20;
	v18 =	vld [tilespmem:s24+$0x280];
	v1 =	vadd.f32 v5, v1;
	(xrf1) =	vsort.dscd.msk.f32 $0xffff, v9, v9;
	v4, _, _ =	vpop (xrf1)  }
.LBB2_3:
0x58: {  	p0 =	sne.s32 s23, $0x1F0;
	(xrf1) =	vsort.dscd.msk.f32 $0xffff, v7, v7;
	v16, _, _ =	vpop (xrf1)  }
0x59: {  	s25 =	sor.u32 s22, s21;
	s21 =	smov.u32 s23;
	v25 =	vld [tilespmem:s24+$0x300];
	(xrf1) =	vsort.dscd.msk.f32 $0xffff, v8, v8;
	v17, _, _ =	vpop (xrf1)  }
0x5a: {  	s25 =	sor.u32 $0x380, s25;
	(xrf1) =	vsort.dscd.msk.f32 $0xffff, v20, v20;
	v15, _, _ =	vpop (xrf1)  }
0x5b: {  	v26 =	vld [tilespmem:s25+$0x0];
	(xrf1) =	vsort.dscd.msk.f32 $0xffff, v19, v19;
	v14, _, _ =	vpop (xrf1)  }
0x5c: {  	(xrf1) =	vsort.dscd.msk.f32 $0xffff, v18, v18;
	v13, _, _ =	vpop (xrf1)  }
0x5d: {  	v27 =	vld [tilespmem:s24+$0x4000];
	v12, _, _ =	vpop (xrf1)  }
0x5e: {  	v5 =	vsub.f32 $0.0e+00, v9;
	(xrf1) =	vsort.dscd.msk.f32 $0xffff, v25, v25;
	v11, _, _ =	vpop (xrf1)  }
0x5f: {  	v28 =	vld [tilespmem:s24+$0x4080];
	v10, _, _ =	vpop (xrf1)  }
0x60: {  	v6 =	vsub.f32 $0.0e+00, v7;
	v22 =	vmul.f32 $1.442695020e+00, v5;
	(xrf1) =	vsort.dscd.msk.f32 $0xffff, v26, v26;
	v9, _, _ =	vpop (xrf1)  }
0x61: {  	v29 =	vld [tilespmem:s24+$0x4100];
	v7, _, _ =	vpop (xrf1)  }
0x62: {  	v21 =	vsub.f32 $0.0e+00, v8;
	v23 =	vmul.f32 $1.442695020e+00, v6;
	(erf) = vpow2.f32 v22;
	(xrf1) =	vsort.dscd.msk.f32 $0xffff, v27, v27;
	v8, _, _ =	vpop (xrf1)  }
0x63: {  	v5, _, _ =	vpop (xrf1)  }
0x64: {  	v20 =	vsub.f32 $0.0e+00, v20;
	v21 =	vmul.f32 $1.442695020e+00, v21;
	(erf) = vpow2.f32 v23;
	(xrf1) =	vsort.dscd.msk.f32 $0xffff, v28, v28;
	v6, _, _ =	vpop (xrf1)  }
0x65: {  	v24, _, _ =	vpop (xrf1)  }
0x66: {  	v31 =	vsub.f32 $0.0e+00, v19;
	v20 =	vmul.f32 $1.442695020e+00, v20;
	v23, _, _ =	vpop (xrf1);
	(erf) = vpow2.f32 v21;
	(xrf1) =	vsort.dscd.msk.f32 $0xffff, v29, v29  }
0x67: {  	v22, _, _ =	vpop (xrf1)  }
0x68: {  	v30 =	vmul.f32 $1.442695020e+00, v31;
	v31 =	vsub.f32 $0.0e+00, v18;
	(erf) = vpow2.f32 v20;
	v21, _, _ =	vpop (xrf1)  }
0x69: {  	v32 =	vsub.f32 $0.0e+00, v25;
	v19, _, _ =	vpop (xrf1)  }
0x6a: {  	v33 =	vmul.f32 $1.442695020e+00, v31;
	(erf) = vpow2.f32 v30;
	v18, _, _ =	vpop (xrf1)  }
0x6b: {  	v26 =	vsub.f32 $0.0e+00, v26;
	v30 =	vmul.f32 $1.442695020e+00, v32;
	v20 =	vpop (erf)  }
0x6c: {  	v34 =	vadd.f32 $1.000000000e+00, v20;
	(erf) = vpow2.f32 v33;
	v20, _, _ =	vpop (xrf1)  }
0x6d: {  	v35 =	vmul.f32 $1.442695020e+00, v26;
	v27 =	vsub.f32 $0.0e+00, v27;
	v25 =	vpop (erf);
	(erf) = vpow2.f32 v30  }
0x6e: {  	v36 =	vadd.f32 $1.000000000e+00, v25;
	v32 =	vld [tilespmem:s24+$0x4180];
	(erf) = vrcp.f32 v34;
	v25, _, _ =	vpop (xrf1)  }
0x6f: {  	v37 =	vmul.f32 $1.442695020e+00, v27;
	v28 =	vsub.f32 $0.0e+00, v28;
	v31 =	vpop (erf);
	(erf) = vpow2.f32 v35  }
0x70: {  	v31 =	vadd.f32 $1.000000000e+00, v31;
	v33 =	vld [tilespmem:s24+$0x4200];
	(erf) = vrcp.f32 v36;
	v26, _, _ =	vpop (xrf1)  }
0x71: {  	v38 =	vmul.f32 $1.442695020e+00, v28;
	v29 =	vsub.f32 $0.0e+00, v29;
	v30 =	vpop (erf);
	(erf) = vpow2.f32 v37  }
0x72: {  	v30 =	vadd.f32 $1.000000000e+00, v30;
	v34 =	vld [tilespmem:s24+$0x4280];
	(erf) = vrcp.f32 v31;
	v27, _, _ =	vpop (xrf1)  }
0x73: {  	v29 =	vmul.f32 $1.442695020e+00, v29;
	v31 =	vsub.f32 $0.0e+00, v32;
	v35 =	vpop (erf);
	(erf) = vpow2.f32 v38  }
0x74: {  	v38 =	vadd.f32 $1.000000000e+00, v35;
	v36 =	vld [tilespmem:s24+$0x4300];
	(erf) = vrcp.f32 v30;
	v28, _, _ =	vpop (xrf1)  }
0x75: {  	v30 =	vmul.f32 $1.442695020e+00, v31;
	v31 =	vsub.f32 $0.0e+00, v33;
	v37 =	vpop (erf);
	(erf) = vpow2.f32 v29  }
0x76: {  	v40 =	vadd.f32 $1.000000000e+00, v37;
	v37 =	vld [tilespmem:s24+$0x4380];
	(erf) = vrcp.f32 v38;
	v35 =	vpop (erf)  }
0x77: {  	v31 =	vmul.f32 $1.442695020e+00, v31;
	v38 =	vsub.f32 $0.0e+00, v34;
	v39 =	vpop (erf);
	(erf) = vpow2.f32 v30  }
0x78: {  	v41 =	vadd.f32 $1.000000000e+00, v35;
	v1 =	vadd.f32 v39, v1;
	(erf) = vrcp.f32 v40;
	v29 =	vpop (erf)  }
0x79: {  	v35 =	vmul.f32 $1.442695020e+00, v38;
	v38 =	vsub.f32 $0.0e+00, v36;
	v39 =	vpop (erf);
	(erf) = vpow2.f32 v31  }
0x7a: {  	v40 =	vadd.f32 $1.000000000e+00, v29;
	v1 =	vadd.f32 v39, v1;
	(erf) = vrcp.f32 v41;
	v30 =	vpop (erf)  }
0x7b: {  	v31 =	vmul.f32 $1.442695020e+00, v38;
	v38 =	vsub.f32 $0.0e+00, v37;
	v39 =	vpop (erf);
	(erf) = vpow2.f32 v35  }
0x7c: {  	v1 =	vadd.f32 v39, v1;
	v39 =	vadd.f32 $1.000000000e+00, v30;
	(erf) = vrcp.f32 v40;
	v29 =	vpop (erf);
	(xrf1) =	vsort.dscd.msk.f32 $0xffff, v32, v32  }
0x7d: {  	v32 =	vmul.f32 $1.442695020e+00, v38;
	v35 =	vpop (erf);
	(erf) = vpow2.f32 v31  }
0x7e: {  	v1 =	vadd.f32 v35, v1;
	v35 =	vadd.f32 $1.000000000e+00, v29;
	(erf) = vrcp.f32 v39;
	v30 =	vpop (erf);
	(xrf1) =	vsort.dscd.msk.f32 $0xffff, v33, v33  }
0x7f: {  	v31 =	vpop (erf);
	(erf) = vpow2.f32 v32  }
0x80: {  	v32 =	vadd.f32 $1.000000000e+00, v30;
	v1 =	vadd.f32 v31, v1;
	(erf) = vrcp.f32 v35;
	v29 =	vpop (erf);
	(xrf1) =	vsort.dscd.msk.f32 $0xffff, v34, v34  }
0x81: {  	v31 =	vpop (erf)  }
0x82: {  	v33 =	vadd.f32 $1.000000000e+00, v29;
	v1 =	vadd.f32 v31, v1;
	(erf) = vrcp.f32 v32;
	v30 =	vpop (erf);
	(xrf1) =	vsort.dscd.msk.f32 $0xffff, v36, v36  }
0x83: {  	v31 =	vpop (erf)  }
0x84: {  	v30 =	vadd.f32 $1.000000000e+00, v30;
	v1 =	vadd.f32 v31, v1;
	(erf) = vrcp.f32 v33;
	v29 =	vpop (erf);
	(xrf1) =	vsort.dscd.msk.f32 $0xffff, v37, v37  }
0x85: {  	v29 =	vadd.f32 $1.000000000e+00, v29;
	v31 =	vpop (erf)  }
0x86: {  	v32 =	vmax.f32 v2, v24;
	v1 =	vadd.f32 v31, v1;
	(erf) = vrcp.f32 v30;
	v24 =	vpop (erf)  }
0x87: {  	v3 =	vmax.f32 v3, v23;
	v23 =	vadd.f32 $1.000000000e+00, v24;
	(xrf1) =	vsort.ascd.msk.f32 $0xffff, v32, v32;
	v2 =	vpop (erf)  }
0x88: {  	v22 =	vmax.f32 v4, v22;
	v1 =	vadd.f32 v2, v1;
	(xrf1) =	vsort.ascd.msk.f32 $0xffff, v3, v3;
	(erf) = vrcp.f32 v29;
	v2 =	vpop (erf)  }
0x89: {  	v21 =	vmax.f32 v16, v21;
	v2 =	vadd.f32 $1.000000000e+00, v2;
	(xrf1) =	vsort.ascd.msk.f32 $0xffff, v22, v22;
	v4 =	vpop (erf)  }
0x8a: {  	v16 =	vmax.f32 v17, v19;
	v1 =	vadd.f32 v4, v1;
	(xrf1) =	vsort.ascd.msk.f32 $0xffff, v21, v21;
	v3, _, _ =	vpop (xrf1);
	(erf) = vrcp.f32 v23  }
0x8b: {  	v17 =	vmax.f32 v15, v18;
	(xrf1) =	vsort.ascd.msk.f32 $0xffff, v16, v16;
	v15 =	vpop (erf);
	(erf) = vrcp.f32 v2  }
0x8c: {  	v14 =	vmax.f32 v14, v20;
	v1 =	vadd.f32 v15, v1;
	(xrf1) =	vsort.ascd.msk.f32 $0xffff, v17, v17;
	v4, _, _ =	vpop (xrf1)  }
0x8d: {  	v13 =	vmax.f32 v13, v25;
	(xrf1) =	vsort.ascd.msk.f32 $0xffff, v14, v14;
	v2 =	vpop (erf)  }
0x8e: {  	v14 =	vmax.f32 v12, v26;
	v1 =	vadd.f32 v2, v1;
	(xrf1) =	vsort.ascd.msk.f32 $0xffff, v13, v13;
	v2, _, _ =	vpop (xrf1)  }
0x8f: {  	s22 =	sadd.s32 $0x80, s22;
	v13 =	vmax.f32 v11, v27;
	(xrf1) =	vsort.ascd.msk.f32 $0xffff, v14, v14;
	v12 =	vpop (erf)  }
0x90: {  	s25 =	sand.u32 $0xC00, s22;
	s24 =	sand.u32 $0x70, s23;
	v14 =	vmax.f32 v10, v28;
	v1 =	vadd.f32 v12, v1;
	(xrf1) =	vsort.ascd.msk.f32 $0xffff, v13, v13;
	v11, _, _ =	vpop (xrf1)  }
0x91: {  	s24 =	sor.u32 s24, s25;
	v12 =	vmax.f32 v9, v3;
	(xrf1) =	vsort.ascd.msk.f32 $0xffff, v14, v14;
	v10 =	vpop (erf)  }
0x92: {  	v13 =	vmax.f32 v7, v4;
	v9 =	vld [tilespmem:s24+$0x0];
	v1 =	vadd.f32 v10, v1;
	(xrf1) =	vsort.ascd.msk.f32 $0xffff, v12, v12;
	v3, _, _ =	vpop (xrf1)  }
.Ltmp0:
0x93: {  	v10 =	vmax.f32 v8, v2;
	v7 =	vld [tilespmem:s24+$0x80];
	(xrf1) =	vsort.ascd.msk.f32 $0xffff, v13, v13;
	v4 =	vpop (erf);
	(pc) =	sbr.rel @p0 .LBB2_3-.Ltmp0, $4  }
0x94: {  	v8 =	vld [tilespmem:s24+$0x100];
	v1 =	vadd.f32 v4, v1;
	v4 =	vmax.f32 v5, v11;
	(xrf1) =	vsort.ascd.msk.f32 $0xffff, v10, v10;
	v5 =	vpop (erf)  }
0x95: {  	v6 =	vmax.f32 v6, v3;
	v20 =	vld [tilespmem:s24+$0x180];
	v2, _, _ =	vpop (xrf1);
	(xrf1) =	vsort.ascd.msk.f32 $0xffff, v4, v4  }
0x96: {  	v19 =	vld [tilespmem:s24+$0x200];
	v1 =	vadd.f32 v5, v1;
	v3, _, _ =	vpop (xrf1);
	(xrf1) =	vsort.ascd.msk.f32 $0xffff, v6, v6  }
0x97: {  	s23 =	sadd.s32 $0x10, s23;
	v18 =	vld [tilespmem:s24+$0x280];
	(xrf1) =	vsort.dscd.msk.f32 $0xffff, v9, v9;
	v4, _, _ =	vpop (xrf1)  }
0x98: {  	v16, _, _ =	vpop (xrf1)  }
0x99: {  	(xrf1) =	vsort.dscd.msk.f32 $0xffff, v7, v7;
	v5 =	vsub.f32 $0.0e+00, v9;
	v17, _, _ =	vpop (xrf1)  }
0x9a: {  	v15, _, _ =	vpop (xrf1)  }
0x9b: {  	v6 =	vsub.f32 $0.0e+00, v7;
	(xrf1) =	vsort.dscd.msk.f32 $0xffff, v8, v8;
	v5 =	vmul.f32 $1.442695020e+00, v5;
	v14, _, _ =	vpop (xrf1)  }
0x9c: {  	v13, _, _ =	vpop (xrf1)  }
0x9d: {  	v26 =	vsub.f32 $0.0e+00, v8;
	(xrf1) =	vsort.dscd.msk.f32 $0xffff, v20, v20;
	v6 =	vmul.f32 $1.442695020e+00, v6;
	(erf) = vpow2.f32 v5;
	v11, _, _ =	vpop (xrf1)  }
0x9e: {  	v21 =	vld [tilespmem:s24+$0x300];
	v12, _, _ =	vpop (xrf1)  }
0x9f: {  	v48 =	vsub.f32 $0.0e+00, v20;
	(xrf1) =	vsort.dscd.msk.f32 $0xffff, v19, v19;
	v26 =	vmul.f32 $1.442695020e+00, v26;
	(erf) = vpow2.f32 v6;
	v10, _, _ =	vpop (xrf1)  }
0xa0: {  	s21 =	sor.u32 s22, s21;
	v9, _, _ =	vpop (xrf1)  }
0xa1: {  	s21 =	sor.u32 $0x380, s21;
	v49 =	vsub.f32 $0.0e+00, v19;
	(xrf1) =	vsort.dscd.msk.f32 $0xffff, v18, v18;
	v20 =	vmul.f32 $1.442695020e+00, v48;
	(erf) = vpow2.f32 v26;
	v7, _, _ =	vpop (xrf1)  }
0xa2: {  	v22 =	vld [tilespmem:s21+$0x0];
	v8, _, _ =	vpop (xrf1)  }
0xa3: {  	v50 =	vsub.f32 $0.0e+00, v18;
	(xrf1) =	vsort.dscd.msk.f32 $0xffff, v21, v21;
	v19 =	vmul.f32 $1.442695020e+00, v49;
	(erf) = vpow2.f32 v20;
	v5, _, _ =	vpop (xrf1)  }
0xa4: {  	v23 =	vld [tilespmem:s24+$0x4000];
	v6, _, _ =	vpop (xrf1)  }
0xa5: {  	v51 =	vsub.f32 $0.0e+00, v21;
	v18 =	vmul.f32 $1.442695020e+00, v50;
	(erf) = vpow2.f32 v19;
	v27, _, _ =	vpop (xrf1)  }
0xa6: {  	v24 =	vld [tilespmem:s24+$0x4080];
	v54 =	vpop (erf)  }
0xa7: {  	v52 =	vmul.f32 $1.442695020e+00, v51;
	v53 =	vsub.f32 $0.0e+00, v22;
	(erf) = vpow2.f32 v18;
	v28, _, _ =	vpop (xrf1)  }
0xa8: {  	v25 =	vld [tilespmem:s24+$0x4100];
	v21 =	vadd.f32 $1.000000000e+00, v54;
	v57 =	vpop (erf)  }
0xa9: {  	v56 =	vsub.f32 $0.0e+00, v23;
	v55 =	vmul.f32 $1.442695020e+00, v53;
	(erf) = vpow2.f32 v52;
	v29, _, _ =	vpop (xrf1)  }
0xaa: {  	v59 =	vld [tilespmem:s24+$0x4180];
	v58 =	vadd.f32 $1.000000000e+00, v57;
	v61 =	vpop (erf);
	(erf) = vrcp.f32 v21  }
0xab: {  	v60 =	vsub.f32 $0.0e+00, v24;
	v20 =	vmul.f32 $1.442695020e+00, v56;
	v30, _, _ =	vpop (xrf1);
	(erf) = vpow2.f32 v55  }
0xac: {  	v63 =	vld [tilespmem:s24+$0x4200];
	v62 =	vadd.f32 $1.000000000e+00, v61;
	v41 =	vpop (erf);
	(erf) = vrcp.f32 v58  }
0xad: {  	v36 =	vld [tilespmem:s24+$0x4280];
	v40 =	vsub.f32 $0.0e+00, v25;
	v26 =	vmul.f32 $1.442695020e+00, v60;
	v31, _, _ =	vpop (xrf1);
	(erf) = vpow2.f32 v20  }
0xae: {  	v38 =	vld [tilespmem:s24+$0x4300];
	v42 =	vadd.f32 $1.000000000e+00, v41;
	v45 =	vpop (erf);
	(erf) = vrcp.f32 v62  }
0xaf: {  	v44 =	vsub.f32 $0.0e+00, v59;
	v43 =	vmul.f32 $1.442695020e+00, v40;
	v32, _, _ =	vpop (xrf1);
	(erf) = vpow2.f32 v26  }
0xb0: {  	v46 =	vadd.f32 $1.000000000e+00, v45;
	v48 =	vpop (erf);
	(erf) = vrcp.f32 v42  }
0xb1: {  	v47 =	vsub.f32 $0.0e+00, v63;
	(xrf1) =	vsort.dscd.msk.f32 $0xffff, v22, v22;
	v21 =	vmul.f32 $1.442695020e+00, v44;
	v33, _, _ =	vpop (xrf1);
	(erf) = vpow2.f32 v43  }
0xb2: {  	v40 =	vld [tilespmem:s24+$0x4380];
	(xrf1) =	vsort.dscd.msk.f32 $0xffff, v23, v23;
	v52 =	vsub.f32 $0.0e+00, v36;
	v49 =	vadd.f32 $1.000000000e+00, v48;
	v50 =	vpop (erf);
	(erf) = vrcp.f32 v46  }
0xb3: {  	v51 =	vmul.f32 $1.442695020e+00, v47;
	(xrf1) =	vsort.dscd.msk.f32 $0xffff, v24, v24;
	v55 =	vsub.f32 $0.0e+00, v38;
	v53 =	vpop (erf);
	(erf) = vpow2.f32 v21  }
0xb4: {  	(xrf1) =	vsort.dscd.msk.f32 $0xffff, v25, v25;
	v25 =	vmul.f32 $1.442695020e+00, v52;
	v19 =	vadd.f32 $1.000000000e+00, v50;
	(erf) = vrcp.f32 v49;
	v54 =	vpop (erf)  }
0xb5: {  	v26 =	vmul.f32 $1.442695020e+00, v55;
	v21 =	vpop (erf);
	(erf) = vpow2.f32 v51  }
0xb6: {  	v18 =	vadd.f32 $1.000000000e+00, v54;
	(erf) = vrcp.f32 v19;
	v56 =	vpop (erf)  }
0xb7: {  	v41 =	vsub.f32 $0.0e+00, v40;
	(erf) = vpow2.f32 v25;
	v23 =	vpop (erf)  }
0xb8: {  	v57 =	vadd.f32 $1.000000000e+00, v56;
	(erf) = vrcp.f32 v18;
	v58 =	vpop (erf)  }
0xb9: {  	(xrf1) =	vsort.dscd.msk.f32 $0xffff, v59, v59;
	v59 =	vmul.f32 $1.442695020e+00, v41;
	(erf) = vpow2.f32 v26;
	v26 =	vpop (erf)  }
0xba: {  	(erf) = vrcp.f32 v57;
	v60 =	vpop (erf)  }
0xbb: {  	v19 =	vadd.f32 $1.000000000e+00, v58;
	v25 =	vpop (erf);
	(erf) = vpow2.f32 v59  }
0xbc: {  	v18 =	vadd.f32 $1.000000000e+00, v60;
	v61 =	vpop (erf)  }
0xbd: {  	(erf) = vrcp.f32 v19;
	v24 =	vpop (erf)  }
0xbe: {  	(xrf1) =	vsort.dscd.msk.f32 $0xffff, v63, v63;
	(erf) = vrcp.f32 v18;
	v62 =	vpop (erf)  }
0xbf: {  	(xrf1) =	vsort.dscd.msk.f32 $0xffff, v36, v36;
	v22 =	vpop (erf)  }
0xc0: {  	(xrf1) =	vsort.dscd.msk.f32 $0xffff, v38, v38;
	v38 =	vpop (erf)  }
0xc1: {  	v2 =	vmax.f32 v2, v27;
	(xrf1) =	vsort.dscd.msk.f32 $0xffff, v40, v40;
	v3 =	vmax.f32 v3, v28;
	v19 =	vadd.f32 $1.000000000e+00, v61;
	v40 =	vpop (erf)  }
0xc2: {  	(xrf1) =	vsort.ascd.msk.f32 $0xffff, v2, v2;
	v63 =	vadd.f32 $1.000000000e+00, v62;
	v42 =	vpop (erf)  }
0xc3: {  	v4 =	vmax.f32 v4, v29;
	(xrf1) =	vsort.ascd.msk.f32 $0xffff, v3, v3;
	(erf) = vrcp.f32 v19;
	v41 =	vadd.f32 $1.000000000e+00, v38;
	v43 =	vpop (erf)  }
0xc4: {  	v44 =	vmax.f32 v16, v30;
	(xrf1) =	vsort.ascd.msk.f32 $0xffff, v4, v4;
	(erf) = vrcp.f32 v63;
	v2 =	vadd.f32 $1.000000000e+00, v42;
	v3 =	vpop (erf)  }
0xc5: {  	v4 =	vmax.f32 v17, v31;
	(xrf1) =	vsort.ascd.msk.f32 $0xffff, v44, v44;
	v34, _, _ =	vpop (xrf1);
	(erf) = vrcp.f32 v41;
	v3 =	vadd.f32 $1.000000000e+00, v3  }
0xc6: {  	(xrf1) =	vsort.ascd.msk.f32 $0xffff, v4, v4;
	v16 =	vpop (erf);
	(erf) = vrcp.f32 v2;
	v2 =	vmax.f32 v15, v32  }
0xc7: {  	v15 =	vpop (erf);
	(xrf1) =	vsort.ascd.msk.f32 $0xffff, v2, v2;
	(erf) = vrcp.f32 v3;
	v3 =	vmax.f32 v14, v33  }
0xc8: {  	v35, _, _ =	vpop (xrf1);
	v4 =	vmax.f32 v13, v34;
	(xrf1) =	vsort.ascd.msk.f32 $0xffff, v3, v3  }
0xc9: {  	v37, _, _ =	vpop (xrf1);
	v3 =	vmax.f32 v11, v35;
	(xrf1) =	vsort.ascd.msk.f32 $0xffff, v4, v4  }
0xca: {  	s28 =	simm.s32 $0x200;
	s29 =	simm.s32 $0x1000;
	v39, _, _ =	vpop (xrf1);
	v4 =	vmax.f32 v12, v37;
	(xrf1) =	vsort.ascd.msk.f32 $0xffff, v3, v3  }
0xcb: {  	s22 =	sand.u32 $0x3C00, s29;
	s21 =	sand.u32 $0x70, s28;
	v17, _, _ =	vpop (xrf1);
	v10 =	vmax.f32 v10, v39;
	(xrf1) =	vsort.ascd.msk.f32 $0xffff, v4, v4  }
0xcc: {  	s21 =	sor.u32 s21, s22;
	v9 =	vmax.f32 v9, v17;
	v2, _, _ =	vpop (xrf1);
	(xrf1) =	vsort.ascd.msk.f32 $0xffff, v10, v10  }
0xcd: {  	v11, _, _ =	vpop (xrf1);
	v2 =	vmax.f32 v7, v2;
	v10 =	vld [tilespmem:s21+$0x0];
	(xrf1) =	vsort.ascd.msk.f32 $0xffff, v9, v9  }
0xce: {  	v12, _, _ =	vpop (xrf1);
	v8 =	vmax.f32 v8, v11;
	v11 =	vld [tilespmem:s21+$0x80];
	(xrf1) =	vsort.ascd.msk.f32 $0xffff, v2, v2  }
0xcf: {  	v5 =	vmax.f32 v5, v12;
	v9, _, _ =	vpop (xrf1);
	(xrf1) =	vsort.ascd.msk.f32 $0xffff, v8, v8  }
0xd0: {  	v6 =	vmax.f32 v6, v9;
	v9, _, _ =	vpop (xrf1);
	v8 =	vld [tilespmem:s21+$0x100];
	(xrf1) =	vsort.ascd.msk.f32 $0xffff, v5, v5  }
0xd1: {  	v12, _, _ =	vpop (xrf1);
	v5 =	vld [tilespmem:s21+$0x180];
	(xrf1) =	vsort.ascd.msk.f32 $0xffff, v6, v6  }
0xd2: {  	s20 =	sand.u32 $0x7, s20;
	v14, _, _ =	vpop (xrf1);
	v6 =	vld [tilespmem:s21+$0x200];
	(xrf1) =	vsort.dscd.msk.f32 $0xffff, v10, v10  }
0xd3: {  	s20 =	sshll.u32 s20, $0x4;
	v17 =	vld [tilespmem:s21+$0x280];
	v10, _, _ =	vpop (xrf1);
	(xrf1) =	vsort.dscd.msk.f32 $0xffff, v11, v11  }
0xd4: {  	s20 =	sadd.s32 $0x1000, s20;
	v11, _, _ =	vpop (xrf1)  }
0xd5: {  	s20 =	sor.u32 $0x380, s20;
	v45 =	vld [tilespmem:s21+$0x300];
	(xrf1) =	vsort.dscd.msk.f32 $0xffff, v8, v8;
	v8, _, _ =	vpop (xrf1)  }
0xd6: {  	v46 =	vld [tilespmem:s20+$0x0];
	(xrf1) =	vsort.dscd.msk.f32 $0xffff, v5, v5;
	v5, _, _ =	vpop (xrf1)  }
0xd7: {  	v47 =	vld [tilespmem:s21+$0x4000];
	(xrf1) =	vsort.dscd.msk.f32 $0xffff, v6, v6;
	v6, _, _ =	vpop (xrf1)  }
0xd8: {  	v48 =	vld [tilespmem:s21+$0x4080];
	(xrf1) =	vsort.dscd.msk.f32 $0xffff, v17, v17;
	v17, _, _ =	vpop (xrf1)  }
0xd9: {  	v49 =	vld [tilespmem:s21+$0x4100];
	v51, _, _ =	vpop (xrf1)  }
0xda: {  	v50 =	vld [tilespmem:s21+$0x4180];
	v1 =	vadd.f32 v53, v1;
	(xrf1) =	vsort.dscd.msk.f32 $0xffff, v45, v45;
	v53, _, _ =	vpop (xrf1)  }
0xdb: {  	v52 =	vld [tilespmem:s21+$0x4200];
	(xrf1) =	vsort.dscd.msk.f32 $0xffff, v46, v46;
	v55, _, _ =	vpop (xrf1)  }
0xdc: {  	v54 =	vld [tilespmem:s21+$0x4280];
	(xrf1) =	vsort.dscd.msk.f32 $0xffff, v47, v47;
	v57, _, _ =	vpop (xrf1)  }
0xdd: {  	v56 =	vld [tilespmem:s21+$0x4300];
	(xrf1) =	vsort.dscd.msk.f32 $0xffff, v48, v48;
	v59, _, _ =	vpop (xrf1)  }
0xde: {  	v58 =	vld [tilespmem:s21+$0x4380];
	(xrf1) =	vsort.dscd.msk.f32 $0xffff, v49, v49;
	v60, _, _ =	vpop (xrf1)  }
0xdf: {  	(xrf1) =	vsort.dscd.msk.f32 $0xffff, v50, v50;
	v61, _, _ =	vpop (xrf1)  }
0xe0: {  	(xrf1) =	vsort.dscd.msk.f32 $0xffff, v52, v52;
	v62, _, _ =	vpop (xrf1)  }
0xe1: {  	(xrf1) =	vsort.dscd.msk.f32 $0xffff, v54, v54;
	v9 =	vmax.f32 v9, v62;
	v63, _, _ =	vpop (xrf1)  }
0xe2: {  	(xrf1) =	vsort.dscd.msk.f32 $0xffff, v56, v56;
	v12 =	vmax.f32 v12, v63  }
0xe3: {  	(xrf1) =	vsort.dscd.msk.f32 $0xffff, v58, v58  }
0xe4: {  	(xrf1) =	vsort.ascd.msk.f32 $0xffff, v9, v9;
	v9, _, _ =	vpop (xrf1)  }
0xe5: {  	(xrf1) =	vsort.ascd.msk.f32 $0xffff, v12, v12;
	v9 =	vmax.f32 v14, v9;
	v12, _, _ =	vpop (xrf1)  }
0xe6: {  	v10 =	vmax.f32 v10, v12;
	_ =	sdelay $0x1  }
0xe7: {  	(xrf1) =	vsort.ascd.msk.f32 $0xffff, v9, v9;
	v9, _, _ =	vpop (xrf1)  }
0xe8: {  	(xrf1) =	vsort.ascd.msk.f32 $0xffff, v10, v10;
	v9 =	vmax.f32 v11, v9;
	v10, _, _ =	vpop (xrf1)  }
0xe9: {  	v1 =	vadd.f32 v21, v1;
	v8 =	vmax.f32 v8, v10;
	_ =	sdelay $0x1  }
0xea: {  	v1 =	vadd.f32 v23, v1;
	(xrf1) =	vsort.ascd.msk.f32 $0xffff, v9, v9;
	v9, _, _ =	vpop (xrf1)  }
0xeb: {  	(xrf1) =	vsort.ascd.msk.f32 $0xffff, v8, v8;
	v5 =	vmax.f32 v5, v9;
	v8, _, _ =	vpop (xrf1)  }
0xec: {  	v1 =	vadd.f32 v26, v1;
	v6 =	vmax.f32 v6, v8;
	_ =	sdelay $0x1  }
0xed: {  	v1 =	vadd.f32 v25, v1;
	(xrf1) =	vsort.ascd.msk.f32 $0xffff, v5, v5;
	v5, _, _ =	vpop (xrf1)  }
0xee: {  	(xrf1) =	vsort.ascd.msk.f32 $0xffff, v6, v6;
	v5 =	vmax.f32 v17, v5;
	v6, _, _ =	vpop (xrf1)  }
0xef: {  	v1 =	vadd.f32 v24, v1;
	v6 =	vmax.f32 v51, v6  }
0xf0: {  	v13 =	vpop (erf)  }
0xf1: {  	v1 =	vadd.f32 v22, v1;
	(xrf1) =	vsort.ascd.msk.f32 $0xffff, v5, v5;
	v5, _, _ =	vpop (xrf1)  }
0xf2: {  	(xrf1) =	vsort.ascd.msk.f32 $0xffff, v6, v6;
	v5 =	vmax.f32 v53, v5;
	v6, _, _ =	vpop (xrf1)  }
0xf3: {  	v1 =	vadd.f32 v40, v1;
	v3 =	vpop (erf);
	v6 =	vmax.f32 v55, v6  }
0xf4: {  	v4 =	vpop (erf)  }
0xf5: {  	s30 =	simm.s32 $0x210;
	s20 =	simm.s32 $0x1080;
	v1 =	vadd.f32 v43, v1;
	(xrf1) =	vsort.ascd.msk.f32 $0xffff, v5, v5;
	v5, _, _ =	vpop (xrf1)  }
0xf6: {  	s31 =	sand.u32 $0x3C00, s20;
	s21 =	sand.u32 $0x70, s30;
	(xrf1) =	vsort.ascd.msk.f32 $0xffff, v6, v6;
	v5 =	vmax.f32 v57, v5;
	v6, _, _ =	vpop (xrf1)  }
0xf7: {  	v1 =	vadd.f32 v16, v1;
	v7 =	vpop (erf);
	s22 =	sor.u32 s21, s31;
	v6 =	vmax.f32 v59, v6  }
0xf8: {  	v2 =	vpop (erf);
	v8 =	vld [tilespmem:s22+$0x0]  }
0xf9: {  	v1 =	vadd.f32 v15, v1;
	v9 =	vld [tilespmem:s22+$0x80];
	(xrf1) =	vsort.ascd.msk.f32 $0xffff, v5, v5;
	v5, _, _ =	vpop (xrf1)  }
0xfa: {  	s21 =	simm.s32 $0x1;
	v14 =	vld [tilespmem:s22+$0x100];
	(xrf1) =	vsort.ascd.msk.f32 $0xffff, v6, v6;
	v5 =	vmax.f32 v60, v5;
	v6, _, _ =	vpop (xrf1)  }
0xfb: {  	v1 =	vadd.f32 v13, v1;
	s23 =	sand.u32 $0x7, s21;
	v15 =	vld [tilespmem:s22+$0x180];
	v6 =	vmax.f32 v61, v6;
	v12, _, _ =	vpop (xrf1);
	(xrf1) =	vsort.ascd.msk.f32 $0xffff, v5, v5  }
0xfc: {  	v16 =	vld [tilespmem:s22+$0x200];
	s23 =	sshll.u32 s23, $0x4;
	v10, _, _ =	vpop (xrf1);
	(xrf1) =	vsort.ascd.msk.f32 $0xffff, v6, v6  }
0xfd: {  	v1 =	vadd.f32 v3, v1;
	v3 =	vld [tilespmem:s22+$0x280];
	s23 =	sadd.s32 $0x1080, s23;
	(xrf1) =	vsort.dscd.msk.f32 $0xffff, v8, v8;
	v11, _, _ =	vpop (xrf1)  }
0xfe: {  	s23 =	sor.u32 $0x380, s23;
	v17 =	vld [tilespmem:s22+$0x300];
	(xrf1) =	vsort.dscd.msk.f32 $0xffff, v9, v9;
	v9, _, _ =	vpop (xrf1)  }
0xff: {  	v1 =	vadd.f32 v4, v1;
	v6 =	vld [tilespmem:s23+$0x0];
	(xrf1) =	vsort.dscd.msk.f32 $0xffff, v14, v14;
	v8, _, _ =	vpop (xrf1)  }
0x100: {  	v13 =	vld [tilespmem:s22+$0x4000];
	(xrf1) =	vsort.dscd.msk.f32 $0xffff, v15, v15;
	v5, _, _ =	vpop (xrf1)  }
0x101: {  	v1 =	vadd.f32 v7, v1;
	v7 =	vld [tilespmem:s22+$0x4080];
	(xrf1) =	vsort.dscd.msk.f32 $0xffff, v16, v16;
	v4, _, _ =	vpop (xrf1)  }
0x102: {  	v14 =	vld [tilespmem:s22+$0x4100];
	(xrf1) =	vsort.dscd.msk.f32 $0xffff, v3, v3;
	v3, _, _ =	vpop (xrf1)  }
0x103: {  	v1 =	vadd.f32 v2, v1;
	s23 =	simm.s32 $0x220;
	v15 =	vld [tilespmem:s22+$0x4180];
	(xrf1) =	vsort.dscd.msk.f32 $0xffff, v17, v17;
	v2, _, _ =	vpop (xrf1)  }
.LBB2_5:
0x104: {  	p0 =	sne.s32 s23, $0x7F0;
	v16 =	vld [tilespmem:s22+$0x4200];
	(xrf1) =	vsort.dscd.msk.f32 $0xffff, v6, v6;
	v6, _, _ =	vpop (xrf1)  }
0x105: {  	v17 =	vld [tilespmem:s22+$0x4280];
	(xrf1) =	vsort.dscd.msk.f32 $0xffff, v13, v13;
	v13, _, _ =	vpop (xrf1)  }
0x106: {  	v18 =	vld [tilespmem:s22+$0x4300];
	(xrf1) =	vsort.dscd.msk.f32 $0xffff, v7, v7;
	v7, _, _ =	vpop (xrf1)  }
0x107: {  	v19 =	vld [tilespmem:s22+$0x4380];
	(xrf1) =	vsort.dscd.msk.f32 $0xffff, v14, v14;
	v14, _, _ =	vpop (xrf1)  }
0x108: {  	(xrf1) =	vsort.dscd.msk.f32 $0xffff, v15, v15;
	v15, _, _ =	vpop (xrf1)  }
0x109: {  	(xrf1) =	vsort.dscd.msk.f32 $0xffff, v16, v16;
	v16, _, _ =	vpop (xrf1)  }
0x10a: {  	(xrf1) =	vsort.dscd.msk.f32 $0xffff, v17, v17;
	v17, _, _ =	vpop (xrf1)  }
0x10b: {  	v20, _, _ =	vpop (xrf1);
	(xrf1) =	vsort.dscd.msk.f32 $0xffff, v18, v18  }
0x10c: {  	v20 =	vmax.f32 v12, v20;
	v18, _, _ =	vpop (xrf1);
	(xrf1) =	vsort.dscd.msk.f32 $0xffff, v19, v19  }
0x10d: {  	v18 =	vmax.f32 v10, v18;
	(xrf1) =	vsort.ascd.msk.f32 $0xffff, v20, v20;
	v12, _, _ =	vpop (xrf1)  }
0x10e: {  	v11 =	vmax.f32 v11, v12;
	(xrf1) =	vsort.ascd.msk.f32 $0xffff, v18, v18;
	v10, _, _ =	vpop (xrf1)  }
0x10f: {  	v12 =	vmax.f32 v9, v10;
	(xrf1) =	vsort.ascd.msk.f32 $0xffff, v11, v11;
	v10, _, _ =	vpop (xrf1)  }
0x110: {  	v10 =	vmax.f32 v8, v10;
	(xrf1) =	vsort.ascd.msk.f32 $0xffff, v12, v12;
	v9, _, _ =	vpop (xrf1)  }
0x111: {  	v9 =	vmax.f32 v5, v9;
	(xrf1) =	vsort.ascd.msk.f32 $0xffff, v10, v10;
	v8, _, _ =	vpop (xrf1)  }
0x112: {  	v8 =	vmax.f32 v4, v8;
	(xrf1) =	vsort.ascd.msk.f32 $0xffff, v9, v9;
	v5, _, _ =	vpop (xrf1)  }
0x113: {  	v5 =	vmax.f32 v3, v5;
	(xrf1) =	vsort.ascd.msk.f32 $0xffff, v8, v8;
	v4, _, _ =	vpop (xrf1)  }
0x114: {  	v4 =	vmax.f32 v2, v4;
	(xrf1) =	vsort.ascd.msk.f32 $0xffff, v5, v5;
	v3, _, _ =	vpop (xrf1)  }
0x115: {  	s20 =	sadd.s32 $0x80, s20;
	v5 =	vmax.f32 v6, v3;
	(xrf1) =	vsort.ascd.msk.f32 $0xffff, v4, v4;
	v2, _, _ =	vpop (xrf1)  }
0x116: {  	s24 =	sand.u32 $0x3C00, s20;
	s22 =	sand.u32 $0x70, s23;
	v4 =	vmax.f32 v13, v2;
	(xrf1) =	vsort.ascd.msk.f32 $0xffff, v5, v5;
	v3, _, _ =	vpop (xrf1)  }
0x117: {  	s22 =	sor.u32 s22, s24;
	v5 =	vmax.f32 v7, v3;
	(xrf1) =	vsort.ascd.msk.f32 $0xffff, v4, v4;
	v2, _, _ =	vpop (xrf1)  }
0x118: {  	v4 =	vld [tilespmem:s22+$0x0];
	v6 =	vmax.f32 v14, v2;
	(xrf1) =	vsort.ascd.msk.f32 $0xffff, v5, v5;
	v3, _, _ =	vpop (xrf1)  }
0x119: {  	v5 =	vld [tilespmem:s22+$0x80];
	v8 =	vmax.f32 v15, v3;
	(xrf1) =	vsort.ascd.msk.f32 $0xffff, v6, v6;
	v2, _, _ =	vpop (xrf1)  }
0x11a: {  	s21 =	sadd.s32 $0x1, s21;
	v7 =	vld [tilespmem:s22+$0x100];
	v2 =	vmax.f32 v16, v2;
	(xrf1) =	vsort.ascd.msk.f32 $0xffff, v8, v8;
	v3, _, _ =	vpop (xrf1)  }
0x11b: {  	s24 =	sand.u32 $0x7, s21;
	v14 =	vld [tilespmem:s22+$0x180];
	v3 =	vmax.f32 v17, v3;
	v12, _, _ =	vpop (xrf1);
	(xrf1) =	vsort.ascd.msk.f32 $0xffff, v2, v2  }
0x11c: {  	s24 =	sshll.u32 s24, $0x4;
	v2 =	vld [tilespmem:s22+$0x200];
	v10, _, _ =	vpop (xrf1);
	(xrf1) =	vsort.ascd.msk.f32 $0xffff, v3, v3  }
0x11d: {  	s24 =	sadd.s32 s24, s20;
	v3 =	vld [tilespmem:s22+$0x280];
	(xrf1) =	vsort.dscd.msk.f32 $0xffff, v4, v4;
	v11, _, _ =	vpop (xrf1)  }
0x11e: {  	s24 =	sor.u32 $0x380, s24;
	v16 =	vld [tilespmem:s22+$0x300];
	(xrf1) =	vsort.dscd.msk.f32 $0xffff, v5, v5;
	v9, _, _ =	vpop (xrf1)  }
.Ltmp1:
0x11f: {  	v6 =	vld [tilespmem:s24+$0x0];
	(xrf1) =	vsort.dscd.msk.f32 $0xffff, v7, v7;
	v8, _, _ =	vpop (xrf1);
	(pc) =	sbr.rel @p0 .LBB2_5-.Ltmp1, $4  }
0x120: {  	v13 =	vld [tilespmem:s22+$0x4000];
	(xrf1) =	vsort.dscd.msk.f32 $0xffff, v14, v14;
	v5, _, _ =	vpop (xrf1)  }
0x121: {  	v7 =	vld [tilespmem:s22+$0x4080];
	(xrf1) =	vsort.dscd.msk.f32 $0xffff, v2, v2;
	v4, _, _ =	vpop (xrf1)  }
0x122: {  	v14 =	vld [tilespmem:s22+$0x4100];
	(xrf1) =	vsort.dscd.msk.f32 $0xffff, v3, v3;
	v3, _, _ =	vpop (xrf1)  }
0x123: {  	s23 =	sadd.s32 $0x10, s23;
	v15 =	vld [tilespmem:s22+$0x4180];
	(xrf1) =	vsort.dscd.msk.f32 $0xffff, v16, v16;
	v2, _, _ =	vpop (xrf1)  }
0x124: {  	v16 =	vld [tilespmem:s22+$0x4200];
	(xrf1) =	vsort.dscd.msk.f32 $0xffff, v6, v6;
	v21, _, _ =	vpop (xrf1)  }
0x125: {  	v6 =	vld [tilespmem:s22+$0x4280];
	(xrf1) =	vsort.dscd.msk.f32 $0xffff, v13, v13;
	v22, _, _ =	vpop (xrf1)  }
0x126: {  	v33 =	vld [tilespmem:s22+$0x4300];
	(xrf1) =	vsort.dscd.msk.f32 $0xffff, v7, v7;
	v23, _, _ =	vpop (xrf1)  }
0x127: {  	v17 =	vld [tilespmem:s22+$0x4380];
	(xrf1) =	vsort.dscd.msk.f32 $0xffff, v14, v14;
	v20, _, _ =	vpop (xrf1)  }
0x128: {  	(xrf1) =	vsort.dscd.msk.f32 $0xffff, v15, v15;
	v7, _, _ =	vpop (xrf1)  }
0x129: {  	(xrf1) =	vsort.dscd.msk.f32 $0xffff, v16, v16;
	v18, _, _ =	vpop (xrf1)  }
0x12a: {  	(xrf1) =	vsort.dscd.msk.f32 $0xffff, v6, v6;
	v6, _, _ =	vpop (xrf1)  }
0x12b: {  	v34, _, _ =	vpop (xrf1);
	(xrf1) =	vsort.dscd.msk.f32 $0xffff, v33, v33  }
0x12c: {  	v12 =	vmax.f32 v12, v34;
	v35, _, _ =	vpop (xrf1);
	(xrf1) =	vsort.dscd.msk.f32 $0xffff, v17, v17  }
0x12d: {  	(xrf1) =	vsort.ascd.msk.f32 $0xffff, v12, v12;
	v36, _, _ =	vpop (xrf1)  }
0x12e: {  	v37, _, _ =	vpop (xrf1)  }
0x12f: {  	v38, _, _ =	vpop (xrf1)  }
0x130: {  	v17, _, _ =	vpop (xrf1)  }
0x131: {  	v24, _, _ =	vpop (xrf1)  }
0x132: {  	v25, _, _ =	vpop (xrf1)  }
0x133: {  	v26, _, _ =	vpop (xrf1)  }
0x134: {  	v27, _, _ =	vpop (xrf1)  }
0x135: {  	v28, _, _ =	vpop (xrf1)  }
0x136: {  	v29, _, _ =	vpop (xrf1)  }
0x137: {  	v30, _, _ =	vpop (xrf1)  }
0x138: {  	v10 =	vmax.f32 v10, v35;
	v31, _, _ =	vpop (xrf1)  }
0x139: {  	v32, _, _ =	vpop (xrf1)  }
0x13a: {  	(xrf1) =	vsort.ascd.msk.f32 $0xffff, v10, v10;
	v19, _, _ =	vpop (xrf1)  }
0x13b: {  	v10, _, _ =	vpop (xrf1)  }
0x13c: {  	v10 =	vsub.f32 $0.0e+00, v10;
	_ =	sdelay $0x1  }
0x13d: {  	v10 =	vmul.f32 $1.442695020e+00, v10;
	_ =	sdelay $0x1  }
0x13e: {  	(erf) = vpow2.f32 v10;
	_ =	sdelay $0x4  }
0x13f: {  	v10 =	vmax.f32 v11, v36  }
0x140: {  	(xrf1) =	vsort.ascd.msk.f32 $0xffff, v10, v10;
	_ =	sdelay $0x1  }
0x141: {  	v10, _, _ =	vpop (xrf1)  }
0x142: {  	v10 =	vsub.f32 $0.0e+00, v10;
	v11 =	vpop (erf)  }
0x143: {  	v11 =	vadd.f32 $1.000000000e+00, v11  }
0x144: {  	v10 =	vmul.f32 $1.442695020e+00, v10  }
0x145: {  	(erf) = vrcp.f32 v11  }
0x146: {  	(erf) = vpow2.f32 v10;
	_ =	sdelay $0x3  }
0x147: {  	v9 =	vmax.f32 v9, v37;
	_ =	sdelay $0x1  }
0x148: {  	(xrf1) =	vsort.ascd.msk.f32 $0xffff, v9, v9  }
0x149: {  	v9, _, _ =	vpop (xrf1)  }
0x14a: {  	v16 =	vpop (erf)  }
0x14b: {  	v9 =	vsub.f32 $0.0e+00, v9;
	v10 =	vpop (erf)  }
0x14c: {  	v10 =	vadd.f32 $1.000000000e+00, v10  }
0x14d: {  	v9 =	vmul.f32 $1.442695020e+00, v9  }
0x14e: {  	(erf) = vrcp.f32 v10  }
0x14f: {  	(erf) = vpow2.f32 v9;
	_ =	sdelay $0x3  }
0x150: {  	v8 =	vmax.f32 v8, v38;
	_ =	sdelay $0x1  }
0x151: {  	(xrf1) =	vsort.ascd.msk.f32 $0xffff, v8, v8  }
0x152: {  	v8, _, _ =	vpop (xrf1)  }
0x153: {  	v39 =	vpop (erf)  }
0x154: {  	v8 =	vsub.f32 $0.0e+00, v8;
	v9 =	vpop (erf)  }
0x155: {  	v9 =	vadd.f32 $1.000000000e+00, v9  }
0x156: {  	v8 =	vmul.f32 $1.442695020e+00, v8  }
0x157: {  	(erf) = vrcp.f32 v9  }
0x158: {  	(erf) = vpow2.f32 v8;
	_ =	sdelay $0x3  }
0x159: {  	v5 =	vmax.f32 v5, v17;
	_ =	sdelay $0x1  }
0x15a: {  	(xrf1) =	vsort.ascd.msk.f32 $0xffff, v5, v5  }
0x15b: {  	v5, _, _ =	vpop (xrf1)  }
0x15c: {  	v17 =	vpop (erf)  }
0x15d: {  	v5 =	vsub.f32 $0.0e+00, v5;
	v8 =	vpop (erf)  }
0x15e: {  	v8 =	vadd.f32 $1.000000000e+00, v8  }
0x15f: {  	v5 =	vmul.f32 $1.442695020e+00, v5  }
0x160: {  	(erf) = vrcp.f32 v8  }
0x161: {  	(erf) = vpow2.f32 v5;
	_ =	sdelay $0x3  }
0x162: {  	v4 =	vmax.f32 v4, v24;
	_ =	sdelay $0x1  }
0x163: {  	(xrf1) =	vsort.ascd.msk.f32 $0xffff, v4, v4  }
0x164: {  	v4, _, _ =	vpop (xrf1)  }
0x165: {  	v40 =	vpop (erf)  }
0x166: {  	v4 =	vsub.f32 $0.0e+00, v4;
	v5 =	vpop (erf)  }
0x167: {  	v5 =	vadd.f32 $1.000000000e+00, v5  }
0x168: {  	v4 =	vmul.f32 $1.442695020e+00, v4  }
0x169: {  	(erf) = vrcp.f32 v5  }
0x16a: {  	(erf) = vpow2.f32 v4;
	_ =	sdelay $0x3  }
0x16b: {  	v3 =	vmax.f32 v3, v25;
	_ =	sdelay $0x1  }
0x16c: {  	(xrf1) =	vsort.ascd.msk.f32 $0xffff, v3, v3  }
0x16d: {  	v3, _, _ =	vpop (xrf1)  }
0x16e: {  	v41 =	vpop (erf)  }
0x16f: {  	v3 =	vsub.f32 $0.0e+00, v3;
	v4 =	vpop (erf)  }
0x170: {  	v4 =	vadd.f32 $1.000000000e+00, v4  }
0x171: {  	v3 =	vmul.f32 $1.442695020e+00, v3  }
0x172: {  	(erf) = vrcp.f32 v4  }
0x173: {  	(erf) = vpow2.f32 v3;
	_ =	sdelay $0x3  }
0x174: {  	v2 =	vmax.f32 v2, v26;
	_ =	sdelay $0x1  }
0x175: {  	(xrf1) =	vsort.ascd.msk.f32 $0xffff, v2, v2  }
0x176: {  	v2, _, _ =	vpop (xrf1)  }
0x177: {  	v42 =	vpop (erf)  }
0x178: {  	v2 =	vsub.f32 $0.0e+00, v2;
	v3 =	vpop (erf)  }
0x179: {  	v3 =	vadd.f32 $1.000000000e+00, v3  }
0x17a: {  	v2 =	vmul.f32 $1.442695020e+00, v2  }
0x17b: {  	(erf) = vrcp.f32 v3  }
0x17c: {  	(erf) = vpow2.f32 v2;
	_ =	sdelay $0x3  }
0x17d: {  	v2 =	vmax.f32 v21, v27;
	_ =	sdelay $0x1  }
0x17e: {  	(xrf1) =	vsort.ascd.msk.f32 $0xffff, v2, v2  }
0x17f: {  	v2, _, _ =	vpop (xrf1)  }
0x180: {  	v8 =	vpop (erf)  }
0x181: {  	v2 =	vsub.f32 $0.0e+00, v2;
	v3 =	vpop (erf)  }
0x182: {  	v3 =	vadd.f32 $1.000000000e+00, v3  }
0x183: {  	v2 =	vmul.f32 $1.442695020e+00, v2  }
0x184: {  	(erf) = vrcp.f32 v3  }
0x185: {  	(erf) = vpow2.f32 v2;
	_ =	sdelay $0x3  }
0x186: {  	v2 =	vmax.f32 v22, v28;
	_ =	sdelay $0x1  }
0x187: {  	(xrf1) =	vsort.ascd.msk.f32 $0xffff, v2, v2  }
0x188: {  	v2, _, _ =	vpop (xrf1)  }
0x189: {  	v9 =	vpop (erf)  }
0x18a: {  	v2 =	vsub.f32 $0.0e+00, v2;
	v3 =	vpop (erf)  }
0x18b: {  	v3 =	vadd.f32 $1.000000000e+00, v3  }
0x18c: {  	v2 =	vmul.f32 $1.442695020e+00, v2  }
0x18d: {  	(erf) = vrcp.f32 v3  }
0x18e: {  	(erf) = vpow2.f32 v2;
	_ =	sdelay $0x3  }
0x18f: {  	v2 =	vmax.f32 v23, v29;
	_ =	sdelay $0x1  }
0x190: {  	(xrf1) =	vsort.ascd.msk.f32 $0xffff, v2, v2  }
0x191: {  	v2, _, _ =	vpop (xrf1)  }
0x192: {  	v10 =	vpop (erf)  }
0x193: {  	v2 =	vsub.f32 $0.0e+00, v2;
	v3 =	vpop (erf)  }
0x194: {  	v3 =	vadd.f32 $1.000000000e+00, v3  }
0x195: {  	v2 =	vmul.f32 $1.442695020e+00, v2  }
0x196: {  	(erf) = vrcp.f32 v3  }
0x197: {  	(erf) = vpow2.f32 v2;
	_ =	sdelay $0x3  }
0x198: {  	v2 =	vmax.f32 v20, v30;
	_ =	sdelay $0x1  }
0x199: {  	(xrf1) =	vsort.ascd.msk.f32 $0xffff, v2, v2  }
0x19a: {  	v2, _, _ =	vpop (xrf1)  }
0x19b: {  	v11 =	vpop (erf)  }
0x19c: {  	v2 =	vsub.f32 $0.0e+00, v2;
	v3 =	vpop (erf)  }
0x19d: {  	v3 =	vadd.f32 $1.000000000e+00, v3  }
0x19e: {  	v2 =	vmul.f32 $1.442695020e+00, v2  }
0x19f: {  	(erf) = vrcp.f32 v3  }
0x1a0: {  	(erf) = vpow2.f32 v2;
	_ =	sdelay $0x3  }
0x1a1: {  	v2 =	vmax.f32 v7, v31;
	_ =	sdelay $0x1  }
0x1a2: {  	(xrf1) =	vsort.ascd.msk.f32 $0xffff, v2, v2  }
0x1a3: {  	v2, _, _ =	vpop (xrf1)  }
0x1a4: {  	v7 =	vpop (erf)  }
0x1a5: {  	v2 =	vsub.f32 $0.0e+00, v2;
	v3 =	vpop (erf)  }
0x1a6: {  	v3 =	vadd.f32 $1.000000000e+00, v3  }
0x1a7: {  	v2 =	vmul.f32 $1.442695020e+00, v2  }
0x1a8: {  	(erf) = vrcp.f32 v3  }
0x1a9: {  	(erf) = vpow2.f32 v2;
	_ =	sdelay $0x3  }
0x1aa: {  	v2 =	vmax.f32 v18, v32;
	_ =	sdelay $0x1  }
0x1ab: {  	(xrf1) =	vsort.ascd.msk.f32 $0xffff, v2, v2  }
0x1ac: {  	v2, _, _ =	vpop (xrf1)  }
0x1ad: {  	v5 =	vpop (erf)  }
0x1ae: {  	v2 =	vsub.f32 $0.0e+00, v2;
	v3 =	vpop (erf)  }
0x1af: {  	v3 =	vadd.f32 $1.000000000e+00, v3  }
0x1b0: {  	v2 =	vmul.f32 $1.442695020e+00, v2  }
0x1b1: {  	(erf) = vrcp.f32 v3  }
0x1b2: {  	(erf) = vpow2.f32 v2;
	_ =	sdelay $0x3  }
0x1b3: {  	v2 =	vmax.f32 v6, v19;
	_ =	sdelay $0x1  }
0x1b4: {  	(xrf1) =	vsort.ascd.msk.f32 $0xffff, v2, v2  }
0x1b5: {  	v2, _, _ =	vpop (xrf1)  }
0x1b6: {  	v6 =	vpop (erf)  }
0x1b7: {  	v2 =	vsub.f32 $0.0e+00, v2;
	v3 =	vpop (erf)  }
0x1b8: {  	v3 =	vadd.f32 $1.000000000e+00, v3  }
0x1b9: {  	v2 =	vmul.f32 $1.442695020e+00, v2  }
0x1ba: {  	(erf) = vrcp.f32 v3  }
0x1bb: {  	(erf) = vpow2.f32 v2;
	_ =	sdelay $0x6  }
0x1bc: {  	v2, _, _ =	vpop (xrf1)  }
0x1bd: {  	v4 =	vpop (erf)  }
0x1be: {  	v2 =	vsub.f32 $0.0e+00, v2;
	v3 =	vpop (erf)  }
0x1bf: {  	v3 =	vadd.f32 $1.000000000e+00, v3  }
0x1c0: {  	v2 =	vmul.f32 $1.442695020e+00, v2  }
0x1c1: {  	(erf) = vrcp.f32 v3  }
0x1c2: {  	(erf) = vpow2.f32 v2;
	_ =	sdelay $0x7  }
0x1c3: {  	v2 =	vpop (erf)  }
0x1c4: {  	v3 =	vpop (erf)  }
0x1c5: {  	v3 =	vadd.f32 $1.000000000e+00, v3;
	_ =	sdelay $0x1  }
0x1c6: {  	(erf) = vrcp.f32 v3;
	_ =	sdelay $0x8  }
0x1c7: {  	v3 =	vpop (erf)  }
0x1c8: {  	_ =	swait.ge [sflag:s12], $0x8000  }
0x1c9: {  	p0 =	seq.s32 s18, $0x3;
	s29 =	simm.s32 $0x0;
	[sflag:s12] =	ssyncset.done $0x0  }
0x1ca: {  	s19 =	sadd.s32 @!p0 s19, s6;
	s20 =	simm.s32 @!p0 $0x0;
	[sflag:s12] =	ssyncadd.s32 $0xFFFF8000  }
0x1cb: {  	[tilespmem:s20], [sflag:$0x1] =	stream.linear.gather @!p0 [hbm4b:s19+s20], $0x8000, $0x38;
	[tilespmem:$0x10000] =	vst v63  }
0x1cc: {  	s30 =	sand.u32 $0x70, s29;
	s19 =	sand.u32 $0xC00, s29  }
0x1cd: {  	s19 =	sor.u32 s30, s19  }
0x1ce: {  	v18 =	vld [tilespmem:s19+$0x8000];
	_ =	sdelay $0x1  }
0x1cf: {  	v19 =	vld [tilespmem:s19+$0x8080];
	_ =	sdelay $0x1  }
0x1d0: {  	v20 =	vld [tilespmem:s19+$0x8100]  }
0x1d1: {  	v21 =	vld [tilespmem:s19+$0x8180];
	(xrf1) =	vsort.dscd.msk.f32 $0xffff, v18, v18;
	v18 =	vsub.f32 $0.0e+00, v18;
	_ =	sdelay $0x1  }
0x1d2: {  	v22 =	vld [tilespmem:s19+$0x8200];
	(xrf1) =	vsort.dscd.msk.f32 $0xffff, v19, v19;
	v19 =	vsub.f32 $0.0e+00, v19;
	v18 =	vmul.f32 $1.442695020e+00, v18;
	_ =	sdelay $0x1  }
0x1d3: {  	v23 =	vld [tilespmem:s19+$0x8280];
	(xrf1) =	vsort.dscd.msk.f32 $0xffff, v20, v20;
	v20 =	vsub.f32 $0.0e+00, v20;
	v19 =	vmul.f32 $1.442695020e+00, v19;
	(erf) = vpow2.f32 v18  }
0x1d4: {  	(xrf1) =	vsort.dscd.msk.f32 $0xffff, v21, v21  }
0x1d5: {  	v43 =	vld [tilespmem:s19+$0x8300];
	v48 =	vmul.f32 $1.442695020e+00, v20;
	(erf) = vpow2.f32 v19  }
0x1d6: {  	v44 =	vld [tilespmem:s19+$0x8380];
	(xrf1) =	vsort.dscd.msk.f32 $0xffff, v22, v22;
	v18 =	vsub.f32 $0.0e+00, v21  }
0x1d7: {  	v45 =	vld [tilespmem:s19+$0xC000];
	(erf) = vpow2.f32 v48  }
0x1d8: {  	v46 =	vld [tilespmem:s19+$0xC080];
	v22 =	vsub.f32 $0.0e+00, v22;
	(xrf1) =	vsort.dscd.msk.f32 $0xffff, v23, v23;
	v21 =	vmul.f32 $1.442695020e+00, v18;
	_ =	sdelay $0x1  }
0x1d9: {  	v47 =	vld [tilespmem:s19+$0xC100];
	v23 =	vsub.f32 $0.0e+00, v23;
	(xrf1) =	vsort.dscd.msk.f32 $0xffff, v43, v43;
	v22 =	vmul.f32 $1.442695020e+00, v22;
	(erf) = vpow2.f32 v21  }
0x1da: {  	(xrf1) =	vsort.dscd.msk.f32 $0xffff, v44, v44  }
0x1db: {  	v23 =	vmul.f32 $1.442695020e+00, v23;
	(xrf1) =	vsort.dscd.msk.f32 $0xffff, v45, v45;
	(erf) = vpow2.f32 v22;
	v50 =	vpop (erf)  }
0x1dc: {  	(xrf1) =	vsort.dscd.msk.f32 $0xffff, v46, v46;
	v20, _, _ =	vpop (xrf1)  }
0x1dd: {  	v16 =	vsel vm0, $0x0, v16;
	(erf) = vpow2.f32 v23;
	v52 =	vpop (erf)  }
0x1de: {  	v0 =	vadd.f32 v16, v0;
	v24 =	vsub.f32 $0.0e+00, v43;
	(xrf1) =	vsort.dscd.msk.f32 $0xffff, v47, v47;
	v18, _, _ =	vpop (xrf1)  }
0x1df: {  	v17 =	vsel vm0, $0x0, v17;
	v49 =	vsub.f32 $0.0e+00, v44;
	v21 =	vsel vm0, $0x0, v39;
	v55 =	vpop (erf)  }
0x1e0: {  	v51 =	vsub.f32 $0.0e+00, v45;
	v21 =	vadd.f32 v21, v0;
	v22 =	vmul.f32 $1.442695020e+00, v24;
	v19, _, _ =	vpop (xrf1)  }
0x1e1: {  	v13 =	vsel vm0, $0x0, v41;
	v54 =	vsub.f32 $0.0e+00, v46;
	v25 =	vadd.f32 $1.000000000e+00, v50;
	v16, _, _ =	vpop (xrf1)  }
0x1e2: {  	v23 =	vmul.f32 $1.442695020e+00, v49;
	v21 =	vadd.f32 v17, v21;
	(erf) = vpow2.f32 v22;
	v58 =	vpop (erf)  }
0x1e3: {  	v22 =	vsel vm0, $0x0, v40;
	v26 =	vadd.f32 $1.000000000e+00, v52;
	(erf) = vrcp.f32 v25;
	v14, _, _ =	vpop (xrf1)  }
0x1e4: {  	v53 =	vld [tilespmem:s19+$0xC180];
	v24 =	vmul.f32 $1.442695020e+00, v51;
	v22 =	vadd.f32 v22, v21;
	(erf) = vpow2.f32 v23;
	v62 =	vpop (erf)  }
0x1e5: {  	v56 =	vld [tilespmem:s19+$0xC200];
	v57 =	vsub.f32 $0.0e+00, v47;
	v23 =	vadd.f32 $1.000000000e+00, v55;
	(erf) = vrcp.f32 v26;
	v0, _, _ =	vpop (xrf1)  }
0x1e6: {  	v60 =	vld [tilespmem:s19+$0xC280];
	v13 =	vadd.f32 v13, v22;
	v25 =	vmul.f32 $1.442695020e+00, v54;
	(erf) = vpow2.f32 v24;
	v38 =	vpop (erf)  }
0x1e7: {  	v59 =	vadd.f32 $1.000000000e+00, v58;
	v22 =	vadd.f32 $1.000000000e+00, v62;
	v17, _, _ =	vpop (xrf1);
	(erf) = vrcp.f32 v23  }
0x1e8: {  	v63 =	vld [tilespmem:s19+$0xC300];
	v26 =	vmul.f32 $1.442695020e+00, v57;
	v15, _, _ =	vpop (xrf1);
	(erf) = vpow2.f32 v25  }
0x1e9: {  	v12 =	vsel vm0, $0x0, v42;
	v61 =	vsub.f32 $0.0e+00, v53;
	v21, _, _ =	vpop (xrf1);
	(erf) = vrcp.f32 v59  }
0x1ea: {  	v8 =	vsel vm0, $0x0, v8;
	v37 =	vsub.f32 $0.0e+00, v56;
	v23, _, _ =	vpop (xrf1);
	(erf) = vpow2.f32 v26  }
0x1eb: {  	v33 =	vsub.f32 $0.0e+00, v60;
	v30 =	vmul.f32 $1.442695020e+00, v61;
	(erf) = vrcp.f32 v22;
	v22 =	vpop (erf)  }
0x1ec: {  	v9 =	vsel vm0, $0x0, v9;
	v40 =	vld [tilespmem:s19+$0xC380];
	v39 =	vadd.f32 $1.000000000e+00, v38;
	v36, _, _ =	vpop (xrf1);
	v22 =	vadd.f32 $1.000000000e+00, v22  }
0x1ed: {  	v31 =	vmul.f32 $1.442695020e+00, v37;
	v44 =	vsub.f32 $0.0e+00, v63;
	(erf) = vpow2.f32 v30;
	v41 =	vpop (erf)  }
0x1ee: {  	v43 =	vmul.f32 $1.442695020e+00, v33;
	(xrf1) =	vsort.dscd.msk.f32 $0xffff, v53, v53;
	v1 =	vadd.f32 v41, v1;
	(erf) = vrcp.f32 v39;
	v42 =	vpop (erf)  }
0x1ef: {  	v46 =	vmul.f32 $1.442695020e+00, v44;
	v12 =	vadd.f32 v12, v13;
	(erf) = vpow2.f32 v31;
	v45 =	vpop (erf)  }
0x1f0: {  	v26 =	vadd.f32 $1.000000000e+00, v42;
	v1 =	vadd.f32 v45, v1;
	(erf) = vrcp.f32 v22;
	v22 =	vpop (erf)  }
0x1f1: {  	v47 =	vsub.f32 $0.0e+00, v40;
	v8 =	vadd.f32 v8, v12;
	(erf) = vpow2.f32 v43;
	v48 =	vpop (erf)  }
0x1f2: {  	(erf) = vrcp.f32 v26;
	v49 =	vadd.f32 $1.000000000e+00, v22;
	v22 =	vpop (erf);
	v1 =	vadd.f32 v48, v1  }
0x1f3: {  	v10 =	vsel vm0, $0x0, v10;
	(xrf1) =	vsort.dscd.msk.f32 $0xffff, v56, v56;
	v50 =	vmul.f32 $1.442695020e+00, v47;
	v8 =	vadd.f32 v9, v8;
	v51 =	vpop (erf)  }
0x1f4: {  	(erf) = vpow2.f32 v46;
	v52 =	vadd.f32 $1.000000000e+00, v22;
	v22 =	vpop (erf);
	v1 =	vadd.f32 v51, v1  }
0x1f5: {  	v8 =	vadd.f32 v10, v8;
	v10 =	vsel vm0, $0x0, v11;
	(erf) = vrcp.f32 v49;
	v53 =	vpop (erf)  }
0x1f6: {  	(xrf1) =	vsort.dscd.msk.f32 $0xffff, v60, v60;
	(erf) = vpow2.f32 v50;
	v54 =	vadd.f32 $1.000000000e+00, v22;
	v22 =	vpop (erf);
	v1 =	vadd.f32 v53, v1  }
0x1f7: {  	v8 =	vadd.f32 v10, v8;
	(erf) = vrcp.f32 v52;
	v9 =	vpop (erf)  }
0x1f8: {  	(xrf1) =	vsort.dscd.msk.f32 $0xffff, v63, v63;
	v55 =	vadd.f32 $1.000000000e+00, v22;
	v56 =	vpop (erf);
	v1 =	vadd.f32 v9, v1  }
0x1f9: {  	(xrf1) =	vsort.dscd.msk.f32 $0xffff, v40, v40;
	v10 =	vimm.f32 $-Inf;
	(erf) = vrcp.f32 v54;
	v9 =	vpop (erf);
	v11 =	vadd.f32 $1.000000000e+00, v56  }
0x1fa: {  	v58 =	vmax.f32 v10, v20;
	(erf) = vrcp.f32 v55;
	v57 =	vpop (erf);
	v1 =	vadd.f32 v9, v1  }
0x1fb: {  	v7 =	vsel vm0, $0x0, v7;
	v5 =	vsel vm0, $0x0, v5;
	(xrf1) =	vsort.ascd.msk.f32 $0xffff, v58, v58;
	v9 =	vpop (erf)  }
0x1fc: {  	v62, _, _ =	vpop (xrf1);
	(erf) = vrcp.f32 v11;
	v1 =	vadd.f32 v9, v1;
	v9 =	vmax.f32 v10, v18  }
0x1fd: {  	v60 =	vmax.f32 v10, v16;
	v12 =	vadd.f32 $1.000000000e+00, v57;
	v18 =	vmax.f32 v10, v19;
	v11 =	vpop (erf);
	(xrf1) =	vsort.ascd.msk.f32 $0xffff, v9, v9  }
0x1fe: {  	v0 =	vmax.f32 v10, v0;
	v7 =	vadd.f32 v7, v8;
	v59 =	vpop (erf);
	v11 =	vadd.f32 $1.000000000e+00, v11;
	(xrf1) =	vsort.ascd.msk.f32 $0xffff, v18, v18  }
0x1ff: {  	v14 =	vmax.f32 v10, v14;
	(erf) = vrcp.f32 v12;
	v9 =	vpop (erf);
	v1 =	vadd.f32 v59, v1;
	(xrf1) =	vsort.ascd.msk.f32 $0xffff, v60, v60  }
0x200: {  	v6 =	vsel vm0, $0x0, v6;
	v8 =	vmax.f32 v10, v17;
	v5 =	vadd.f32 v5, v7;
	v61 =	vpop (erf);
	(xrf1) =	vsort.ascd.msk.f32 $0xffff, v14, v14  }
0x201: {  	v9 =	vadd.f32 $1.000000000e+00, v9;
	(erf) = vrcp.f32 v11;
	v1 =	vadd.f32 v61, v1;
	(xrf1) =	vsort.ascd.msk.f32 $0xffff, v0, v0;
	v0, _, _ =	vpop (xrf1)  }
0x202: {  	v7 =	vmax.f32 v10, v21;
	v5 =	vadd.f32 v6, v5;
	v11 =	vpop (erf)  }
0x203: {  	(erf) = vrcp.f32 v9;
	v9 =	vmax.f32 v10, v15;
	(xrf1) =	vsort.ascd.msk.f32 $0xffff, v8, v8;
	v1 =	vadd.f32 v11, v1;
	v8 =	vpop (erf)  }
0x204: {  	v6 =	vmax.f32 v10, v36;
	(xrf1) =	vsort.ascd.msk.f32 $0xffff, v9, v9;
	v11, _, _ =	vpop (xrf1)  }
0x205: {  	s31 =	simm.s32 $0x10;
	v4 =	vsel vm0, $0x0, v4;
	s19 =	simm.s32 $0x80;
	(xrf1) =	vsort.ascd.msk.f32 $0xffff, v7, v7;
	v7 =	vpop (erf);
	v1 =	vadd.f32 v8, v1;
	v8 =	vmax.f32 v10, v23  }
0x206: {  	v2 =	vsel vm0, $0x0, v2;
	s20 =	sand.u32 $0x70, s31;
	s21 =	sand.u32 $0xC00, s19;
	v4 =	vadd.f32 v4, v5;
	v0 =	vmax.f32 v10, v0;
	v63, _, _ =	vpop (xrf1);
	(xrf1) =	vsort.ascd.msk.f32 $0xffff, v8, v8  }
0x207: {  	s21 =	sor.u32 s20, s21;
	v5, _, _ =	vpop (xrf1);
	v1 =	vadd.f32 v7, v1;
	v7 =	vmax.f32 v10, v62;
	(xrf1) =	vsort.ascd.msk.f32 $0xffff, v6, v6  }
0x208: {  	v4 =	vadd.f32 v2, v4;
	v9 =	vld [tilespmem:s21+$0x8000];
	v6 =	vpop (erf);
	(xrf1) =	vsort.ascd.msk.f32 $0xffff, v7, v7  }
0x209: {  	v2, _, _ =	vpop (xrf1);
	v7 =	vld [tilespmem:s21+$0x8080];
	v1 =	vadd.f32 v6, v1;
	v6 =	vmax.f32 v10, v11;
	(xrf1) =	vsort.ascd.msk.f32 $0xffff, v0, v0  }
0x20a: {  	v8 =	vld [tilespmem:s21+$0x8100];
	v0 =	vpop (erf);
	v11 =	vmax.f32 v10, v63;
	(xrf1) =	vsort.ascd.msk.f32 $0xffff, v6, v6  }
0x20b: {  	v20 =	vld [tilespmem:s21+$0x8180];
	v1 =	vadd.f32 v0, v1;
	v0 =	vmax.f32 v10, v5;
	(xrf1) =	vsort.ascd.msk.f32 $0xffff, v11, v11;
	v5 =	vsel vm0, $0x0, v3;
	v3, _, _ =	vpop (xrf1)  }
0x20c: {  	v19 =	vld [tilespmem:s21+$0x8200];
	v6 =	vpop (erf);
	(xrf1) =	vsort.ascd.msk.f32 $0xffff, v0, v0  }
0x20d: {  	s20 =	simm.s32 $0x20;
	v18 =	vld [tilespmem:s21+$0x8280];
	v0 =	vadd.f32 v5, v4;
	v4, _, _ =	vpop (xrf1);
	v1 =	vadd.f32 v6, v1;
	(xrf1) =	vsort.dscd.msk.f32 $0xffff, v9, v9  }
.LBB2_7:
0x20e: {  	p0 =	sne.s32 s20, $0x1F0;
	(xrf1) =	vsort.dscd.msk.f32 $0xffff, v7, v7;
	v17, _, _ =	vpop (xrf1)  }
0x20f: {  	v25 =	vld [tilespmem:s21+$0x8300];
	(xrf1) =	vsort.dscd.msk.f32 $0xffff, v8, v8;
	v16, _, _ =	vpop (xrf1)  }
0x210: {  	(xrf1) =	vsort.dscd.msk.f32 $0xffff, v20, v20;
	v15, _, _ =	vpop (xrf1)  }
0x211: {  	v26 =	vld [tilespmem:s21+$0x8380];
	(xrf1) =	vsort.dscd.msk.f32 $0xffff, v19, v19;
	v14, _, _ =	vpop (xrf1)  }
0x212: {  	(xrf1) =	vsort.dscd.msk.f32 $0xffff, v18, v18;
	v13, _, _ =	vpop (xrf1)  }
0x213: {  	v27 =	vld [tilespmem:s21+$0xC000];
	v12, _, _ =	vpop (xrf1)  }
0x214: {  	v5 =	vsub.f32 $0.0e+00, v9;
	(xrf1) =	vsort.dscd.msk.f32 $0xffff, v25, v25;
	v11, _, _ =	vpop (xrf1)  }
0x215: {  	v28 =	vld [tilespmem:s21+$0xC080];
	v10, _, _ =	vpop (xrf1)  }
0x216: {  	v6 =	vsub.f32 $0.0e+00, v7;
	v22 =	vmul.f32 $1.442695020e+00, v5;
	(xrf1) =	vsort.dscd.msk.f32 $0xffff, v26, v26;
	v9, _, _ =	vpop (xrf1)  }
0x217: {  	v29 =	vld [tilespmem:s21+$0xC100];
	v7, _, _ =	vpop (xrf1)  }
0x218: {  	v21 =	vsub.f32 $0.0e+00, v8;
	v23 =	vmul.f32 $1.442695020e+00, v6;
	(erf) = vpow2.f32 v22;
	(xrf1) =	vsort.dscd.msk.f32 $0xffff, v27, v27;
	v8, _, _ =	vpop (xrf1)  }
0x219: {  	v5, _, _ =	vpop (xrf1)  }
0x21a: {  	v20 =	vsub.f32 $0.0e+00, v20;
	v21 =	vmul.f32 $1.442695020e+00, v21;
	(erf) = vpow2.f32 v23;
	(xrf1) =	vsort.dscd.msk.f32 $0xffff, v28, v28;
	v6, _, _ =	vpop (xrf1)  }
0x21b: {  	v24, _, _ =	vpop (xrf1)  }
0x21c: {  	v31 =	vsub.f32 $0.0e+00, v19;
	v20 =	vmul.f32 $1.442695020e+00, v20;
	v23, _, _ =	vpop (xrf1);
	(erf) = vpow2.f32 v21;
	(xrf1) =	vsort.dscd.msk.f32 $0xffff, v29, v29  }
0x21d: {  	v22, _, _ =	vpop (xrf1)  }
0x21e: {  	v30 =	vmul.f32 $1.442695020e+00, v31;
	v31 =	vsub.f32 $0.0e+00, v18;
	(erf) = vpow2.f32 v20;
	v21, _, _ =	vpop (xrf1)  }
0x21f: {  	v32 =	vsub.f32 $0.0e+00, v25;
	v19, _, _ =	vpop (xrf1)  }
0x220: {  	v33 =	vmul.f32 $1.442695020e+00, v31;
	(erf) = vpow2.f32 v30;
	v18, _, _ =	vpop (xrf1)  }
0x221: {  	v26 =	vsub.f32 $0.0e+00, v26;
	v30 =	vmul.f32 $1.442695020e+00, v32;
	v20 =	vpop (erf)  }
0x222: {  	v34 =	vadd.f32 $1.000000000e+00, v20;
	(erf) = vpow2.f32 v33;
	v20, _, _ =	vpop (xrf1)  }
0x223: {  	v35 =	vmul.f32 $1.442695020e+00, v26;
	v27 =	vsub.f32 $0.0e+00, v27;
	v25 =	vpop (erf);
	(erf) = vpow2.f32 v30  }
0x224: {  	v36 =	vadd.f32 $1.000000000e+00, v25;
	v32 =	vld [tilespmem:s21+$0xC180];
	(erf) = vrcp.f32 v34;
	v25, _, _ =	vpop (xrf1)  }
0x225: {  	v37 =	vmul.f32 $1.442695020e+00, v27;
	v28 =	vsub.f32 $0.0e+00, v28;
	v31 =	vpop (erf);
	(erf) = vpow2.f32 v35  }
0x226: {  	v31 =	vadd.f32 $1.000000000e+00, v31;
	v33 =	vld [tilespmem:s21+$0xC200];
	(erf) = vrcp.f32 v36;
	v26, _, _ =	vpop (xrf1)  }
0x227: {  	v38 =	vmul.f32 $1.442695020e+00, v28;
	v29 =	vsub.f32 $0.0e+00, v29;
	v30 =	vpop (erf);
	(erf) = vpow2.f32 v37  }
0x228: {  	v30 =	vadd.f32 $1.000000000e+00, v30;
	v34 =	vld [tilespmem:s21+$0xC280];
	(erf) = vrcp.f32 v31;
	v27, _, _ =	vpop (xrf1)  }
0x229: {  	v29 =	vmul.f32 $1.442695020e+00, v29;
	v31 =	vsub.f32 $0.0e+00, v32;
	v35 =	vpop (erf);
	(erf) = vpow2.f32 v38  }
0x22a: {  	v38 =	vadd.f32 $1.000000000e+00, v35;
	v36 =	vld [tilespmem:s21+$0xC300];
	(erf) = vrcp.f32 v30;
	v28, _, _ =	vpop (xrf1)  }
0x22b: {  	v30 =	vmul.f32 $1.442695020e+00, v31;
	v31 =	vsub.f32 $0.0e+00, v33;
	v37 =	vpop (erf);
	(erf) = vpow2.f32 v29  }
0x22c: {  	v40 =	vadd.f32 $1.000000000e+00, v37;
	v37 =	vld [tilespmem:s21+$0xC380];
	(erf) = vrcp.f32 v38;
	v35 =	vpop (erf)  }
0x22d: {  	v31 =	vmul.f32 $1.442695020e+00, v31;
	v38 =	vsub.f32 $0.0e+00, v34;
	v39 =	vpop (erf);
	(erf) = vpow2.f32 v30  }
0x22e: {  	v41 =	vadd.f32 $1.000000000e+00, v35;
	v1 =	vadd.f32 v39, v1;
	(erf) = vrcp.f32 v40;
	v29 =	vpop (erf)  }
0x22f: {  	v35 =	vmul.f32 $1.442695020e+00, v38;
	v38 =	vsub.f32 $0.0e+00, v36;
	v39 =	vpop (erf);
	(erf) = vpow2.f32 v31  }
0x230: {  	v40 =	vadd.f32 $1.000000000e+00, v29;
	v1 =	vadd.f32 v39, v1;
	(erf) = vrcp.f32 v41;
	v30 =	vpop (erf)  }
0x231: {  	v31 =	vmul.f32 $1.442695020e+00, v38;
	v38 =	vsub.f32 $0.0e+00, v37;
	v39 =	vpop (erf);
	(erf) = vpow2.f32 v35  }
0x232: {  	v1 =	vadd.f32 v39, v1;
	v39 =	vadd.f32 $1.000000000e+00, v30;
	(erf) = vrcp.f32 v40;
	v29 =	vpop (erf);
	(xrf1) =	vsort.dscd.msk.f32 $0xffff, v32, v32  }
0x233: {  	v32 =	vmul.f32 $1.442695020e+00, v38;
	v35 =	vpop (erf);
	(erf) = vpow2.f32 v31  }
0x234: {  	v1 =	vadd.f32 v35, v1;
	v35 =	vadd.f32 $1.000000000e+00, v29;
	(erf) = vrcp.f32 v39;
	v30 =	vpop (erf);
	(xrf1) =	vsort.dscd.msk.f32 $0xffff, v33, v33  }
0x235: {  	v31 =	vpop (erf);
	(erf) = vpow2.f32 v32  }
0x236: {  	v32 =	vadd.f32 $1.000000000e+00, v30;
	v1 =	vadd.f32 v31, v1;
	(erf) = vrcp.f32 v35;
	v29 =	vpop (erf);
	(xrf1) =	vsort.dscd.msk.f32 $0xffff, v34, v34  }
0x237: {  	v31 =	vpop (erf)  }
0x238: {  	v33 =	vadd.f32 $1.000000000e+00, v29;
	v1 =	vadd.f32 v31, v1;
	(erf) = vrcp.f32 v32;
	v30 =	vpop (erf);
	(xrf1) =	vsort.dscd.msk.f32 $0xffff, v36, v36  }
0x239: {  	v31 =	vpop (erf)  }
0x23a: {  	v30 =	vadd.f32 $1.000000000e+00, v30;
	v1 =	vadd.f32 v31, v1;
	(erf) = vrcp.f32 v33;
	v29 =	vpop (erf);
	(xrf1) =	vsort.dscd.msk.f32 $0xffff, v37, v37  }
0x23b: {  	v29 =	vadd.f32 $1.000000000e+00, v29;
	v31 =	vpop (erf)  }
0x23c: {  	v32 =	vmax.f32 v2, v24;
	v1 =	vadd.f32 v31, v1;
	(erf) = vrcp.f32 v30;
	v24 =	vpop (erf)  }
0x23d: {  	v3 =	vmax.f32 v3, v23;
	v23 =	vadd.f32 $1.000000000e+00, v24;
	(xrf1) =	vsort.ascd.msk.f32 $0xffff, v32, v32;
	v2 =	vpop (erf)  }
0x23e: {  	v22 =	vmax.f32 v4, v22;
	v1 =	vadd.f32 v2, v1;
	(xrf1) =	vsort.ascd.msk.f32 $0xffff, v3, v3;
	(erf) = vrcp.f32 v29;
	v2 =	vpop (erf)  }
0x23f: {  	v17 =	vmax.f32 v17, v21;
	v2 =	vadd.f32 $1.000000000e+00, v2;
	(xrf1) =	vsort.ascd.msk.f32 $0xffff, v22, v22;
	v4 =	vpop (erf)  }
0x240: {  	v16 =	vmax.f32 v16, v19;
	v1 =	vadd.f32 v4, v1;
	(xrf1) =	vsort.ascd.msk.f32 $0xffff, v17, v17;
	v3, _, _ =	vpop (xrf1);
	(erf) = vrcp.f32 v23  }
0x241: {  	v17 =	vmax.f32 v15, v18;
	(xrf1) =	vsort.ascd.msk.f32 $0xffff, v16, v16;
	v15 =	vpop (erf);
	(erf) = vrcp.f32 v2  }
0x242: {  	v14 =	vmax.f32 v14, v20;
	v1 =	vadd.f32 v15, v1;
	(xrf1) =	vsort.ascd.msk.f32 $0xffff, v17, v17;
	v4, _, _ =	vpop (xrf1)  }
0x243: {  	v13 =	vmax.f32 v13, v25;
	(xrf1) =	vsort.ascd.msk.f32 $0xffff, v14, v14;
	v2 =	vpop (erf)  }
0x244: {  	v14 =	vmax.f32 v12, v26;
	v1 =	vadd.f32 v2, v1;
	(xrf1) =	vsort.ascd.msk.f32 $0xffff, v13, v13;
	v2, _, _ =	vpop (xrf1)  }
0x245: {  	s19 =	sadd.s32 $0x80, s19;
	v13 =	vmax.f32 v11, v27;
	(xrf1) =	vsort.ascd.msk.f32 $0xffff, v14, v14;
	v12 =	vpop (erf)  }
0x246: {  	s22 =	sand.u32 $0xC00, s19;
	s21 =	sand.u32 $0x70, s20;
	v14 =	vmax.f32 v10, v28;
	v1 =	vadd.f32 v12, v1;
	(xrf1) =	vsort.ascd.msk.f32 $0xffff, v13, v13;
	v11, _, _ =	vpop (xrf1)  }
0x247: {  	s21 =	sor.u32 s21, s22;
	v12 =	vmax.f32 v9, v3;
	(xrf1) =	vsort.ascd.msk.f32 $0xffff, v14, v14;
	v10 =	vpop (erf)  }
0x248: {  	v13 =	vmax.f32 v7, v4;
	v9 =	vld [tilespmem:s21+$0x8000];
	v1 =	vadd.f32 v10, v1;
	(xrf1) =	vsort.ascd.msk.f32 $0xffff, v12, v12;
	v3, _, _ =	vpop (xrf1)  }
.Ltmp2:
0x249: {  	v10 =	vmax.f32 v8, v2;
	v7 =	vld [tilespmem:s21+$0x8080];
	(xrf1) =	vsort.ascd.msk.f32 $0xffff, v13, v13;
	v4 =	vpop (erf);
	(pc) =	sbr.rel @p0 .LBB2_7-.Ltmp2, $4  }
0x24a: {  	v8 =	vld [tilespmem:s21+$0x8100];
	v1 =	vadd.f32 v4, v1;
	v4 =	vmax.f32 v5, v11;
	(xrf1) =	vsort.ascd.msk.f32 $0xffff, v10, v10;
	v5 =	vpop (erf)  }
0x24b: {  	v6 =	vmax.f32 v6, v3;
	v20 =	vld [tilespmem:s21+$0x8180];
	v2, _, _ =	vpop (xrf1);
	(xrf1) =	vsort.ascd.msk.f32 $0xffff, v4, v4  }
0x24c: {  	v19 =	vld [tilespmem:s21+$0x8200];
	v1 =	vadd.f32 v5, v1;
	v3, _, _ =	vpop (xrf1);
	(xrf1) =	vsort.ascd.msk.f32 $0xffff, v6, v6  }
0x24d: {  	s20 =	sadd.s32 $0x10, s20;
	v18 =	vld [tilespmem:s21+$0x8280];
	(xrf1) =	vsort.dscd.msk.f32 $0xffff, v9, v9;
	v4, _, _ =	vpop (xrf1)  }
0x24e: {  	v5 =	vsub.f32 $0.0e+00, v9;
	_ =	sdelay $0x1  }
0x24f: {  	v17, _, _ =	vpop (xrf1);
	v6 =	vsub.f32 $0.0e+00, v7;
	v5 =	vmul.f32 $1.442695020e+00, v5  }
0x250: {  	v16, _, _ =	vpop (xrf1)  }
0x251: {  	(xrf1) =	vsort.dscd.msk.f32 $0xffff, v7, v7;
	v26 =	vsub.f32 $0.0e+00, v8;
	v15, _, _ =	vpop (xrf1);
	v6 =	vmul.f32 $1.442695020e+00, v6;
	(erf) = vpow2.f32 v5  }
0x252: {  	(xrf1) =	vsort.dscd.msk.f32 $0xffff, v8, v8;
	v14, _, _ =	vpop (xrf1)  }
0x253: {  	v21 =	vld [tilespmem:s21+$0x8300];
	(xrf1) =	vsort.dscd.msk.f32 $0xffff, v20, v20;
	v39 =	vsub.f32 $0.0e+00, v20;
	v26 =	vmul.f32 $1.442695020e+00, v26;
	v13, _, _ =	vpop (xrf1);
	(erf) = vpow2.f32 v6  }
0x254: {  	(xrf1) =	vsort.dscd.msk.f32 $0xffff, v19, v19;
	v19 =	vsub.f32 $0.0e+00, v19;
	v11, _, _ =	vpop (xrf1)  }
0x255: {  	v22 =	vld [tilespmem:s21+$0x8380];
	v20 =	vmul.f32 $1.442695020e+00, v39;
	v12, _, _ =	vpop (xrf1);
	(erf) = vpow2.f32 v26  }
0x256: {  	v19 =	vmul.f32 $1.442695020e+00, v19;
	v10, _, _ =	vpop (xrf1)  }
0x257: {  	v23 =	vld [tilespmem:s21+$0xC000];
	(xrf1) =	vsort.dscd.msk.f32 $0xffff, v18, v18;
	v18 =	vsub.f32 $0.0e+00, v18;
	(erf) = vpow2.f32 v20;
	v9, _, _ =	vpop (xrf1)  }
0x258: {  	v40 =	vsub.f32 $0.0e+00, v21;
	(erf) = vpow2.f32 v19;
	v7, _, _ =	vpop (xrf1)  }
0x259: {  	v24 =	vld [tilespmem:s21+$0xC080];
	v18 =	vmul.f32 $1.442695020e+00, v18;
	v8, _, _ =	vpop (xrf1)  }
0x25a: {  	v41 =	vsub.f32 $0.0e+00, v22;
	v19 =	vmul.f32 $1.442695020e+00, v40;
	v42 =	vpop (erf)  }
0x25b: {  	(xrf1) =	vsort.dscd.msk.f32 $0xffff, v21, v21;
	(erf) = vpow2.f32 v18;
	v5, _, _ =	vpop (xrf1);
	v21 =	vadd.f32 $1.000000000e+00, v42  }
0x25c: {  	v25 =	vld [tilespmem:s21+$0xC100];
	v43 =	vsub.f32 $0.0e+00, v23;
	v18 =	vmul.f32 $1.442695020e+00, v41;
	v44 =	vpop (erf);
	(erf) = vpow2.f32 v19  }
0x25d: {  	v6, _, _ =	vpop (xrf1);
	v19 =	vadd.f32 $1.000000000e+00, v44;
	(erf) = vrcp.f32 v21  }
0x25e: {  	v45 =	vld [tilespmem:s21+$0xC180];
	v46 =	vsub.f32 $0.0e+00, v24;
	v20 =	vmul.f32 $1.442695020e+00, v43;
	v47 =	vpop (erf);
	(erf) = vpow2.f32 v18  }
0x25f: {  	v48 =	vld [tilespmem:s21+$0xC200];
	v27, _, _ =	vpop (xrf1);
	v18 =	vadd.f32 $1.000000000e+00, v47;
	(erf) = vrcp.f32 v19  }
0x260: {  	v50 =	vpop (erf);
	v19 =	vmul.f32 $1.442695020e+00, v46;
	(erf) = vpow2.f32 v20  }
0x261: {  	v36 =	vld [tilespmem:s21+$0xC280];
	v49 =	vsub.f32 $0.0e+00, v25;
	v53 =	vpop (erf);
	(erf) = vrcp.f32 v18  }
0x262: {  	v28, _, _ =	vpop (xrf1);
	v51 =	vadd.f32 $1.000000000e+00, v50;
	(erf) = vpow2.f32 v19;
	v19 =	vadd.f32 $1.000000000e+00, v53  }
0x263: {  	v52 =	vsub.f32 $0.0e+00, v45;
	v29, _, _ =	vpop (xrf1);
	v18 =	vmul.f32 $1.442695020e+00, v49  }
0x264: {  	v38 =	vld [tilespmem:s21+$0xC300];
	v54 =	vsub.f32 $0.0e+00, v48;
	v55 =	vpop (erf);
	(erf) = vrcp.f32 v51  }
0x265: {  	v30, _, _ =	vpop (xrf1);
	v21 =	vmul.f32 $1.442695020e+00, v52;
	(erf) = vpow2.f32 v18;
	v18 =	vadd.f32 $1.000000000e+00, v55  }
0x266: {  	v57 =	vsub.f32 $0.0e+00, v36;
	(erf) = vrcp.f32 v19;
	v19 =	vpop (erf)  }
0x267: {  	v56 =	vmul.f32 $1.442695020e+00, v54;
	v31, _, _ =	vpop (xrf1);
	(erf) = vpow2.f32 v21;
	v19 =	vadd.f32 $1.000000000e+00, v19  }
0x268: {  	v58 =	vpop (erf);
	(erf) = vrcp.f32 v18  }
0x269: {  	v60 =	vsub.f32 $0.0e+00, v38;
	v59 =	vmul.f32 $1.442695020e+00, v57;
	v40 =	vld [tilespmem:s21+$0xC380];
	v18 =	vpop (erf);
	(erf) = vpow2.f32 v56  }
0x26a: {  	v61 =	vpop (erf);
	v18 =	vadd.f32 $1.000000000e+00, v18;
	(erf) = vrcp.f32 v19  }
0x26b: {  	v26 =	vmul.f32 $1.442695020e+00, v60;
	v19 =	vpop (erf);
	(erf) = vpow2.f32 v59  }
0x26c: {  	v62 =	vpop (erf);
	(erf) = vrcp.f32 v18;
	v18 =	vadd.f32 $1.000000000e+00, v19  }
0x26d: {  	v32, _, _ =	vpop (xrf1)  }
0x26e: {  	(xrf1) =	vsort.dscd.msk.f32 $0xffff, v22, v22;
	v41 =	vsub.f32 $0.0e+00, v40;
	v19 =	vpop (erf)  }
0x26f: {  	(erf) = vpow2.f32 v26;
	v26 =	vpop (erf);
	v19 =	vadd.f32 $1.000000000e+00, v19  }
0x270: {  	v63 =	vmul.f32 $1.442695020e+00, v41;
	(erf) = vrcp.f32 v18;
	v18 =	vpop (erf)  }
0x271: {  	(xrf1) =	vsort.dscd.msk.f32 $0xffff, v23, v23;
	v33, _, _ =	vpop (xrf1);
	v18 =	vadd.f32 $1.000000000e+00, v18  }
0x272: {  	(xrf1) =	vsort.dscd.msk.f32 $0xffff, v24, v24;
	(erf) = vpow2.f32 v63;
	v24 =	vpop (erf)  }
0x273: {  	(xrf1) =	vsort.dscd.msk.f32 $0xffff, v25, v25;
	(erf) = vrcp.f32 v19;
	v19 =	vpop (erf)  }
0x274: {  	(xrf1) =	vsort.dscd.msk.f32 $0xffff, v45, v45;
	v23 =	vpop (erf);
	v19 =	vadd.f32 $1.000000000e+00, v19  }
0x275: {  	(xrf1) =	vsort.dscd.msk.f32 $0xffff, v48, v48;
	(erf) = vrcp.f32 v18;
	v18 =	vpop (erf)  }
0x276: {  	(xrf1) =	vsort.dscd.msk.f32 $0xffff, v36, v36;
	v41 =	vpop (erf);
	v18 =	vadd.f32 $1.000000000e+00, v18  }
0x277: {  	(xrf1) =	vsort.dscd.msk.f32 $0xffff, v38, v38;
	v42 =	vpop (erf)  }
0x278: {  	v2 =	vmax.f32 v2, v27;
	v3 =	vmax.f32 v3, v28;
	(xrf1) =	vsort.dscd.msk.f32 $0xffff, v40, v40;
	(erf) = vrcp.f32 v19;
	v19 =	vpop (erf)  }
0x279: {  	(xrf1) =	vsort.ascd.msk.f32 $0xffff, v2, v2;
	v43 =	vpop (erf)  }
0x27a: {  	v4 =	vmax.f32 v4, v29;
	(xrf1) =	vsort.ascd.msk.f32 $0xffff, v3, v3;
	v36 =	vadd.f32 $1.000000000e+00, v42;
	(erf) = vrcp.f32 v18;
	v18 =	vpop (erf)  }
0x27b: {  	v44 =	vmax.f32 v17, v30;
	(xrf1) =	vsort.ascd.msk.f32 $0xffff, v4, v4;
	v4 =	vmax.f32 v16, v31;
	v2 =	vadd.f32 $1.000000000e+00, v43;
	v3 =	vpop (erf)  }
0x27c: {  	v34, _, _ =	vpop (xrf1);
	(xrf1) =	vsort.ascd.msk.f32 $0xffff, v44, v44;
	(erf) = vrcp.f32 v36;
	v3 =	vadd.f32 $1.000000000e+00, v3  }
0x27d: {  	(xrf1) =	vsort.ascd.msk.f32 $0xffff, v4, v4;
	v17 =	vpop (erf);
	(erf) = vrcp.f32 v2;
	v2 =	vmax.f32 v15, v32  }
0x27e: {  	v4 =	vpop (erf);
	(xrf1) =	vsort.ascd.msk.f32 $0xffff, v2, v2;
	(erf) = vrcp.f32 v3;
	v3 =	vmax.f32 v14, v33  }
0x27f: {  	v35, _, _ =	vpop (xrf1);
	v2 =	vmax.f32 v13, v34;
	(xrf1) =	vsort.ascd.msk.f32 $0xffff, v3, v3  }
0x280: {  	v37, _, _ =	vpop (xrf1);
	v11 =	vmax.f32 v11, v35;
	(xrf1) =	vsort.ascd.msk.f32 $0xffff, v2, v2  }
0x281: {  	s19 =	simm.s32 $0x200;
	s20 =	simm.s32 $0x1000;
	v39, _, _ =	vpop (xrf1);
	v12 =	vmax.f32 v12, v37;
	(xrf1) =	vsort.ascd.msk.f32 $0xffff, v11, v11  }
0x282: {  	s19 =	sand.u32 $0x70, s19;
	s20 =	sand.u32 $0x3C00, s20;
	v10 =	vmax.f32 v10, v39;
	v16, _, _ =	vpop (xrf1);
	(xrf1) =	vsort.ascd.msk.f32 $0xffff, v12, v12  }
0x283: {  	s19 =	sor.u32 s19, s20;
	v14, _, _ =	vpop (xrf1);
	v11 =	vmax.f32 v9, v16;
	(xrf1) =	vsort.ascd.msk.f32 $0xffff, v10, v10  }
0x284: {  	v13, _, _ =	vpop (xrf1);
	v7 =	vmax.f32 v7, v14;
	v14 =	vld [tilespmem:s19+$0x8000];
	(xrf1) =	vsort.ascd.msk.f32 $0xffff, v11, v11  }
0x285: {  	v8 =	vmax.f32 v8, v13;
	v13 =	vld [tilespmem:s19+$0x8080];
	v12, _, _ =	vpop (xrf1);
	(xrf1) =	vsort.ascd.msk.f32 $0xffff, v7, v7  }
0x286: {  	v10, _, _ =	vpop (xrf1);
	v5 =	vmax.f32 v5, v12;
	(xrf1) =	vsort.ascd.msk.f32 $0xffff, v8, v8  }
0x287: {  	v6 =	vmax.f32 v6, v10;
	v10, _, _ =	vpop (xrf1);
	v8 =	vld [tilespmem:s19+$0x8100];
	(xrf1) =	vsort.ascd.msk.f32 $0xffff, v5, v5  }
0x288: {  	v12, _, _ =	vpop (xrf1);
	v5 =	vld [tilespmem:s19+$0x8180];
	(xrf1) =	vsort.ascd.msk.f32 $0xffff, v6, v6  }
0x289: {  	v15, _, _ =	vpop (xrf1);
	v6 =	vld [tilespmem:s19+$0x8200];
	(xrf1) =	vsort.dscd.msk.f32 $0xffff, v14, v14  }
0x28a: {  	v16 =	vld [tilespmem:s19+$0x8280];
	v14, _, _ =	vpop (xrf1);
	(xrf1) =	vsort.dscd.msk.f32 $0xffff, v13, v13  }
0x28b: {  	v13, _, _ =	vpop (xrf1)  }
0x28c: {  	v45 =	vld [tilespmem:s19+$0x8300];
	(xrf1) =	vsort.dscd.msk.f32 $0xffff, v8, v8;
	v8, _, _ =	vpop (xrf1)  }
0x28d: {  	v46 =	vld [tilespmem:s19+$0x8380];
	(xrf1) =	vsort.dscd.msk.f32 $0xffff, v5, v5;
	v5, _, _ =	vpop (xrf1)  }
0x28e: {  	v47 =	vld [tilespmem:s19+$0xC000];
	(xrf1) =	vsort.dscd.msk.f32 $0xffff, v6, v6;
	v6, _, _ =	vpop (xrf1)  }
0x28f: {  	v48 =	vld [tilespmem:s19+$0xC080];
	(xrf1) =	vsort.dscd.msk.f32 $0xffff, v16, v16;
	v16, _, _ =	vpop (xrf1)  }
0x290: {  	v49 =	vld [tilespmem:s19+$0xC100];
	v51, _, _ =	vpop (xrf1)  }
0x291: {  	v50 =	vld [tilespmem:s19+$0xC180];
	(xrf1) =	vsort.dscd.msk.f32 $0xffff, v45, v45;
	v53, _, _ =	vpop (xrf1)  }
0x292: {  	v52 =	vld [tilespmem:s19+$0xC200];
	(xrf1) =	vsort.dscd.msk.f32 $0xffff, v46, v46;
	v55, _, _ =	vpop (xrf1)  }
0x293: {  	v54 =	vld [tilespmem:s19+$0xC280];
	v1 =	vadd.f32 v58, v1;
	(xrf1) =	vsort.dscd.msk.f32 $0xffff, v47, v47;
	v57, _, _ =	vpop (xrf1)  }
0x294: {  	v56 =	vld [tilespmem:s19+$0xC300];
	(xrf1) =	vsort.dscd.msk.f32 $0xffff, v48, v48;
	v59, _, _ =	vpop (xrf1)  }
0x295: {  	v58 =	vld [tilespmem:s19+$0xC380];
	v1 =	vadd.f32 v61, v1;
	(xrf1) =	vsort.dscd.msk.f32 $0xffff, v49, v49;
	v60, _, _ =	vpop (xrf1)  }
0x296: {  	(xrf1) =	vsort.dscd.msk.f32 $0xffff, v50, v50;
	v61, _, _ =	vpop (xrf1)  }
0x297: {  	v1 =	vadd.f32 v62, v1;
	(xrf1) =	vsort.dscd.msk.f32 $0xffff, v52, v52;
	v62, _, _ =	vpop (xrf1)  }
0x298: {  	(xrf1) =	vsort.dscd.msk.f32 $0xffff, v54, v54;
	v10 =	vmax.f32 v10, v62;
	v63, _, _ =	vpop (xrf1)  }
0x299: {  	(xrf1) =	vsort.dscd.msk.f32 $0xffff, v56, v56;
	v12 =	vmax.f32 v12, v63  }
0x29a: {  	(xrf1) =	vsort.dscd.msk.f32 $0xffff, v58, v58  }
0x29b: {  	(xrf1) =	vsort.ascd.msk.f32 $0xffff, v10, v10;
	v10, _, _ =	vpop (xrf1)  }
0x29c: {  	(xrf1) =	vsort.ascd.msk.f32 $0xffff, v12, v12;
	v10 =	vmax.f32 v15, v10;
	v12, _, _ =	vpop (xrf1)  }
0x29d: {  	v12 =	vmax.f32 v14, v12;
	_ =	sdelay $0x1  }
0x29e: {  	(xrf1) =	vsort.ascd.msk.f32 $0xffff, v10, v10;
	v10, _, _ =	vpop (xrf1)  }
0x29f: {  	(xrf1) =	vsort.ascd.msk.f32 $0xffff, v12, v12;
	v10 =	vmax.f32 v13, v10;
	v12, _, _ =	vpop (xrf1)  }
0x2a0: {  	v8 =	vmax.f32 v8, v12;
	_ =	sdelay $0x1  }
0x2a1: {  	(xrf1) =	vsort.ascd.msk.f32 $0xffff, v10, v10;
	v10, _, _ =	vpop (xrf1)  }
0x2a2: {  	(xrf1) =	vsort.ascd.msk.f32 $0xffff, v8, v8;
	v5 =	vmax.f32 v5, v10;
	v8, _, _ =	vpop (xrf1)  }
0x2a3: {  	v6 =	vmax.f32 v6, v8;
	_ =	sdelay $0x1  }
0x2a4: {  	v1 =	vadd.f32 v26, v1;
	(xrf1) =	vsort.ascd.msk.f32 $0xffff, v5, v5;
	v5, _, _ =	vpop (xrf1)  }
0x2a5: {  	(xrf1) =	vsort.ascd.msk.f32 $0xffff, v6, v6;
	v5 =	vmax.f32 v16, v5;
	v6, _, _ =	vpop (xrf1)  }
0x2a6: {  	v1 =	vadd.f32 v24, v1;
	v6 =	vmax.f32 v51, v6  }
0x2a7: {  	v3 =	vpop (erf)  }
0x2a8: {  	v1 =	vadd.f32 v23, v1;
	(xrf1) =	vsort.ascd.msk.f32 $0xffff, v5, v5;
	v5, _, _ =	vpop (xrf1)  }
0x2a9: {  	(xrf1) =	vsort.ascd.msk.f32 $0xffff, v6, v6;
	v5 =	vmax.f32 v53, v5;
	v6, _, _ =	vpop (xrf1)  }
0x2aa: {  	v1 =	vadd.f32 v41, v1;
	v2 =	vpop (erf);
	v6 =	vmax.f32 v55, v6  }
0x2ab: {  	v9 =	vpop (erf)  }
0x2ac: {  	s30 =	simm.s32 $0x210;
	v1 =	vadd.f32 v19, v1;
	s19 =	simm.s32 $0x1080;
	(xrf1) =	vsort.ascd.msk.f32 $0xffff, v5, v5;
	v5, _, _ =	vpop (xrf1)  }
0x2ad: {  	s20 =	sand.u32 $0x70, s30;
	s31 =	sand.u32 $0x3C00, s19;
	(xrf1) =	vsort.ascd.msk.f32 $0xffff, v6, v6;
	v5 =	vmax.f32 v57, v5;
	v6, _, _ =	vpop (xrf1)  }
0x2ae: {  	v1 =	vadd.f32 v18, v1;
	v11 =	vpop (erf);
	s21 =	sor.u32 s20, s31;
	v6 =	vmax.f32 v59, v6  }
0x2af: {  	v7 =	vpop (erf);
	v8 =	vld [tilespmem:s21+$0x8000]  }
0x2b0: {  	v1 =	vadd.f32 v17, v1;
	v10 =	vld [tilespmem:s21+$0x8080];
	(xrf1) =	vsort.ascd.msk.f32 $0xffff, v5, v5;
	v5, _, _ =	vpop (xrf1)  }
0x2b1: {  	v15 =	vld [tilespmem:s21+$0x8100];
	(xrf1) =	vsort.ascd.msk.f32 $0xffff, v6, v6;
	v5 =	vmax.f32 v60, v5;
	v6, _, _ =	vpop (xrf1)  }
0x2b2: {  	v1 =	vadd.f32 v4, v1;
	v4 =	vld [tilespmem:s21+$0x8180];
	v6 =	vmax.f32 v61, v6;
	v16, _, _ =	vpop (xrf1);
	(xrf1) =	vsort.ascd.msk.f32 $0xffff, v5, v5  }
0x2b3: {  	v5 =	vld [tilespmem:s21+$0x8200];
	v14, _, _ =	vpop (xrf1);
	(xrf1) =	vsort.ascd.msk.f32 $0xffff, v6, v6  }
0x2b4: {  	v1 =	vadd.f32 v3, v1;
	v3 =	vld [tilespmem:s21+$0x8280];
	(xrf1) =	vsort.dscd.msk.f32 $0xffff, v8, v8;
	v13, _, _ =	vpop (xrf1)  }
0x2b5: {  	v17 =	vld [tilespmem:s21+$0x8300];
	(xrf1) =	vsort.dscd.msk.f32 $0xffff, v10, v10;
	v12, _, _ =	vpop (xrf1)  }
0x2b6: {  	v1 =	vadd.f32 v2, v1;
	v2 =	vld [tilespmem:s21+$0x8380];
	(xrf1) =	vsort.dscd.msk.f32 $0xffff, v15, v15;
	v10, _, _ =	vpop (xrf1)  }
0x2b7: {  	v18 =	vld [tilespmem:s21+$0xC000];
	(xrf1) =	vsort.dscd.msk.f32 $0xffff, v4, v4;
	v8, _, _ =	vpop (xrf1)  }
0x2b8: {  	v1 =	vadd.f32 v9, v1;
	v9 =	vld [tilespmem:s21+$0xC080];
	(xrf1) =	vsort.dscd.msk.f32 $0xffff, v5, v5;
	v6, _, _ =	vpop (xrf1)  }
0x2b9: {  	v15 =	vld [tilespmem:s21+$0xC100];
	(xrf1) =	vsort.dscd.msk.f32 $0xffff, v3, v3;
	v5, _, _ =	vpop (xrf1)  }
0x2ba: {  	v1 =	vadd.f32 v11, v1;
	v11 =	vld [tilespmem:s21+$0xC180];
	(xrf1) =	vsort.dscd.msk.f32 $0xffff, v17, v17;
	v4, _, _ =	vpop (xrf1)  }
0x2bb: {  	v17 =	vld [tilespmem:s21+$0xC200];
	(xrf1) =	vsort.dscd.msk.f32 $0xffff, v2, v2;
	v3, _, _ =	vpop (xrf1)  }
0x2bc: {  	v1 =	vadd.f32 v7, v1;
	s20 =	simm.s32 $0x220;
	v7 =	vld [tilespmem:s21+$0xC280];
	(xrf1) =	vsort.dscd.msk.f32 $0xffff, v18, v18;
	v2, _, _ =	vpop (xrf1)  }
.LBB2_9:
0x2bd: {  	p0 =	sne.s32 s20, $0x7F0;
	v18 =	vld [tilespmem:s21+$0xC300];
	(xrf1) =	vsort.dscd.msk.f32 $0xffff, v9, v9;
	v9, _, _ =	vpop (xrf1)  }
0x2be: {  	v19 =	vld [tilespmem:s21+$0xC380];
	(xrf1) =	vsort.dscd.msk.f32 $0xffff, v15, v15;
	v15, _, _ =	vpop (xrf1)  }
0x2bf: {  	(xrf1) =	vsort.dscd.msk.f32 $0xffff, v11, v11;
	v11, _, _ =	vpop (xrf1)  }
0x2c0: {  	(xrf1) =	vsort.dscd.msk.f32 $0xffff, v17, v17;
	v17, _, _ =	vpop (xrf1)  }
0x2c1: {  	(xrf1) =	vsort.dscd.msk.f32 $0xffff, v7, v7;
	v7, _, _ =	vpop (xrf1)  }
0x2c2: {  	v20, _, _ =	vpop (xrf1);
	(xrf1) =	vsort.dscd.msk.f32 $0xffff, v18, v18  }
0x2c3: {  	v20 =	vmax.f32 v16, v20;
	v18, _, _ =	vpop (xrf1);
	(xrf1) =	vsort.dscd.msk.f32 $0xffff, v19, v19  }
0x2c4: {  	v18 =	vmax.f32 v14, v18;
	(xrf1) =	vsort.ascd.msk.f32 $0xffff, v20, v20;
	v16, _, _ =	vpop (xrf1)  }
0x2c5: {  	v16 =	vmax.f32 v13, v16;
	(xrf1) =	vsort.ascd.msk.f32 $0xffff, v18, v18;
	v14, _, _ =	vpop (xrf1)  }
0x2c6: {  	v14 =	vmax.f32 v12, v14;
	(xrf1) =	vsort.ascd.msk.f32 $0xffff, v16, v16;
	v13, _, _ =	vpop (xrf1)  }
0x2c7: {  	v13 =	vmax.f32 v10, v13;
	(xrf1) =	vsort.ascd.msk.f32 $0xffff, v14, v14;
	v12, _, _ =	vpop (xrf1)  }
0x2c8: {  	v12 =	vmax.f32 v8, v12;
	(xrf1) =	vsort.ascd.msk.f32 $0xffff, v13, v13;
	v10, _, _ =	vpop (xrf1)  }
0x2c9: {  	v10 =	vmax.f32 v6, v10;
	(xrf1) =	vsort.ascd.msk.f32 $0xffff, v12, v12;
	v8, _, _ =	vpop (xrf1)  }
0x2ca: {  	v8 =	vmax.f32 v5, v8;
	(xrf1) =	vsort.ascd.msk.f32 $0xffff, v10, v10;
	v6, _, _ =	vpop (xrf1)  }
0x2cb: {  	v6 =	vmax.f32 v4, v6;
	(xrf1) =	vsort.ascd.msk.f32 $0xffff, v8, v8;
	v5, _, _ =	vpop (xrf1)  }
0x2cc: {  	s19 =	sadd.s32 $0x80, s19;
	v5 =	vmax.f32 v3, v5;
	(xrf1) =	vsort.ascd.msk.f32 $0xffff, v6, v6;
	v4, _, _ =	vpop (xrf1)  }
0x2cd: {  	s21 =	sand.u32 $0x70, s20;
	s22 =	sand.u32 $0x3C00, s19;
	v4 =	vmax.f32 v2, v4;
	(xrf1) =	vsort.ascd.msk.f32 $0xffff, v5, v5;
	v3, _, _ =	vpop (xrf1)  }
0x2ce: {  	s21 =	sor.u32 s21, s22;
	v5 =	vmax.f32 v9, v3;
	(xrf1) =	vsort.ascd.msk.f32 $0xffff, v4, v4;
	v2, _, _ =	vpop (xrf1)  }
0x2cf: {  	v4 =	vld [tilespmem:s21+$0x8000];
	v6 =	vmax.f32 v15, v2;
	(xrf1) =	vsort.ascd.msk.f32 $0xffff, v5, v5;
	v3, _, _ =	vpop (xrf1)  }
0x2d0: {  	v5 =	vld [tilespmem:s21+$0x8080];
	v8 =	vmax.f32 v11, v3;
	(xrf1) =	vsort.ascd.msk.f32 $0xffff, v6, v6;
	v2, _, _ =	vpop (xrf1)  }
0x2d1: {  	v6 =	vld [tilespmem:s21+$0x8100];
	v2 =	vmax.f32 v17, v2;
	(xrf1) =	vsort.ascd.msk.f32 $0xffff, v8, v8;
	v3, _, _ =	vpop (xrf1)  }
0x2d2: {  	v8 =	vld [tilespmem:s21+$0x8180];
	v3 =	vmax.f32 v7, v3;
	v16, _, _ =	vpop (xrf1);
	(xrf1) =	vsort.ascd.msk.f32 $0xffff, v2, v2  }
0x2d3: {  	v2 =	vld [tilespmem:s21+$0x8200];
	v14, _, _ =	vpop (xrf1);
	(xrf1) =	vsort.ascd.msk.f32 $0xffff, v3, v3  }
0x2d4: {  	v3 =	vld [tilespmem:s21+$0x8280];
	(xrf1) =	vsort.dscd.msk.f32 $0xffff, v4, v4;
	v13, _, _ =	vpop (xrf1)  }
0x2d5: {  	v4 =	vld [tilespmem:s21+$0x8300];
	(xrf1) =	vsort.dscd.msk.f32 $0xffff, v5, v5;
	v12, _, _ =	vpop (xrf1)  }
0x2d6: {  	v7 =	vld [tilespmem:s21+$0x8380];
	(xrf1) =	vsort.dscd.msk.f32 $0xffff, v6, v6;
	v10, _, _ =	vpop (xrf1)  }
0x2d7: {  	v18 =	vld [tilespmem:s21+$0xC000];
	(xrf1) =	vsort.dscd.msk.f32 $0xffff, v8, v8;
	v8, _, _ =	vpop (xrf1)  }
.Ltmp3:
0x2d8: {  	v9 =	vld [tilespmem:s21+$0xC080];
	(xrf1) =	vsort.dscd.msk.f32 $0xffff, v2, v2;
	v6, _, _ =	vpop (xrf1);
	(pc) =	sbr.rel @p0 .LBB2_9-.Ltmp3, $4  }
0x2d9: {  	v15 =	vld [tilespmem:s21+$0xC100];
	(xrf1) =	vsort.dscd.msk.f32 $0xffff, v3, v3;
	v5, _, _ =	vpop (xrf1)  }
0x2da: {  	v11 =	vld [tilespmem:s21+$0xC180];
	(xrf1) =	vsort.dscd.msk.f32 $0xffff, v4, v4;
	v4, _, _ =	vpop (xrf1)  }
0x2db: {  	v17 =	vld [tilespmem:s21+$0xC200];
	(xrf1) =	vsort.dscd.msk.f32 $0xffff, v7, v7;
	v3, _, _ =	vpop (xrf1)  }
0x2dc: {  	s20 =	sadd.s32 $0x10, s20;
	v7 =	vld [tilespmem:s21+$0xC280];
	(xrf1) =	vsort.dscd.msk.f32 $0xffff, v18, v18;
	v2, _, _ =	vpop (xrf1)  }
0x2dd: {  	v18 =	vld [tilespmem:s21+$0xC300];
	(xrf1) =	vsort.dscd.msk.f32 $0xffff, v9, v9;
	v19, _, _ =	vpop (xrf1)  }
0x2de: {  	v20 =	vld [tilespmem:s21+$0xC380];
	(xrf1) =	vsort.dscd.msk.f32 $0xffff, v15, v15;
	v52, _, _ =	vpop (xrf1)  }
0x2df: {  	(xrf1) =	vsort.dscd.msk.f32 $0xffff, v11, v11;
	v53, _, _ =	vpop (xrf1)  }
0x2e0: {  	(xrf1) =	vsort.dscd.msk.f32 $0xffff, v17, v17;
	v9, _, _ =	vpop (xrf1)  }
0x2e1: {  	(xrf1) =	vsort.dscd.msk.f32 $0xffff, v7, v7;
	v7, _, _ =	vpop (xrf1)  }
0x2e2: {  	v54, _, _ =	vpop (xrf1);
	(xrf1) =	vsort.dscd.msk.f32 $0xffff, v18, v18  }
0x2e3: {  	v16 =	vmax.f32 v16, v54;
	v55, _, _ =	vpop (xrf1);
	(xrf1) =	vsort.dscd.msk.f32 $0xffff, v20, v20  }
0x2e4: {  	(xrf1) =	vsort.ascd.msk.f32 $0xffff, v16, v16;
	v56, _, _ =	vpop (xrf1)  }
0x2e5: {  	v57, _, _ =	vpop (xrf1)  }
0x2e6: {  	v58, _, _ =	vpop (xrf1)  }
0x2e7: {  	v21, _, _ =	vpop (xrf1)  }
0x2e8: {  	v22, _, _ =	vpop (xrf1)  }
0x2e9: {  	v23, _, _ =	vpop (xrf1)  }
0x2ea: {  	v24, _, _ =	vpop (xrf1)  }
0x2eb: {  	v25, _, _ =	vpop (xrf1)  }
0x2ec: {  	v26, _, _ =	vpop (xrf1)  }
0x2ed: {  	v27, _, _ =	vpop (xrf1)  }
0x2ee: {  	v28, _, _ =	vpop (xrf1)  }
0x2ef: {  	v29, _, _ =	vpop (xrf1)  }
0x2f0: {  	v14 =	vmax.f32 v14, v55;
	v59, _, _ =	vpop (xrf1)  }
0x2f1: {  	(xrf1) =	vsort.ascd.msk.f32 $0xffff, v14, v14;
	v60, _, _ =	vpop (xrf1)  }
0x2f2: {  	v30, _, _ =	vpop (xrf1)  }
0x2f3: {  	v30 =	vsub.f32 $0.0e+00, v30;
	_ =	sdelay $0x1  }
0x2f4: {  	v30 =	vmul.f32 $1.442695020e+00, v30;
	_ =	sdelay $0x1  }
0x2f5: {  	(erf) = vpow2.f32 v30;
	_ =	sdelay $0x4  }
0x2f6: {  	v13 =	vmax.f32 v13, v56  }
0x2f7: {  	(xrf1) =	vsort.ascd.msk.f32 $0xffff, v13, v13;
	_ =	sdelay $0x1  }
0x2f8: {  	v61, _, _ =	vpop (xrf1)  }
0x2f9: {  	v13 =	vsub.f32 $0.0e+00, v61;
	v62 =	vpop (erf)  }
0x2fa: {  	v16 =	vadd.f32 $1.000000000e+00, v62  }
0x2fb: {  	v13 =	vmul.f32 $1.442695020e+00, v13  }
0x2fc: {  	(erf) = vrcp.f32 v16  }
0x2fd: {  	(erf) = vpow2.f32 v13;
	_ =	sdelay $0x4  }
0x2fe: {  	v12 =	vmax.f32 v12, v57  }
0x2ff: {  	(xrf1) =	vsort.ascd.msk.f32 $0xffff, v12, v12  }
0x300: {  	v63, _, _ =	vpop (xrf1)  }
0x301: {  	v30 =	vpop (erf)  }
0x302: {  	v12 =	vsub.f32 $0.0e+00, v63;
	v31 =	vpop (erf)  }
0x303: {  	v16 =	vadd.f32 $1.000000000e+00, v31  }
0x304: {  	v12 =	vmul.f32 $1.442695020e+00, v12  }
0x305: {  	(erf) = vrcp.f32 v16  }
0x306: {  	(erf) = vpow2.f32 v12;
	_ =	sdelay $0x4  }
0x307: {  	v10 =	vmax.f32 v10, v58  }
0x308: {  	(xrf1) =	vsort.ascd.msk.f32 $0xffff, v10, v10  }
0x309: {  	v32, _, _ =	vpop (xrf1)  }
0x30a: {  	v33 =	vpop (erf)  }
0x30b: {  	v10 =	vsub.f32 $0.0e+00, v32;
	v34 =	vpop (erf)  }
0x30c: {  	v16 =	vadd.f32 $1.000000000e+00, v34  }
0x30d: {  	v10 =	vmul.f32 $1.442695020e+00, v10  }
0x30e: {  	(erf) = vrcp.f32 v16  }
0x30f: {  	(erf) = vpow2.f32 v10;
	_ =	sdelay $0x4  }
0x310: {  	v8 =	vmax.f32 v8, v21  }
0x311: {  	(xrf1) =	vsort.ascd.msk.f32 $0xffff, v8, v8  }
0x312: {  	v35, _, _ =	vpop (xrf1)  }
0x313: {  	v36 =	vpop (erf)  }
0x314: {  	v8 =	vsub.f32 $0.0e+00, v35;
	v37 =	vpop (erf)  }
0x315: {  	v16 =	vadd.f32 $1.000000000e+00, v37  }
0x316: {  	v8 =	vmul.f32 $1.442695020e+00, v8  }
0x317: {  	(erf) = vrcp.f32 v16  }
0x318: {  	(erf) = vpow2.f32 v8;
	_ =	sdelay $0x4  }
0x319: {  	v6 =	vmax.f32 v6, v22  }
0x31a: {  	(xrf1) =	vsort.ascd.msk.f32 $0xffff, v6, v6  }
0x31b: {  	v38, _, _ =	vpop (xrf1)  }
0x31c: {  	v39 =	vpop (erf)  }
0x31d: {  	v6 =	vsub.f32 $0.0e+00, v38;
	v40 =	vpop (erf)  }
0x31e: {  	v16 =	vadd.f32 $1.000000000e+00, v40  }
0x31f: {  	v6 =	vmul.f32 $1.442695020e+00, v6  }
0x320: {  	(erf) = vrcp.f32 v16  }
0x321: {  	(erf) = vpow2.f32 v6;
	_ =	sdelay $0x4  }
0x322: {  	v5 =	vmax.f32 v5, v23  }
0x323: {  	(xrf1) =	vsort.ascd.msk.f32 $0xffff, v5, v5  }
0x324: {  	v41, _, _ =	vpop (xrf1)  }
0x325: {  	v42 =	vpop (erf)  }
0x326: {  	v5 =	vsub.f32 $0.0e+00, v41;
	v43 =	vpop (erf)  }
0x327: {  	v16 =	vadd.f32 $1.000000000e+00, v43  }
0x328: {  	v5 =	vmul.f32 $1.442695020e+00, v5  }
0x329: {  	(erf) = vrcp.f32 v16  }
0x32a: {  	(erf) = vpow2.f32 v5;
	_ =	sdelay $0x4  }
0x32b: {  	v4 =	vmax.f32 v4, v24  }
0x32c: {  	(xrf1) =	vsort.ascd.msk.f32 $0xffff, v4, v4  }
0x32d: {  	v44, _, _ =	vpop (xrf1)  }
0x32e: {  	v45 =	vpop (erf)  }
0x32f: {  	v4 =	vsub.f32 $0.0e+00, v44;
	v46 =	vpop (erf)  }
0x330: {  	v16 =	vadd.f32 $1.000000000e+00, v46  }
0x331: {  	v4 =	vmul.f32 $1.442695020e+00, v4  }
0x332: {  	(erf) = vrcp.f32 v16  }
0x333: {  	(erf) = vpow2.f32 v4;
	_ =	sdelay $0x3  }
0x334: {  	v3 =	vmax.f32 v3, v25;
	_ =	sdelay $0x1  }
0x335: {  	(xrf1) =	vsort.ascd.msk.f32 $0xffff, v3, v3  }
0x336: {  	v3, _, _ =	vpop (xrf1)  }
0x337: {  	v47 =	vpop (erf)  }
0x338: {  	v3 =	vsub.f32 $0.0e+00, v3;
	v48 =	vpop (erf)  }
0x339: {  	v16 =	vadd.f32 $1.000000000e+00, v48  }
0x33a: {  	v3 =	vmul.f32 $1.442695020e+00, v3  }
0x33b: {  	(erf) = vrcp.f32 v16  }
0x33c: {  	(erf) = vpow2.f32 v3;
	_ =	sdelay $0x3  }
0x33d: {  	v2 =	vmax.f32 v2, v26;
	_ =	sdelay $0x1  }
0x33e: {  	(xrf1) =	vsort.ascd.msk.f32 $0xffff, v2, v2  }
0x33f: {  	v2, _, _ =	vpop (xrf1)  }
0x340: {  	v3 =	vpop (erf)  }
0x341: {  	v2 =	vsub.f32 $0.0e+00, v2;
	v49 =	vpop (erf)  }
0x342: {  	v16 =	vadd.f32 $1.000000000e+00, v49  }
0x343: {  	v2 =	vmul.f32 $1.442695020e+00, v2  }
0x344: {  	(erf) = vrcp.f32 v16  }
0x345: {  	(erf) = vpow2.f32 v2;
	_ =	sdelay $0x3  }
0x346: {  	v2 =	vmax.f32 v19, v27;
	_ =	sdelay $0x1  }
0x347: {  	(xrf1) =	vsort.ascd.msk.f32 $0xffff, v2, v2  }
0x348: {  	v2, _, _ =	vpop (xrf1)  }
0x349: {  	v16 =	vpop (erf)  }
0x34a: {  	v2 =	vsub.f32 $0.0e+00, v2;
	v50 =	vpop (erf)  }
0x34b: {  	v18 =	vadd.f32 $1.000000000e+00, v50  }
0x34c: {  	v2 =	vmul.f32 $1.442695020e+00, v2  }
0x34d: {  	(erf) = vrcp.f32 v18  }
0x34e: {  	(erf) = vpow2.f32 v2;
	_ =	sdelay $0x3  }
0x34f: {  	v2 =	vmax.f32 v52, v28;
	_ =	sdelay $0x1  }
0x350: {  	(xrf1) =	vsort.ascd.msk.f32 $0xffff, v2, v2  }
0x351: {  	v2, _, _ =	vpop (xrf1)  }
0x352: {  	v51 =	vpop (erf)  }
0x353: {  	v2 =	vsub.f32 $0.0e+00, v2;
	v52 =	vpop (erf)  }
0x354: {  	v18 =	vadd.f32 $1.000000000e+00, v52  }
0x355: {  	v2 =	vmul.f32 $1.442695020e+00, v2  }
0x356: {  	(erf) = vrcp.f32 v18  }
0x357: {  	(erf) = vpow2.f32 v2;
	_ =	sdelay $0x3  }
0x358: {  	v2 =	vmax.f32 v53, v29;
	_ =	sdelay $0x1  }
0x359: {  	(xrf1) =	vsort.ascd.msk.f32 $0xffff, v2, v2  }
0x35a: {  	v2, _, _ =	vpop (xrf1)  }
0x35b: {  	v53 =	vpop (erf)  }
0x35c: {  	v2 =	vsub.f32 $0.0e+00, v2;
	v54 =	vpop (erf)  }
0x35d: {  	v18 =	vadd.f32 $1.000000000e+00, v54  }
0x35e: {  	v2 =	vmul.f32 $1.442695020e+00, v2  }
0x35f: {  	(erf) = vrcp.f32 v18  }
0x360: {  	(erf) = vpow2.f32 v2;
	_ =	sdelay $0x3  }
0x361: {  	v2 =	vmax.f32 v9, v59;
	_ =	sdelay $0x1  }
0x362: {  	(xrf1) =	vsort.ascd.msk.f32 $0xffff, v2, v2  }
0x363: {  	v2, _, _ =	vpop (xrf1)  }
0x364: {  	v55 =	vpop (erf)  }
0x365: {  	v2 =	vsub.f32 $0.0e+00, v2;
	v56 =	vpop (erf)  }
0x366: {  	v17 =	vadd.f32 $1.000000000e+00, v56  }
0x367: {  	v2 =	vmul.f32 $1.442695020e+00, v2  }
0x368: {  	(erf) = vrcp.f32 v17  }
0x369: {  	(erf) = vpow2.f32 v2;
	_ =	sdelay $0x3  }
0x36a: {  	v2 =	vmax.f32 v7, v60;
	_ =	sdelay $0x1  }
0x36b: {  	(xrf1) =	vsort.ascd.msk.f32 $0xffff, v2, v2  }
0x36c: {  	v2, _, _ =	vpop (xrf1)  }
0x36d: {  	v57 =	vpop (erf)  }
0x36e: {  	v2 =	vsub.f32 $0.0e+00, v2;
	v58 =	vpop (erf)  }
0x36f: {  	v14 =	vadd.f32 $1.000000000e+00, v58  }
0x370: {  	v2 =	vmul.f32 $1.442695020e+00, v2  }
0x371: {  	(erf) = vrcp.f32 v14  }
0x372: {  	(erf) = vpow2.f32 v2;
	_ =	sdelay $0x3  }
0x373: {  	v2 =	vsel vm0, $0x0, v30;
	_ =	sdelay $0x1  }
0x374: {  	v0 =	vadd.f32 v2, v0  }
0x375: {  	v12 =	vsel vm0, $0x0, v33;
	v2, _, _ =	vpop (xrf1)  }
0x376: {  	v0 =	vadd.f32 v12, v0;
	v59 =	vpop (erf)  }
0x377: {  	v10 =	vsel vm0, $0x0, v36;
	v2 =	vsub.f32 $0.0e+00, v2;
	v60 =	vpop (erf)  }
0x378: {  	v0 =	vadd.f32 v10, v0;
	v61 =	vadd.f32 $1.000000000e+00, v60  }
0x379: {  	v8 =	vsel vm0, $0x0, v39;
	v2 =	vmul.f32 $1.442695020e+00, v2  }
0x37a: {  	v0 =	vadd.f32 v8, v0;
	(erf) = vrcp.f32 v61  }
0x37b: {  	v6 =	vsel vm0, $0x0, v42;
	(erf) = vpow2.f32 v2  }
0x37c: {  	v0 =	vadd.f32 v6, v0  }
0x37d: {  	v2 =	vsel vm0, $0x0, v45  }
0x37e: {  	v0 =	vadd.f32 v2, v0  }
0x37f: {  	v2 =	vsel vm0, $0x0, v47  }
0x380: {  	v0 =	vadd.f32 v2, v0;
	v2 =	vsel vm0, $0x0, v3  }
0x381: {  	v3 =	vsel vm0, $0x0, v16  }
0x382: {  	v0 =	vadd.f32 v2, v0  }
0x383: {  	v2 =	vpop (erf)  }
0x384: {  	v0 =	vadd.f32 v3, v0;
	v3 =	vpop (erf)  }
0x385: {  	v62 =	vsel vm0, $0x0, v51;
	v3 =	vadd.f32 $1.000000000e+00, v3  }
0x386: {  	v0 =	vadd.f32 v62, v0  }
0x387: {  	v63 =	vsel vm0, $0x0, v53;
	(erf) = vrcp.f32 v3  }
0x388: {  	v0 =	vadd.f32 v63, v0  }
0x389: {  	v3 =	vsel vm0, $0x0, v55  }
0x38a: {  	v0 =	vadd.f32 v3, v0  }
0x38b: {  	v3 =	vsel vm0, $0x0, v57  }
0x38c: {  	s18 =	sadd.s32 $0x1, s18;
	v0 =	vadd.f32 v3, v0  }
0x38d: {  	p0 =	sne.s32 s18, $0x4;
	v2 =	vsel vm0, $0x0, v2;
	v3 =	vsel vm0, $0x0, v59  }
.Ltmp4:
0x38e: {  	v0 =	vadd.f32 v3, v0;
	(pc) =	sbr.rel @p0 .LBB2_2-.Ltmp4, $4  }
0x38f: {  	_ = 	snop  }
0x390: {  	v0 =	vadd.f32 v2, v0;
	v2 =	vpop (erf)  }
0x391: {  	v2 =	vsel vm0, $0x0, v2  }
0x392: {  	v0 =	vadd.f32 v2, v0  }
0x393: {  	[tilespmem:$0x10] =	vst v1  }
0x394: {  	[tilespmem:$0x0] =	vst v0  }
0x395: {  	[hbm4b:s7+s13] =	stream.strided.scatter [tilespmem:s2], [sflag:$0x3], $0x0, s14, s13, $0x38;
	[tilespmem:$0x10000] =	vst v63  }
0x396: {  	_ = 	snop  }
0x397: {  	[hbm4b:s7+s2] =	stream.linear.scatter [tilespmem:s2], [sflag:$0x3], $0x10, $0x38;
	[tilespmem:$0x10000] =	vst v63  }
0x398: {  	_ =	swait.ge [sflag:s15], $0x10  }
0x399: {  	s17 =	sadd.s32 $0x1, s17;
	[sflag:s15] =	ssyncset.done $0x0  }
0x39a: {  	p0 =	sne.s32 s17, s9;
	[sflag:s15] =	ssyncadd.s32 $0xFFFFFFF0  }
0x39b: {  	[hbm4b:s8+s13] =	stream.strided.scatter [tilespmem:s16], [sflag:$0x3], $0x0, s14, s13, $0x38;
	[tilespmem:$0x10000] =	vst v63  }
.Ltmp5:
0x39c: {  	_ = 	snop;
	(pc) =	sbr.rel @p0 .LBB2_1-.Ltmp5, $4  }
0x39d: {  	[hbm4b:s8+s2] =	stream.linear.scatter [tilespmem:s16], [sflag:$0x3], $0x10, $0x38;
	[tilespmem:$0x10000] =	vst v63  }
0x39e: {  	_ =	swait.ge [sflag:s15], $0x10  }
0x39f: {  	[sflag:s15] =	ssyncset.done $0x0  }
0x3a0: {  	[sflag:s15] =	ssyncadd.s32 $0xFFFFFFF0  }
0x3a1: {  	_ =	sfence.sel $0x180000  }
0x3a2: {  	[bflag:$0x0] =	sbarrier.arrive $0xFFFF  }
0x3a3: {  	p0 =	sne.s32 s1, $0x0;
	_ =	strace $0x90000047  }
0x3a4: {  	s0 =	sadd.s32 @!p0 $0x100000, s0;
	[bflag:$0x2] =	sbarrier.arrive $0xFFFF  }
0x3a5: {  	[sflag:s0] =	ssyncadd.tile.s32 @!p0 $0x1;
	_ =	shalt  }
.Lfunc_end2:
_tile_overlayer_lowered:
.L_overlay_start_2:
0x3a6: {  	(tag) =	ssettag $0x2  }
0x3a7: {  	s0 =	rddreg [dreg:$0x0];
	s2 =	stileid.u32  }
0x3a8: {  	s1 =	rddreg [dreg:$0x1];
	p0 =	sne.s32 s2, $0x0  }
0x3a9: {  	s3 =	rddreg [dreg:$0x2];
	[bflag:$0x3] =	sbarrier.arrive $0xFFFF;
	s2 =	simm.s32 @!p0 $0x1C03  }
0x3aa: {  	[timem:s3], [sflag:s2] =	dma.local @!p0 [hbm:s0], s1  }
0x3ab: {  	s0 =	simm.s32 @!p0 $0x3  }
0x3ac: {  	_ =	swait.ge @!p0 [sflag:s0], s1  }
0x3ad: {  	s1 =	ssub.s32 @!p0 $0x0, s1;
	[sflag:s0] =	ssyncset.done @!p0 $0x0  }
0x3ae: {  	[sflag:s0] =	ssyncadd.s32 @!p0 s1  }
0x3af: {  	[bflag:$0x3] =	sbarrier.arrive $0xFFFF  }
0x3b0: {  	_ =	shalt  }

</sc_bundles>
